<compile_context>
chip_gen: v7x
topology: tpu7x:2x2x1
jax: 0.10.2.dev20260603
libtpu: 0.0.44.dev20260713+nightly
codegen_flags: <defaults>
</compile_context>

<pallas_src>
import jax
import jax.numpy as jnp
from jax import lax
from jax.experimental import pallas as pl
from jax.experimental.pallas import tpu as pltpu
from jax.experimental.pallas import tpu_sc as plsc

D = 768
H = 12
HD = 64
HID = 576
NE = 23
TOPK = 3
NEP = 128
T = 2048
RB = 256
QB = 512
GB = 384
MAXBLKS = 39
MAXROWS = MAXBLKS * GB
NA = T * TOPK
NEG = -1e30

NC, NS = 2, 16
NW = NC * NS
PROWS = NA // NW
PCH = 96
PNCH = PROWS // PCH


def _ln(x, g, b, eps=1e-5):
    mu = jnp.mean(x, -1, keepdims=True)
    xc = x - mu
    var = jnp.mean(xc * xc, -1, keepdims=True)
    return xc * lax.rsqrt(var + eps) * g + b


def _gelu(x):
    return 0.5 * x * (1.0 + lax.erf(x * (2.0 ** -0.5)))


def _ln_qkv_kernel(x_ref, g_ref, b_ref, w_ref, o_ref):
    xa = _ln(x_ref[...], g_ref[...], b_ref[...]).astype(jnp.bfloat16)
    o_ref[...] = jnp.dot(xa, w_ref[...],
                         preferred_element_type=jnp.float32).astype(jnp.bfloat16)


def _attn_kernel(q_ref, kv_ref, o_ref):
    for h in range(H):
        q = q_ref[:, h * HD:(h + 1) * HD]
        k = kv_ref[:, D + h * HD:D + (h + 1) * HD]
        v = kv_ref[:, 2 * D + h * HD:2 * D + (h + 1) * HD]
        s = lax.dot_general(q, k, (((1,), (1,)), ((), ())),
                            preferred_element_type=jnp.float32) * (HD ** -0.5)
        m = jnp.max(s, -1, keepdims=True)
        e = jnp.exp(s - m)
        p = (e / jnp.sum(e, -1, keepdims=True)).astype(jnp.bfloat16)
        o_ref[:, h * HD:(h + 1) * HD] = jnp.dot(
            p, v, preferred_element_type=jnp.float32).astype(jnp.bfloat16)


def _proj_gate_kernel(ao_ref, x_ref, pw_ref, pb_ref, g2_ref, b2_ref,
                      gw_ref, gb_ref, x1_ref, xm_ref, gate_ref):
    x1 = (x_ref[...]
          + jnp.dot(ao_ref[...], pw_ref[...], preferred_element_type=jnp.float32)
          + pb_ref[...])
    x1_ref[...] = x1
    xm = _ln(x1, g2_ref[...], b2_ref[...])
    xm_ref[...] = xm
    logits = jnp.dot(xm, gw_ref[...], preferred_element_type=jnp.float32) + gb_ref[...]
    gate_ref[...] = jax.nn.sigmoid(logits)


def _router_kernel(gate_ref, bias_ref, idx_ref, w_ref, rank_ref, cnt_ref,
                   p_ref, run_ref):
    g = gate_ref[...]
    lane = lax.broadcasted_iota(jnp.int32, g.shape, 1)
    s = g + bias_ref[...]
    idxs, ws = [], []
    for _ in range(TOPK):
        m = jnp.max(s, -1, keepdims=True)
        hit = s == m
        idx = jnp.min(jnp.where(hit, lane, NEP), -1, keepdims=True)
        w = jnp.sum(jnp.where(lane == idx, g, 0.0), -1, keepdims=True)
        s = jnp.where(lane == idx, NEG, s)
        idxs.append(idx)
        ws.append(w)
    wsum = ws[0] + ws[1] + ws[2]
    idx_ref[...] = jnp.where(lane == 0, idxs[0],
                   jnp.where(lane == 1, idxs[1],
                   jnp.where(lane == 2, idxs[2], 0)))
    w_ref[...] = jnp.where(lane == 0, ws[0],
                 jnp.where(lane == 1, ws[1],
                 jnp.where(lane == 2, ws[2], 0.0))) / wsum

    @pl.when(pl.program_id(0) == 0)
    def _():
        run_ref[...] = jnp.zeros_like(run_ref)

    oh3 = ((lane == idxs[0]) | (lane == idxs[1]) | (lane == idxs[2]))
    oh3 = oh3.astype(jnp.bfloat16)
    r = lax.broadcasted_iota(jnp.int32, (RB, RB), 0)
    c = lax.broadcasted_iota(jnp.int32, (RB, RB), 1)
    ltri = (c < r).astype(jnp.bfloat16)
    cum = jnp.dot(ltri, oh3, preferred_element_type=jnp.float32)
    tot = cum + run_ref[...]
    ranks = [jnp.sum(jnp.where(lane == idxs[k], tot, 0.0), -1, keepdims=True)
             for k in range(TOPK)]
    rank_ref[...] = jnp.where(lane == 0, ranks[0],
                    jnp.where(lane == 1, ranks[1],
                    jnp.where(lane == 2, ranks[2], 0.0)))

    blockcnt = jnp.sum(oh3.astype(jnp.float32), 0, keepdims=True)
    run_ref[...] = run_ref[...] + blockcnt
    cnt_ref[0] = blockcnt
    gn = g / jnp.sum(g, -1, keepdims=True)
    p_ref[0] = jnp.sum(gn, 0, keepdims=True)


def _dest_kernel(idx_ref, rank_ref, po_ref, dga_ref):
    idxv = idx_ref[...]
    rankv = rank_ref[...]
    po = po_ref[...]
    lane = lax.broadcasted_iota(jnp.int32, idxv.shape, 1)
    dests = []
    for k in range(TOPK):
        ek = jnp.sum(jnp.where(lane == k, idxv, 0), -1, keepdims=True)
        rk = jnp.sum(jnp.where(lane == k, rankv, 0.0), -1, keepdims=True)
        pk = jnp.sum(jnp.where(lane == ek, po, 0.0), -1, keepdims=True)
        dests.append((pk + rk).astype(jnp.int32))
    dga_ref[...] = jnp.concatenate(dests, axis=1)


def _gmm_kernel(be_ref, xd_ref, w1_ref, b1_ref, w2_ref, b2_ref, o_ref):
    xb = xd_ref[...].astype(jnp.bfloat16)
    h = jnp.dot(xb, w1_ref[0], preferred_element_type=jnp.float32) + b1_ref[0]
    h = _gelu(h).astype(jnp.bfloat16)
    o_ref[...] = jnp.dot(h, w2_ref[0], preferred_element_type=jnp.float32) + b2_ref[0]


def _shared_kernel(xm_ref, x1_ref, w1_ref, b1_ref, w2_ref, b2_ref, o_ref):
    xb = xm_ref[...].astype(jnp.bfloat16)
    h = jnp.dot(xb, w1_ref[...], preferred_element_type=jnp.float32) + b1_ref[...]
    h = _gelu(h).astype(jnp.bfloat16)
    o_ref[...] = (x1_ref[...]
                  + jnp.dot(h, w2_ref[...], preferred_element_type=jnp.float32)
                  + b2_ref[...])


def _dispatch_body(xm_hbm, tok_hbm, dga_hbm, xd_hbm, idx_v, dst_v, rows_v, sem):
    c = lax.axis_index("c")
    s = lax.axis_index("s")
    base = (c * NS + s) * PROWS
    for j in range(PNCH):
        off = base + j * PCH
        pltpu.sync_copy(tok_hbm.at[pl.ds(off, PCH)], idx_v)
        pltpu.async_copy(xm_hbm.at[idx_v], rows_v, sem).wait()
        pltpu.sync_copy(dga_hbm.at[pl.ds(off, PCH)], dst_v)
        pltpu.async_copy(rows_v, xd_hbm.at[dst_v], sem).wait()


def _permute_body(eout_hbm, dga_hbm, ep_hbm, idx_v, rows_v, sem):
    c = lax.axis_index("c")
    s = lax.axis_index("s")
    base = (c * NS + s) * PROWS
    for j in range(PNCH):
        off = base + j * PCH
        pltpu.sync_copy(dga_hbm.at[pl.ds(off, PCH)], idx_v)
        pltpu.async_copy(eout_hbm.at[idx_v], rows_v, sem).wait()
        pltpu.sync_copy(rows_v, ep_hbm.at[pl.ds(off, PCH)])


def _comb_kernel(ep_ref, part_ref, w_ref, o_ref):
    e3 = ep_ref[...].reshape(RB, TOPK, D)
    w = w_ref[...]
    o_ref[...] = (part_ref[...]
                  + w[:, 0:1] * e3[:, 0]
                  + w[:, 1:2] * e3[:, 1]
                  + w[:, 2:3] * e3[:, 2])


def kernel(x, norm1_g, norm1_b, qkv_w, proj_w, proj_b, norm2_g, norm2_b,
           gate_w, gate_b, e1_w, e1_b, e2_w, e2_b, s1_w, s1_b, s2_w, s2_b,
           moe_bias):
    B, N, C = x.shape
    x2 = x.reshape(T, D)
    f32 = jnp.float32
    bf16 = jnp.bfloat16

    qkv = pl.pallas_call(
        _ln_qkv_kernel,
        grid=(T // RB,),
        in_specs=[
            pl.BlockSpec((RB, D), lambda i: (i, 0)),
            pl.BlockSpec((1, D), lambda i: (0, 0)),
            pl.BlockSpec((1, D), lambda i: (0, 0)),
            pl.BlockSpec((D, 3 * D), lambda i: (0, 0)),
        ],
        out_specs=pl.BlockSpec((RB, 3 * D), lambda i: (i, 0)),
        out_shape=jax.ShapeDtypeStruct((T, 3 * D), bf16),
    )(x2, norm1_g.reshape(1, D), norm1_b.reshape(1, D), qkv_w.T.astype(bf16))

    ao = pl.pallas_call(
        _attn_kernel,
        grid=(T // QB,),
        in_specs=[
            pl.BlockSpec((QB, 3 * D), lambda i: (i, 0)),
            pl.BlockSpec((T, 3 * D), lambda i: (0, 0)),
        ],
        out_specs=pl.BlockSpec((QB, D), lambda i: (i, 0)),
        out_shape=jax.ShapeDtypeStruct((T, D), bf16),
    )(qkv, qkv)

    gw = jnp.zeros((D, NEP), f32).at[:, :NE].set(gate_w.T)
    gb = jnp.full((1, NEP), NEG, f32).at[0, :NE].set(gate_b)
    x1, xm, gate = pl.pallas_call(
        _proj_gate_kernel,
        grid=(T // RB,),
        in_specs=[
            pl.BlockSpec((RB, D), lambda i: (i, 0)),
            pl.BlockSpec((RB, D), lambda i: (i, 0)),
            pl.BlockSpec((D, D), lambda i: (0, 0)),
            pl.BlockSpec((1, D), lambda i: (0, 0)),
            pl.BlockSpec((1, D), lambda i: (0, 0)),
            pl.BlockSpec((1, D), lambda i: (0, 0)),
            pl.BlockSpec((D, NEP), lambda i: (0, 0)),
            pl.BlockSpec((1, NEP), lambda i: (0, 0)),
        ],
        out_specs=[
            pl.BlockSpec((RB, D), lambda i: (i, 0)),
            pl.BlockSpec((RB, D), lambda i: (i, 0)),
            pl.BlockSpec((RB, NEP), lambda i: (i, 0)),
        ],
        out_shape=[
            jax.ShapeDtypeStruct((T, D), f32),
            jax.ShapeDtypeStruct((T, D), f32),
            jax.ShapeDtypeStruct((T, NEP), f32),
        ],
    )(ao, x2, proj_w.T.astype(bf16), proj_b.reshape(1, D), norm2_g.reshape(1, D),
      norm2_b.reshape(1, D), gw, gb)

    mb = jnp.full((1, NEP), NEG, f32).at[0, :NE].set(moe_bias)
    idx_o, w_o, rank_o, cnt_p, p_p = pl.pallas_call(
        _router_kernel,
        grid=(T // RB,),
        in_specs=[
            pl.BlockSpec((RB, NEP), lambda i: (i, 0)),
            pl.BlockSpec((1, NEP), lambda i: (0, 0)),
        ],
        out_specs=[
            pl.BlockSpec((RB, NEP), lambda i: (i, 0)),
            pl.BlockSpec((RB, NEP), lambda i: (i, 0)),
            pl.BlockSpec((RB, NEP), lambda i: (i, 0)),
            pl.BlockSpec((1, 1, NEP), lambda i: (i, 0, 0)),
            pl.BlockSpec((1, 1, NEP), lambda i: (i, 0, 0)),
        ],
        out_shape=[
            jax.ShapeDtypeStruct((T, NEP), jnp.int32),
            jax.ShapeDtypeStruct((T, NEP), f32),
            jax.ShapeDtypeStruct((T, NEP), f32),
            jax.ShapeDtypeStruct((T // RB, 1, NEP), f32),
            jax.ShapeDtypeStruct((T // RB, 1, NEP), f32),
        ],
        scratch_shapes=[pltpu.VMEM((1, NEP), f32)],
    )(gate, mb)

    counts = cnt_p[:, 0, :NE].sum(0).astype(jnp.int32)

    padc = ((counts + GB - 1) // GB) * GB
    incl = jnp.cumsum(padc)
    pad_off = jnp.concatenate([jnp.zeros((1,), jnp.int32), incl[:-1]])
    po128 = jnp.zeros((1, NEP), f32).at[0, :NE].set(pad_off.astype(f32))
    blk_start = jnp.arange(MAXBLKS, dtype=jnp.int32) * GB
    block_expert = jnp.minimum(
        jnp.searchsorted(incl, blk_start, side='right').astype(jnp.int32), NE - 1)

    dga = pl.pallas_call(
        _dest_kernel,
        grid=(T // RB,),
        in_specs=[
            pl.BlockSpec((RB, NEP), lambda i: (i, 0)),
            pl.BlockSpec((RB, NEP), lambda i: (i, 0)),
            pl.BlockSpec((1, NEP), lambda i: (0, 0)),
        ],
        out_specs=pl.BlockSpec((RB, TOPK), lambda i: (i, 0)),
        out_shape=jax.ShapeDtypeStruct((T, TOPK), jnp.int32),
    )(idx_o, rank_o, po128)

    dga_flat = dga.reshape(NA)
    tok3 = jnp.repeat(jnp.arange(T, dtype=jnp.int32), TOPK)

    mesh = plsc.VectorSubcoreMesh(core_axis_name="c", subcore_axis_name="s")

    xd = pl.kernel(
        _dispatch_body,
        out_type=jax.ShapeDtypeStruct((MAXROWS, D), f32),
        mesh=mesh,
        scratch_types=[
            pltpu.VMEM((PCH,), jnp.int32),
            pltpu.VMEM((PCH,), jnp.int32),
            pltpu.VMEM((PCH, D), f32),
            pltpu.SemaphoreType.DMA,
        ],
    )(xm, tok3, dga_flat)

    eout = pl.pallas_call(
        _gmm_kernel,
        grid_spec=pltpu.PrefetchScalarGridSpec(
            num_scalar_prefetch=1,
            grid=(MAXBLKS,),
            in_specs=[
                pl.BlockSpec((GB, D), lambda i, be: (i, 0)),
                pl.BlockSpec((1, D, HID), lambda i, be: (be[i], 0, 0)),
                pl.BlockSpec((1, 1, HID), lambda i, be: (be[i], 0, 0)),
                pl.BlockSpec((1, HID, D), lambda i, be: (be[i], 0, 0)),
                pl.BlockSpec((1, 1, D), lambda i, be: (be[i], 0, 0)),
            ],
            out_specs=pl.BlockSpec((GB, D), lambda i, be: (i, 0)),
        ),
        out_shape=jax.ShapeDtypeStruct((MAXROWS, D), f32),
    )(block_expert, xd, e1_w.transpose(0, 2, 1).astype(bf16),
      e1_b.reshape(NE, 1, HID), e2_w.transpose(0, 2, 1).astype(bf16),
      e2_b.reshape(NE, 1, D))

    part = pl.pallas_call(
        _shared_kernel,
        grid=(T // RB,),
        in_specs=[
            pl.BlockSpec((RB, D), lambda i: (i, 0)),
            pl.BlockSpec((RB, D), lambda i: (i, 0)),
            pl.BlockSpec((D, HID), lambda i: (0, 0)),
            pl.BlockSpec((1, HID), lambda i: (0, 0)),
            pl.BlockSpec((HID, D), lambda i: (0, 0)),
            pl.BlockSpec((1, D), lambda i: (0, 0)),
        ],
        out_specs=pl.BlockSpec((RB, D), lambda i: (i, 0)),
        out_shape=jax.ShapeDtypeStruct((T, D), f32),
    )(xm, x1, s1_w.T.astype(bf16), s1_b.reshape(1, HID),
      s2_w.T.astype(bf16), s2_b.reshape(1, D))

    eperm = pl.kernel(
        _permute_body,
        out_type=jax.ShapeDtypeStruct((NA, D), f32),
        mesh=mesh,
        scratch_types=[
            pltpu.VMEM((PCH,), jnp.int32),
            pltpu.VMEM((PCH, D), f32),
            pltpu.SemaphoreType.DMA,
        ],
    )(eout, dga_flat)

    out = pl.pallas_call(
        _comb_kernel,
        grid=(T // RB,),
        in_specs=[
            pl.BlockSpec((RB * TOPK, D), lambda i: (i, 0)),
            pl.BlockSpec((RB, D), lambda i: (i, 0)),
            pl.BlockSpec((RB, NEP), lambda i: (i, 0)),
        ],
        out_specs=pl.BlockSpec((RB, D), lambda i: (i, 0)),
        out_shape=jax.ShapeDtypeStruct((T, D), f32),
    )(eperm, part, w_o)

    P = p_p[:, 0, :NE].sum(0) / T
    Fv = float(NE) * counts.astype(f32) / (float(TOPK) * T)
    aux_loss = jnp.sum(P * Fv)
    return (out.reshape(B, N, C), aux_loss, counts)

# --- scband reference (transcript-rebuilt; emitter-appended) ---
"""Pipeline reference for scband-moeblock-84920093376645 (READ-ONLY COPY).

The authoritative reference and input builder live on the scoring server;
editing this copy changes nothing except your own understanding.
"""

import jax, jax.numpy as jnp
import numpy as np

D = 768
H = 12
HID = 576
NE = 23
TOPK = 3


def layernorm(x, g, b, eps=1e-5):
    mu = x.mean(axis=-1, keepdims=True)
    var = ((x - mu) ** 2).mean(axis=-1, keepdims=True)
    return (x - mu) / jnp.sqrt(var + eps) * g + b


def setup_inputs(seed: int = 0):
    key = jax.random.key(seed)
    ks = jax.random.split(key, 16)
    B, N = 1, 2048
    s = 0.02
    return {
        'x': jax.random.normal(ks[0], (B, N, D), jnp.float32),
        'norm1_g': jnp.ones((D,), jnp.float32),
        'norm1_b': jnp.zeros((D,), jnp.float32),
        'qkv_w': s * jax.random.normal(ks[1], (3 * D, D), jnp.float32),
        'proj_w': s * jax.random.normal(ks[2], (D, D), jnp.float32),
        'proj_b': jnp.zeros((D,), jnp.float32),
        'norm2_g': jnp.ones((D,), jnp.float32),
        'norm2_b': jnp.zeros((D,), jnp.float32),
        'gate_w': s * jax.random.normal(ks[3], (NE, D), jnp.float32),
        'gate_b': jnp.zeros((NE,), jnp.float32),
        'e1_w': s * jax.random.normal(ks[4], (NE, HID, D), jnp.float32),
        'e1_b': jnp.zeros((NE, HID), jnp.float32),
        'e2_w': s * jax.random.normal(ks[5], (NE, D, HID), jnp.float32),
        'e2_b': jnp.zeros((NE, D), jnp.float32),
        's1_w': s * jax.random.normal(ks[6], (HID, D), jnp.float32),
        's1_b': jnp.zeros((HID,), jnp.float32),
        's2_w': s * jax.random.normal(ks[7], (D, HID), jnp.float32),
        's2_b': jnp.zeros((D,), jnp.float32),
        'moe_bias': jnp.zeros((NE,), jnp.float32),
    }


def reference(x, norm1_g, norm1_b, qkv_w, proj_w, proj_b, norm2_g, norm2_b,
              gate_w, gate_b, e1_w, e1_b, e2_w, e2_b, s1_w, s1_b, s2_w, s2_b,
              moe_bias):
    B, N, C = x.shape
    hd = C // H
    scale = hd ** (-0.5)
    # Attention branch
    xa = layernorm(x, norm1_g, norm1_b)
    qkv = xa @ qkv_w.T
    qkv = qkv.reshape(B, N, 3, H, hd).transpose(2, 0, 3, 1, 4)
    q, k, v = qkv[0], qkv[1], qkv[2]
    attn = jax.nn.softmax(jnp.matmul(q, k.transpose(0, 1, 3, 2)) * scale, axis=-1)
    ao = jnp.matmul(attn, v).transpose(0, 2, 1, 3).reshape(B, N, C)
    ao = ao @ proj_w.T + proj_b
    x = x + ao
    # MoE MLP branch
    xm = layernorm(x, norm2_g, norm2_b)
    x2 = xm.reshape(-1, C)
    T = x2.shape[0]
    gate = jax.nn.sigmoid(x2 @ gate_w.T + gate_b)
    _, top_idx = jax.lax.top_k(gate + moe_bias, TOPK)
    top_w = jnp.take_along_axis(gate, top_idx, axis=-1)
    top_w = top_w / top_w.sum(axis=-1, keepdims=True)
    expert_num = jnp.bincount(top_idx.reshape(-1), length=NE)
    combine = jnp.zeros((T, NE), x2.dtype).at[jnp.arange(T)[:, None], top_idx].add(top_w)
    hdn = jax.nn.gelu(jnp.einsum('td,ehd->teh', x2, e1_w) + e1_b, approximate=False)
    eout = jnp.einsum('teh,edh->ted', hdn, e2_w) + e2_b
    shared = jax.nn.gelu(x2 @ s1_w.T + s1_b, approximate=False) @ s2_w.T + s2_b
    y = shared + jnp.einsum('ted,te->td', eout, combine)
    gn = gate / gate.sum(axis=-1, keepdims=True)
    P = gn.mean(axis=0)
    Fv = float(NE) * expert_num.astype(jnp.float32) / (float(TOPK) * T)
    aux_loss = (P * Fv).sum()
    out = x + y.reshape(B, N, C)
    return (out, aux_loss, expert_num)

if __name__ == "__main__":
    import jax
    _d = setup_inputs()
    print(jax.jit(kernel)(*tuple(_d.values())))

</pallas_src>

<mosaic_0001>
#map = affine_map<(d0, d1) -> (0, 0)>
#map1 = affine_map<(d0, d1) -> (0)>
module attributes {stable_mosaic.version = 14 : i64} {
  func.func @_dispatch_body(%arg0: i32, %arg1: i32, %arg2: memref<2048x768xf32, #tpu.memory_space<hbm>>, %arg3: memref<6144xi32, #tpu.memory_space<hbm>>, %arg4: memref<6144xi32, #tpu.memory_space<hbm>>, %arg5: memref<14976x768xf32, #tpu.memory_space<hbm>>, %arg6: memref<96xi32, #tpu.memory_space<vmem>>, %arg7: memref<96xi32, #tpu.memory_space<vmem>>, %arg8: memref<96x768xf32, #tpu.memory_space<vmem>>, %arg9: memref<!tpu.dma_semaphore, #tpu.memory_space<semaphore_mem>>) attributes {dimension_semantics = [#tpu.dimension_semantics<core_parallel>, #tpu.dimension_semantics<subcore_parallel>], iteration_bounds = array<i64: 2, 16>, scalar_prefetch = 0 : i64, scratch_operands = 4 : i64, tpu.core_type = #tpu.core_type<sc_vector_subcore>, window_params = [{transform_indices = #map}, {transform_indices = #map1}, {transform_indices = #map1}, {transform_indices = #map}]} {
    %mul3A = arith.constant 16 : i32
    %mul3A_0 = arith.muli %arg0, %mul3A : i32
    %add3A = arith.addi %mul3A_0, %arg1 : i32
    %mul3A_1 = arith.constant 192 : i32
    %mul3A_2 = arith.muli %add3A, %mul3A_1 : i32
    %add3A_3 = arith.constant 0 : i32
    %add3A_4 = arith.addi %mul3A_2, %add3A_3 : i32
    "tpu.region"() ({
      %run_scoped3A = tpu.sem_alloc : memref<!tpu.dma_semaphore, #tpu.memory_space<semaphore_mem>>
      %dma_start3A_29 = tpu.memref_slice %arg3[%add3A_4] : memref<6144xi32, #tpu.memory_space<hbm>> -> memref<96xi32, #tpu.memory_space<hbm>>
      %dma_start3A_30 = tpu.memref_slice %arg3[%add3A_4] : memref<6144xi32, #tpu.memory_space<hbm>> -> memref<96xi32, #tpu.memory_space<hbm>>
      tpu.enqueue_dma source(%dma_start3A_30 : memref<96xi32, #tpu.memory_space<hbm>>) target(%arg6 : memref<96xi32, #tpu.memory_space<vmem>>) target_semaphore(%run_scoped3A : memref<!tpu.dma_semaphore, #tpu.memory_space<semaphore_mem>>)
      %dma_wait3A_31 = tpu.memref_slice %arg3[%add3A_4] : memref<6144xi32, #tpu.memory_space<hbm>> -> memref<96xi32, #tpu.memory_space<hbm>>
      %dma_wait3A_32 = tpu.memref_slice %arg3[%add3A_4] : memref<6144xi32, #tpu.memory_space<hbm>> -> memref<96xi32, #tpu.memory_space<hbm>>
      tpu.wait_dma2 semaphore(%run_scoped3A : memref<!tpu.dma_semaphore, #tpu.memory_space<semaphore_mem>>) src(%dma_wait3A_32 : memref<96xi32, #tpu.memory_space<hbm>>) dst(%arg6 : memref<96xi32, #tpu.memory_space<vmem>>)
      tpu.yield
    }) : () -> ()
    %dma_start3A = arith.constant 0 : i32
    %dma_start3A_5 = arith.constant 0 : i32
    %dma_start3A_6 = tpu.memref_slice %arg2[%dma_start3A, %dma_start3A_5] : memref<2048x768xf32, #tpu.memory_space<hbm>> -> memref<2048x768xf32, #tpu.memory_space<hbm>>
    tpu.enqueue_indirect_dma source(%dma_start3A_6 : memref<2048x768xf32, #tpu.memory_space<hbm>>) target(%arg8 : memref<96x768xf32, #tpu.memory_space<vmem>>) offsets(%arg6 : memref<96xi32, #tpu.memory_space<vmem>>) semaphore(%arg9 : memref<!tpu.dma_semaphore, #tpu.memory_space<semaphore_mem>>)
    %dma_wait3A = arith.constant 0 : i32
    %dma_wait3A_7 = arith.constant 0 : i32
    %dma_wait3A_8 = tpu.memref_slice %arg2[%dma_wait3A, %dma_wait3A_7] : memref<2048x768xf32, #tpu.memory_space<hbm>> -> memref<2048x768xf32, #tpu.memory_space<hbm>>
    tpu.wait_indirect_dma semaphore(%arg9 : memref<!tpu.dma_semaphore, #tpu.memory_space<semaphore_mem>>) src(%dma_wait3A_8 : memref<2048x768xf32, #tpu.memory_space<hbm>>) dst(%arg8 : memref<96x768xf32, #tpu.memory_space<vmem>>)
    "tpu.region"() ({
      %run_scoped3A = tpu.sem_alloc : memref<!tpu.dma_semaphore, #tpu.memory_space<semaphore_mem>>
      %dma_start3A_29 = tpu.memref_slice %arg4[%add3A_4] : memref<6144xi32, #tpu.memory_space<hbm>> -> memref<96xi32, #tpu.memory_space<hbm>>
      %dma_start3A_30 = tpu.memref_slice %arg4[%add3A_4] : memref<6144xi32, #tpu.memory_space<hbm>> -> memref<96xi32, #tpu.memory_space<hbm>>
      tpu.enqueue_dma source(%dma_start3A_30 : memref<96xi32, #tpu.memory_space<hbm>>) target(%arg7 : memref<96xi32, #tpu.memory_space<vmem>>) target_semaphore(%run_scoped3A : memref<!tpu.dma_semaphore, #tpu.memory_space<semaphore_mem>>)
      %dma_wait3A_31 = tpu.memref_slice %arg4[%add3A_4] : memref<6144xi32, #tpu.memory_space<hbm>> -> memref<96xi32, #tpu.memory_space<hbm>>
      %dma_wait3A_32 = tpu.memref_slice %arg4[%add3A_4] : memref<6144xi32, #tpu.memory_space<hbm>> -> memref<96xi32, #tpu.memory_space<hbm>>
      tpu.wait_dma2 semaphore(%run_scoped3A : memref<!tpu.dma_semaphore, #tpu.memory_space<semaphore_mem>>) src(%dma_wait3A_32 : memref<96xi32, #tpu.memory_space<hbm>>) dst(%arg7 : memref<96xi32, #tpu.memory_space<vmem>>)
      tpu.yield
    }) : () -> ()
    %dma_start3A_9 = arith.constant 0 : i32
    %dma_start3A_10 = arith.constant 0 : i32
    %dma_start3A_11 = tpu.memref_slice %arg5[%dma_start3A_9, %dma_start3A_10] : memref<14976x768xf32, #tpu.memory_space<hbm>> -> memref<14976x768xf32, #tpu.memory_space<hbm>>
    tpu.enqueue_indirect_dma source(%arg8 : memref<96x768xf32, #tpu.memory_space<vmem>>) target(%dma_start3A_11 : memref<14976x768xf32, #tpu.memory_space<hbm>>) offsets(%arg7 : memref<96xi32, #tpu.memory_space<vmem>>) semaphore(%arg9 : memref<!tpu.dma_semaphore, #tpu.memory_space<semaphore_mem>>)
    %dma_wait3A_12 = arith.constant 0 : i32
    %dma_wait3A_13 = arith.constant 0 : i32
    %dma_wait3A_14 = tpu.memref_slice %arg5[%dma_wait3A_12, %dma_wait3A_13] : memref<14976x768xf32, #tpu.memory_space<hbm>> -> memref<14976x768xf32, #tpu.memory_space<hbm>>
    tpu.wait_indirect_dma semaphore(%arg9 : memref<!tpu.dma_semaphore, #tpu.memory_space<semaphore_mem>>) src(%arg8 : memref<96x768xf32, #tpu.memory_space<vmem>>) dst(%dma_wait3A_14 : memref<14976x768xf32, #tpu.memory_space<hbm>>)
    %add3A_15 = arith.constant 96 : i32
    %add3A_16 = arith.addi %mul3A_2, %add3A_15 : i32
    "tpu.region"() ({
      %run_scoped3A = tpu.sem_alloc : memref<!tpu.dma_semaphore, #tpu.memory_space<semaphore_mem>>
      %dma_start3A_29 = tpu.memref_slice %arg3[%add3A_16] : memref<6144xi32, #tpu.memory_space<hbm>> -> memref<96xi32, #tpu.memory_space<hbm>>
      %dma_start3A_30 = tpu.memref_slice %arg3[%add3A_16] : memref<6144xi32, #tpu.memory_space<hbm>> -> memref<96xi32, #tpu.memory_space<hbm>>
      tpu.enqueue_dma source(%dma_start3A_30 : memref<96xi32, #tpu.memory_space<hbm>>) target(%arg6 : memref<96xi32, #tpu.memory_space<vmem>>) target_semaphore(%run_scoped3A : memref<!tpu.dma_semaphore, #tpu.memory_space<semaphore_mem>>)
      %dma_wait3A_31 = tpu.memref_slice %arg3[%add3A_16] : memref<6144xi32, #tpu.memory_space<hbm>> -> memref<96xi32, #tpu.memory_space<hbm>>
      %dma_wait3A_32 = tpu.memref_slice %arg3[%add3A_16] : memref<6144xi32, #tpu.memory_space<hbm>> -> memref<96xi32, #tpu.memory_space<hbm>>
      tpu.wait_dma2 semaphore(%run_scoped3A : memref<!tpu.dma_semaphore, #tpu.memory_space<semaphore_mem>>) src(%dma_wait3A_32 : memref<96xi32, #tpu.memory_space<hbm>>) dst(%arg6 : memref<96xi32, #tpu.memory_space<vmem>>)
      tpu.yield
    }) : () -> ()
    %dma_start3A_17 = arith.constant 0 : i32
    %dma_start3A_18 = arith.constant 0 : i32
    %dma_start3A_19 = tpu.memref_slice %arg2[%dma_start3A_17, %dma_start3A_18] : memref<2048x768xf32, #tpu.memory_space<hbm>> -> memref<2048x768xf32, #tpu.memory_space<hbm>>
    tpu.enqueue_indirect_dma source(%dma_start3A_19 : memref<2048x768xf32, #tpu.memory_space<hbm>>) target(%arg8 : memref<96x768xf32, #tpu.memory_space<vmem>>) offsets(%arg6 : memref<96xi32, #tpu.memory_space<vmem>>) semaphore(%arg9 : memref<!tpu.dma_semaphore, #tpu.memory_space<semaphore_mem>>)
    %dma_wait3A_20 = arith.constant 0 : i32
    %dma_wait3A_21 = arith.constant 0 : i32
    %dma_wait3A_22 = tpu.memref_slice %arg2[%dma_wait3A_20, %dma_wait3A_21] : memref<2048x768xf32, #tpu.memory_space<hbm>> -> memref<2048x768xf32, #tpu.memory_space<hbm>>
    tpu.wait_indirect_dma semaphore(%arg9 : memref<!tpu.dma_semaphore, #tpu.memory_space<semaphore_mem>>) src(%dma_wait3A_22 : memref<2048x768xf32, #tpu.memory_space<hbm>>) dst(%arg8 : memref<96x768xf32, #tpu.memory_space<vmem>>)
    "tpu.region"() ({
      %run_scoped3A = tpu.sem_alloc : memref<!tpu.dma_semaphore, #tpu.memory_space<semaphore_mem>>
      %dma_start3A_29 = tpu.memref_slice %arg4[%add3A_16] : memref<6144xi32, #tpu.memory_space<hbm>> -> memref<96xi32, #tpu.memory_space<hbm>>
      %dma_start3A_30 = tpu.memref_slice %arg4[%add3A_16] : memref<6144xi32, #tpu.memory_space<hbm>> -> memref<96xi32, #tpu.memory_space<hbm>>
      tpu.enqueue_dma source(%dma_start3A_30 : memref<96xi32, #tpu.memory_space<hbm>>) target(%arg7 : memref<96xi32, #tpu.memory_space<vmem>>) target_semaphore(%run_scoped3A : memref<!tpu.dma_semaphore, #tpu.memory_space<semaphore_mem>>)
      %dma_wait3A_31 = tpu.memref_slice %arg4[%add3A_16] : memref<6144xi32, #tpu.memory_space<hbm>> -> memref<96xi32, #tpu.memory_space<hbm>>
      %dma_wait3A_32 = tpu.memref_slice %arg4[%add3A_16] : memref<6144xi32, #tpu.memory_space<hbm>> -> memref<96xi32, #tpu.memory_space<hbm>>
      tpu.wait_dma2 semaphore(%run_scoped3A : memref<!tpu.dma_semaphore, #tpu.memory_space<semaphore_mem>>) src(%dma_wait3A_32 : memref<96xi32, #tpu.memory_space<hbm>>) dst(%arg7 : memref<96xi32, #tpu.memory_space<vmem>>)
      tpu.yield
    }) : () -> ()
    %dma_start3A_23 = arith.constant 0 : i32
    %dma_start3A_24 = arith.constant 0 : i32
    %dma_start3A_25 = tpu.memref_slice %arg5[%dma_start3A_23, %dma_start3A_24] : memref<14976x768xf32, #tpu.memory_space<hbm>> -> memref<14976x768xf32, #tpu.memory_space<hbm>>
    tpu.enqueue_indirect_dma source(%arg8 : memref<96x768xf32, #tpu.memory_space<vmem>>) target(%dma_start3A_25 : memref<14976x768xf32, #tpu.memory_space<hbm>>) offsets(%arg7 : memref<96xi32, #tpu.memory_space<vmem>>) semaphore(%arg9 : memref<!tpu.dma_semaphore, #tpu.memory_space<semaphore_mem>>)
    %dma_wait3A_26 = arith.constant 0 : i32
    %dma_wait3A_27 = arith.constant 0 : i32
    %dma_wait3A_28 = tpu.memref_slice %arg5[%dma_wait3A_26, %dma_wait3A_27] : memref<14976x768xf32, #tpu.memory_space<hbm>> -> memref<14976x768xf32, #tpu.memory_space<hbm>>
    tpu.wait_indirect_dma semaphore(%arg9 : memref<!tpu.dma_semaphore, #tpu.memory_space<semaphore_mem>>) src(%arg8 : memref<96x768xf32, #tpu.memory_space<vmem>>) dst(%dma_wait3A_28 : memref<14976x768xf32, #tpu.memory_space<hbm>>)
    return
  }
}

#map = affine_map<(d0, d1) -> (0, 0)>
#map1 = affine_map<(d0, d1) -> (0)>
module attributes {stable_mosaic.version = 14 : i64} {
  func.func @_permute_body(%arg0: i32, %arg1: i32, %arg2: memref<14976x768xf32, #tpu.memory_space<hbm>>, %arg3: memref<6144xi32, #tpu.memory_space<hbm>>, %arg4: memref<6144x768xf32, #tpu.memory_space<hbm>>, %arg5: memref<96xi32, #tpu.memory_space<vmem>>, %arg6: memref<96x768xf32, #tpu.memory_space<vmem>>, %arg7: memref<!tpu.dma_semaphore, #tpu.memory_space<semaphore_mem>>) attributes {dimension_semantics = [#tpu.dimension_semantics<core_parallel>, #tpu.dimension_semantics<subcore_parallel>], iteration_bounds = array<i64: 2, 16>, scalar_prefetch = 0 : i64, scratch_operands = 3 : i64, tpu.core_type = #tpu.core_type<sc_vector_subcore>, window_params = [{transform_indices = #map}, {transform_indices = #map1}, {transform_indices = #map}]} {
    %mul3A = arith.constant 16 : i32
    %mul3A_0 = arith.muli %arg0, %mul3A : i32
    %add3A = arith.addi %mul3A_0, %arg1 : i32
    %mul3A_1 = arith.constant 192 : i32
    %mul3A_2 = arith.muli %add3A, %mul3A_1 : i32
    %add3A_3 = arith.constant 0 : i32
    %add3A_4 = arith.addi %mul3A_2, %add3A_3 : i32
    "tpu.region"() ({
      %run_scoped3A = tpu.sem_alloc : memref<!tpu.dma_semaphore, #tpu.memory_space<semaphore_mem>>
      %dma_start3A_17 = tpu.memref_slice %arg3[%add3A_4] : memref<6144xi32, #tpu.memory_space<hbm>> -> memref<96xi32, #tpu.memory_space<hbm>>
      %dma_start3A_18 = tpu.memref_slice %arg3[%add3A_4] : memref<6144xi32, #tpu.memory_space<hbm>> -> memref<96xi32, #tpu.memory_space<hbm>>
      tpu.enqueue_dma source(%dma_start3A_18 : memref<96xi32, #tpu.memory_space<hbm>>) target(%arg5 : memref<96xi32, #tpu.memory_space<vmem>>) target_semaphore(%run_scoped3A : memref<!tpu.dma_semaphore, #tpu.memory_space<semaphore_mem>>)
      %dma_wait3A_19 = tpu.memref_slice %arg3[%add3A_4] : memref<6144xi32, #tpu.memory_space<hbm>> -> memref<96xi32, #tpu.memory_space<hbm>>
      %dma_wait3A_20 = tpu.memref_slice %arg3[%add3A_4] : memref<6144xi32, #tpu.memory_space<hbm>> -> memref<96xi32, #tpu.memory_space<hbm>>
      tpu.wait_dma2 semaphore(%run_scoped3A : memref<!tpu.dma_semaphore, #tpu.memory_space<semaphore_mem>>) src(%dma_wait3A_20 : memref<96xi32, #tpu.memory_space<hbm>>) dst(%arg5 : memref<96xi32, #tpu.memory_space<vmem>>)
      tpu.yield
    }) : () -> ()
    %dma_start3A = arith.constant 0 : i32
    %dma_start3A_5 = arith.constant 0 : i32
    %dma_start3A_6 = tpu.memref_slice %arg2[%dma_start3A, %dma_start3A_5] : memref<14976x768xf32, #tpu.memory_space<hbm>> -> memref<14976x768xf32, #tpu.memory_space<hbm>>
    tpu.enqueue_indirect_dma source(%dma_start3A_6 : memref<14976x768xf32, #tpu.memory_space<hbm>>) target(%arg6 : memref<96x768xf32, #tpu.memory_space<vmem>>) offsets(%arg5 : memref<96xi32, #tpu.memory_space<vmem>>) semaphore(%arg7 : memref<!tpu.dma_semaphore, #tpu.memory_space<semaphore_mem>>)
    %dma_wait3A = arith.constant 0 : i32
    %dma_wait3A_7 = arith.constant 0 : i32
    %dma_wait3A_8 = tpu.memref_slice %arg2[%dma_wait3A, %dma_wait3A_7] : memref<14976x768xf32, #tpu.memory_space<hbm>> -> memref<14976x768xf32, #tpu.memory_space<hbm>>
    tpu.wait_indirect_dma semaphore(%arg7 : memref<!tpu.dma_semaphore, #tpu.memory_space<semaphore_mem>>) src(%dma_wait3A_8 : memref<14976x768xf32, #tpu.memory_space<hbm>>) dst(%arg6 : memref<96x768xf32, #tpu.memory_space<vmem>>)
    "tpu.region"() ({
      %run_scoped3A = tpu.sem_alloc : memref<!tpu.dma_semaphore, #tpu.memory_space<semaphore_mem>>
      %dma_start3A_17 = arith.constant 0 : i32
      %dma_start3A_18 = tpu.memref_slice %arg4[%add3A_4, %dma_start3A_17] : memref<6144x768xf32, #tpu.memory_space<hbm>> -> memref<96x768xf32, #tpu.memory_space<hbm>>
      %dma_start3A_19 = arith.constant 0 : i32
      %dma_start3A_20 = tpu.memref_slice %arg4[%add3A_4, %dma_start3A_19] : memref<6144x768xf32, #tpu.memory_space<hbm>> -> memref<96x768xf32, #tpu.memory_space<hbm>>
      tpu.enqueue_dma source(%arg6 : memref<96x768xf32, #tpu.memory_space<vmem>>) target(%dma_start3A_20 : memref<96x768xf32, #tpu.memory_space<hbm>>) target_semaphore(%run_scoped3A : memref<!tpu.dma_semaphore, #tpu.memory_space<semaphore_mem>>)
      %dma_wait3A_21 = arith.constant 0 : i32
      %dma_wait3A_22 = tpu.memref_slice %arg4[%add3A_4, %dma_wait3A_21] : memref<6144x768xf32, #tpu.memory_space<hbm>> -> memref<96x768xf32, #tpu.memory_space<hbm>>
      %dma_wait3A_23 = arith.constant 0 : i32
      %dma_wait3A_24 = tpu.memref_slice %arg4[%add3A_4, %dma_wait3A_23] : memref<6144x768xf32, #tpu.memory_space<hbm>> -> memref<96x768xf32, #tpu.memory_space<hbm>>
      tpu.wait_dma2 semaphore(%run_scoped3A : memref<!tpu.dma_semaphore, #tpu.memory_space<semaphore_mem>>) src(%arg6 : memref<96x768xf32, #tpu.memory_space<vmem>>) dst(%dma_wait3A_24 : memref<96x768xf32, #tpu.memory_space<hbm>>)
      tpu.yield
    }) : () -> ()
    %add3A_9 = arith.constant 96 : i32
    %add3A_10 = arith.addi %mul3A_2, %add3A_9 : i32
    "tpu.region"() ({
      %run_scoped3A = tpu.sem_alloc : memref<!tpu.dma_semaphore, #tpu.memory_space<semaphore_mem>>
      %dma_start3A_17 = tpu.memref_slice %arg3[%add3A_10] : memref<6144xi32, #tpu.memory_space<hbm>> -> memref<96xi32, #tpu.memory_space<hbm>>
      %dma_start3A_18 = tpu.memref_slice %arg3[%add3A_10] : memref<6144xi32, #tpu.memory_space<hbm>> -> memref<96xi32, #tpu.memory_space<hbm>>
      tpu.enqueue_dma source(%dma_start3A_18 : memref<96xi32, #tpu.memory_space<hbm>>) target(%arg5 : memref<96xi32, #tpu.memory_space<vmem>>) target_semaphore(%run_scoped3A : memref<!tpu.dma_semaphore, #tpu.memory_space<semaphore_mem>>)
      %dma_wait3A_19 = tpu.memref_slice %arg3[%add3A_10] : memref<6144xi32, #tpu.memory_space<hbm>> -> memref<96xi32, #tpu.memory_space<hbm>>
      %dma_wait3A_20 = tpu.memref_slice %arg3[%add3A_10] : memref<6144xi32, #tpu.memory_space<hbm>> -> memref<96xi32, #tpu.memory_space<hbm>>
      tpu.wait_dma2 semaphore(%run_scoped3A : memref<!tpu.dma_semaphore, #tpu.memory_space<semaphore_mem>>) src(%dma_wait3A_20 : memref<96xi32, #tpu.memory_space<hbm>>) dst(%arg5 : memref<96xi32, #tpu.memory_space<vmem>>)
      tpu.yield
    }) : () -> ()
    %dma_start3A_11 = arith.constant 0 : i32
    %dma_start3A_12 = arith.constant 0 : i32
    %dma_start3A_13 = tpu.memref_slice %arg2[%dma_start3A_11, %dma_start3A_12] : memref<14976x768xf32, #tpu.memory_space<hbm>> -> memref<14976x768xf32, #tpu.memory_space<hbm>>
    tpu.enqueue_indirect_dma source(%dma_start3A_13 : memref<14976x768xf32, #tpu.memory_space<hbm>>) target(%arg6 : memref<96x768xf32, #tpu.memory_space<vmem>>) offsets(%arg5 : memref<96xi32, #tpu.memory_space<vmem>>) semaphore(%arg7 : memref<!tpu.dma_semaphore, #tpu.memory_space<semaphore_mem>>)
    %dma_wait3A_14 = arith.constant 0 : i32
    %dma_wait3A_15 = arith.constant 0 : i32
    %dma_wait3A_16 = tpu.memref_slice %arg2[%dma_wait3A_14, %dma_wait3A_15] : memref<14976x768xf32, #tpu.memory_space<hbm>> -> memref<14976x768xf32, #tpu.memory_space<hbm>>
    tpu.wait_indirect_dma semaphore(%arg7 : memref<!tpu.dma_semaphore, #tpu.memory_space<semaphore_mem>>) src(%dma_wait3A_16 : memref<14976x768xf32, #tpu.memory_space<hbm>>) dst(%arg6 : memref<96x768xf32, #tpu.memory_space<vmem>>)
    "tpu.region"() ({
      %run_scoped3A = tpu.sem_alloc : memref<!tpu.dma_semaphore, #tpu.memory_space<semaphore_mem>>
      %dma_start3A_17 = arith.constant 0 : i32
      %dma_start3A_18 = tpu.memref_slice %arg4[%add3A_10, %dma_start3A_17] : memref<6144x768xf32, #tpu.memory_space<hbm>> -> memref<96x768xf32, #tpu.memory_space<hbm>>
      %dma_start3A_19 = arith.constant 0 : i32
      %dma_start3A_20 = tpu.memref_slice %arg4[%add3A_10, %dma_start3A_19] : memref<6144x768xf32, #tpu.memory_space<hbm>> -> memref<96x768xf32, #tpu.memory_space<hbm>>
      tpu.enqueue_dma source(%arg6 : memref<96x768xf32, #tpu.memory_space<vmem>>) target(%dma_start3A_20 : memref<96x768xf32, #tpu.memory_space<hbm>>) target_semaphore(%run_scoped3A : memref<!tpu.dma_semaphore, #tpu.memory_space<semaphore_mem>>)
      %dma_wait3A_21 = arith.constant 0 : i32
      %dma_wait3A_22 = tpu.memref_slice %arg4[%add3A_10, %dma_wait3A_21] : memref<6144x768xf32, #tpu.memory_space<hbm>> -> memref<96x768xf32, #tpu.memory_space<hbm>>
      %dma_wait3A_23 = arith.constant 0 : i32
      %dma_wait3A_24 = tpu.memref_slice %arg4[%add3A_10, %dma_wait3A_23] : memref<6144x768xf32, #tpu.memory_space<hbm>> -> memref<96x768xf32, #tpu.memory_space<hbm>>
      tpu.wait_dma2 semaphore(%run_scoped3A : memref<!tpu.dma_semaphore, #tpu.memory_space<semaphore_mem>>) src(%arg6 : memref<96x768xf32, #tpu.memory_space<vmem>>) dst(%dma_wait3A_24 : memref<96x768xf32, #tpu.memory_space<hbm>>)
      tpu.yield
    }) : () -> ()
    return
  }
}

module attributes {stable_mosaic.version = 14 : i64} {
  func.func @_ln_qkv_kernel(%arg0: i32, %arg1: memref<256x768xf32, #tpu.memory_space<vmem>>, %arg2: memref<1x768xf32, #tpu.memory_space<vmem>>, %arg3: memref<1x768xf32, #tpu.memory_space<vmem>>, %arg4: memref<768x2304xbf16, #tpu.memory_space<vmem>>, %arg5: memref<256x2304xbf16, #tpu.memory_space<vmem>>) attributes {dimension_semantics = [#tpu.dimension_semantics<arbitrary>], iteration_bounds = array<i64: 8>, scalar_prefetch = 0 : i64, scratch_operands = 0 : i64, tpu.core_type = #tpu.core_type<tc>, window_params = [{transform_indices = @transform_0, window_bounds = array<i64: 256, 768>}, {pipeline_mode = #tpu.pipeline_mode<synchronous>, transform_indices = @transform_1, window_bounds = array<i64: 1, 768>}, {pipeline_mode = #tpu.pipeline_mode<synchronous>, transform_indices = @transform_2, window_bounds = array<i64: 1, 768>}, {pipeline_mode = #tpu.pipeline_mode<synchronous>, transform_indices = @transform_3, window_bounds = array<i64: 768, 2304>}, {transform_indices = @transform_4, window_bounds = array<i64: 256, 2304>}]} {
    %get3A = arith.constant 0 : index
    %get3A_0 = arith.constant 0 : index
    %get3A_1 = vector.load %arg1[%get3A, %get3A_0] : memref<256x768xf32, #tpu.memory_space<vmem>>, vector<256x768xf32>
    %get3A_2 = arith.constant 0 : index
    %get3A_3 = arith.constant 0 : index
    %get3A_4 = vector.load %arg2[%get3A_2, %get3A_3] : memref<1x768xf32, #tpu.memory_space<vmem>>, vector<1x768xf32>
    %get3A_5 = arith.constant 0 : index
    %get3A_6 = arith.constant 0 : index
    %get3A_7 = vector.load %arg3[%get3A_5, %get3A_6] : memref<1x768xf32, #tpu.memory_space<vmem>>, vector<1x768xf32>
    %reduce_sum3A = arith.constant dense<0.000000e+00> : vector<256xf32>
    %reduce_sum3A_8 = vector.multi_reduction <add>, %get3A_1, %reduce_sum3A [1] : vector<256x768xf32> to vector<256xf32>
    %broadcast_in_dim3A = vector.shape_cast %reduce_sum3A_8 : vector<256xf32> to vector<256x1xf32>
    %div3A = arith.constant 7.680000e+02 : f32
    %div3A_9 = vector.broadcast %div3A : f32 to vector<256x1xf32>
    %div3A_10 = arith.divf %broadcast_in_dim3A, %div3A_9 : vector<256x1xf32>
    %sub3A = vector.broadcast %div3A_10 : vector<256x1xf32> to vector<256x768xf32>
    %sub3A_11 = arith.subf %get3A_1, %sub3A : vector<256x768xf32>
    %mul3A = arith.mulf %sub3A_11, %sub3A_11 : vector<256x768xf32>
    %reduce_sum3A_12 = arith.constant dense<0.000000e+00> : vector<256xf32>
    %reduce_sum3A_13 = vector.multi_reduction <add>, %mul3A, %reduce_sum3A_12 [1] : vector<256x768xf32> to vector<256xf32>
    %broadcast_in_dim3A_14 = vector.shape_cast %reduce_sum3A_13 : vector<256xf32> to vector<256x1xf32>
    %div3A_15 = arith.constant 7.680000e+02 : f32
    %div3A_16 = vector.broadcast %div3A_15 : f32 to vector<256x1xf32>
    %div3A_17 = arith.divf %broadcast_in_dim3A_14, %div3A_16 : vector<256x1xf32>
    %add3A = arith.constant 9.99999974E-6 : f32
    %add3A_18 = vector.broadcast %add3A : f32 to vector<256x1xf32>
    %add3A_19 = arith.addf %div3A_17, %add3A_18 : vector<256x1xf32>
    %rsqrt3A = math.rsqrt %add3A_19 : vector<256x1xf32>
    %mul3A_20 = vector.broadcast %rsqrt3A : vector<256x1xf32> to vector<256x768xf32>
    %mul3A_21 = arith.mulf %sub3A_11, %mul3A_20 : vector<256x768xf32>
    %mul3A_22 = vector.broadcast %get3A_4 : vector<1x768xf32> to vector<256x768xf32>
    %mul3A_23 = arith.mulf %mul3A_21, %mul3A_22 : vector<256x768xf32>
    %add3A_24 = vector.broadcast %get3A_7 : vector<1x768xf32> to vector<256x768xf32>
    %add3A_25 = arith.addf %mul3A_23, %add3A_24 : vector<256x768xf32>
    %convert_element_type3A = arith.truncf %add3A_25 : vector<256x768xf32> to vector<256x768xbf16>
    %get3A_26 = arith.constant 0 : index
    %get3A_27 = arith.constant 0 : index
    %get3A_28 = vector.load %arg4[%get3A_26, %get3A_27] : memref<768x2304xbf16, #tpu.memory_space<vmem>>, vector<768x2304xbf16>
    %dot_general3A = arith.constant dense<0.000000e+00> : vector<256x2304xf32>
    %dot_general3A_29 = tpu.matmul %convert_element_type3A, %get3A_28, %dot_general3A {dimension_numbers = #tpu.dot_dimension_numbers<[1], [0], [0], [1], [0, 0, 1, 1], [], []>, transpose_lhs_hint = false} : vector<256x768xbf16>, vector<768x2304xbf16>, vector<256x2304xf32> -> vector<256x2304xf32>
    %convert_element_type3A_30 = arith.truncf %dot_general3A_29 : vector<256x2304xf32> to vector<256x2304xbf16>
    %swap3A = arith.constant 0 : index
    %swap3A_31 = arith.constant 0 : index
    %swap3A_32 = vector.load %arg5[%swap3A, %swap3A_31] : memref<256x2304xbf16, #tpu.memory_space<vmem>>, vector<256x2304xbf16>
    tpu.vector_store %arg5[%swap3A, %swap3A_31], %convert_element_type3A_30 {strides = array<i32>} : memref<256x2304xbf16, #tpu.memory_space<vmem>>, vector<256x2304xbf16>,
    return
  }
  func.func @transform_0(%arg0: i32) -> (i32, i32) {
    %c0_i32 = arith.constant 0 : i32
    %c0_i32_0 = arith.constant 0 : i32
    return %arg0, %c0_i32 : i32, i32
  }
  func.func @transform_1(%arg0: i32) -> (i32, i32) {
    %c0_i32 = arith.constant 0 : i32
    %c0_i32_0 = arith.constant 0 : i32
    %c0_i32_1 = arith.constant 0 : i32
    return %c0_i32, %c0_i32_0 : i32, i32
  }
  func.func @transform_2(%arg0: i32) -> (i32, i32) {
    %c0_i32 = arith.constant 0 : i32
    %c0_i32_0 = arith.constant 0 : i32
    %c0_i32_1 = arith.constant 0 : i32
    return %c0_i32, %c0_i32_0 : i32, i32
  }
  func.func @transform_3(%arg0: i32) -> (i32, i32) {
    %c0_i32 = arith.constant 0 : i32
    %c0_i32_0 = arith.constant 0 : i32
    %c0_i32_1 = arith.constant 0 : i32
    return %c0_i32, %c0_i32_0 : i32, i32
  }
  func.func @transform_4(%arg0: i32) -> (i32, i32) {
    %c0_i32 = arith.constant 0 : i32
    %c0_i32_0 = arith.constant 0 : i32
    return %arg0, %c0_i32 : i32, i32
  }
}

module attributes {stable_mosaic.version = 14 : i64} {
  func.func @_attn_kernel(%arg0: i32, %arg1: memref<512x2304xbf16, #tpu.memory_space<vmem>>, %arg2: memref<2048x2304xbf16, #tpu.memory_space<vmem>>, %arg3: memref<512x768xbf16, #tpu.memory_space<vmem>>) attributes {dimension_semantics = [#tpu.dimension_semantics<arbitrary>], iteration_bounds = array<i64: 4>, scalar_prefetch = 0 : i64, scratch_operands = 0 : i64, tpu.core_type = #tpu.core_type<tc>, window_params = [{transform_indices = @transform_0, window_bounds = array<i64: 512, 2304>}, {pipeline_mode = #tpu.pipeline_mode<synchronous>, transform_indices = @transform_1, window_bounds = array<i64: 2048, 2304>}, {transform_indices = @transform_2, window_bounds = array<i64: 512, 768>}]} {
    %get3A = arith.constant 0 : index
    %get3A_0 = arith.constant 0 : index
    %get3A_1 = vector.load %arg1[%get3A, %get3A_0] : memref<512x2304xbf16, #tpu.memory_space<vmem>>, vector<512x64xbf16>
    %get3A_2 = arith.constant 0 : index
    %get3A_3 = arith.constant 768 : index
    %get3A_4 = vector.load %arg2[%get3A_2, %get3A_3] : memref<2048x2304xbf16, #tpu.memory_space<vmem>>, vector<2048x64xbf16>
    %get3A_5 = arith.constant 0 : index
    %get3A_6 = arith.constant 1536 : index
    %get3A_7 = vector.load %arg2[%get3A_5, %get3A_6] : memref<2048x2304xbf16, #tpu.memory_space<vmem>>, vector<2048x64xbf16>
    %dot_general3A = arith.constant dense<0.000000e+00> : vector<512x2048xf32>
    %dot_general3A_8 = tpu.matmul %get3A_1, %get3A_4, %dot_general3A {dimension_numbers = #tpu.dot_dimension_numbers<[1], [1], [0], [0], [0, 0, 1, 0], [], []>, transpose_lhs_hint = false} : vector<512x64xbf16>, vector<2048x64xbf16>, vector<512x2048xf32> -> vector<512x2048xf32>
    %mul3A = arith.constant 1.250000e-01 : f32
    %mul3A_9 = vector.broadcast %mul3A : f32 to vector<512x2048xf32>
    %mul3A_10 = arith.mulf %dot_general3A_8, %mul3A_9 : vector<512x2048xf32>
    %reduce_max3A = arith.constant dense<0xFF800000> : vector<512xf32>
    %reduce_max3A_11 = vector.multi_reduction <maximumf>, %mul3A_10, %reduce_max3A [1] : vector<512x2048xf32> to vector<512xf32>
    %broadcast_in_dim3A = vector.shape_cast %reduce_max3A_11 : vector<512xf32> to vector<512x1xf32>
    %sub3A = vector.broadcast %broadcast_in_dim3A : vector<512x1xf32> to vector<512x2048xf32>
    %sub3A_12 = arith.subf %mul3A_10, %sub3A : vector<512x2048xf32>
    %exp3A = math.exp %sub3A_12 : vector<512x2048xf32>
    %reduce_sum3A = arith.constant dense<0.000000e+00> : vector<512xf32>
    %reduce_sum3A_13 = vector.multi_reduction <add>, %exp3A, %reduce_sum3A [1] : vector<512x2048xf32> to vector<512xf32>
    %broadcast_in_dim3A_14 = vector.shape_cast %reduce_sum3A_13 : vector<512xf32> to vector<512x1xf32>
    %div3A = vector.broadcast %broadcast_in_dim3A_14 : vector<512x1xf32> to vector<512x2048xf32>
    %div3A_15 = arith.divf %exp3A, %div3A : vector<512x2048xf32>
    %convert_element_type3A = arith.truncf %div3A_15 : vector<512x2048xf32> to vector<512x2048xbf16>
    %dot_general3A_16 = arith.constant dense<0.000000e+00> : vector<512x64xf32>
    %dot_general3A_17 = tpu.matmul %convert_element_type3A, %get3A_7, %dot_general3A_16 {dimension_numbers = #tpu.dot_dimension_numbers<[1], [0], [0], [1], [0, 0, 1, 1], [], []>, transpose_lhs_hint = false} : vector<512x2048xbf16>, vector<2048x64xbf16>, vector<512x64xf32> -> vector<512x64xf32>
    %convert_element_type3A_18 = arith.truncf %dot_general3A_17 : vector<512x64xf32> to vector<512x64xbf16>
    %swap3A = arith.constant 0 : index
    %swap3A_19 = arith.constant 0 : index
    %swap3A_20 = vector.load %arg3[%swap3A, %swap3A_19] : memref<512x768xbf16, #tpu.memory_space<vmem>>, vector<512x64xbf16>
    tpu.vector_store %arg3[%swap3A, %swap3A_19], %convert_element_type3A_18 {strides = array<i32>} : memref<512x768xbf16, #tpu.memory_space<vmem>>, vector<512x64xbf16>,
    %get3A_21 = arith.constant 0 : index
    %get3A_22 = arith.constant 64 : index
    %get3A_23 = vector.load %arg1[%get3A_21, %get3A_22] : memref<512x2304xbf16, #tpu.memory_space<vmem>>, vector<512x64xbf16>
    %get3A_24 = arith.constant 0 : index
    %get3A_25 = arith.constant 832 : index
    %get3A_26 = vector.load %arg2[%get3A_24, %get3A_25] : memref<2048x2304xbf16, #tpu.memory_space<vmem>>, vector<2048x64xbf16>
    %get3A_27 = arith.constant 0 : index
    %get3A_28 = arith.constant 1600 : index
    %get3A_29 = vector.load %arg2[%get3A_27, %get3A_28] : memref<2048x2304xbf16, #tpu.memory_space<vmem>>, vector<2048x64xbf16>
    %dot_general3A_30 = arith.constant dense<0.000000e+00> : vector<512x2048xf32>
    %dot_general3A_31 = tpu.matmul %get3A_23, %get3A_26, %dot_general3A_30 {dimension_numbers = #tpu.dot_dimension_numbers<[1], [1], [0], [0], [0, 0, 1, 0], [], []>, transpose_lhs_hint = false} : vector<512x64xbf16>, vector<2048x64xbf16>, vector<512x2048xf32> -> vector<512x2048xf32>
    %mul3A_32 = arith.constant 1.250000e-01 : f32
    %mul3A_33 = vector.broadcast %mul3A_32 : f32 to vector<512x2048xf32>
    %mul3A_34 = arith.mulf %dot_general3A_31, %mul3A_33 : vector<512x2048xf32>
    %reduce_max3A_35 = arith.constant dense<0xFF800000> : vector<512xf32>
    %reduce_max3A_36 = vector.multi_reduction <maximumf>, %mul3A_34, %reduce_max3A_35 [1] : vector<512x2048xf32> to vector<512xf32>
    %broadcast_in_dim3A_37 = vector.shape_cast %reduce_max3A_36 : vector<512xf32> to vector<512x1xf32>
    %sub3A_38 = vector.broadcast %broadcast_in_dim3A_37 : vector<512x1xf32> to vector<512x2048xf32>
    %sub3A_39 = arith.subf %mul3A_34, %sub3A_38 : vector<512x2048xf32>
    %exp3A_40 = math.exp %sub3A_39 : vector<512x2048xf32>
    %reduce_sum3A_41 = arith.constant dense<0.000000e+00> : vector<512xf32>
    %reduce_sum3A_42 = vector.multi_reduction <add>, %exp3A_40, %reduce_sum3A_41 [1] : vector<512x2048xf32> to vector<512xf32>
    %broadcast_in_dim3A_43 = vector.shape_cast %reduce_sum3A_42 : vector<512xf32> to vector<512x1xf32>
    %div3A_44 = vector.broadcast %broadcast_in_dim3A_43 : vector<512x1xf32> to vector<512x2048xf32>
    %div3A_45 = arith.divf %exp3A_40, %div3A_44 : vector<512x2048xf32>
    %convert_element_type3A_46 = arith.truncf %div3A_45 : vector<512x2048xf32> to vector<512x2048xbf16>
    %dot_general3A_47 = arith.constant dense<0.000000e+00> : vector<512x64xf32>
    %dot_general3A_48 = tpu.matmul %convert_element_type3A_46, %get3A_29, %dot_general3A_47 {dimension_numbers = #tpu.dot_dimension_numbers<[1], [0], [0], [1], [0, 0, 1, 1], [], []>, transpose_lhs_hint = false} : vector<512x2048xbf16>, vector<2048x64xbf16>, vector<512x64xf32> -> vector<512x64xf32>
    %convert_element_type3A_49 = arith.truncf %dot_general3A_48 : vector<512x64xf32> to vector<512x64xbf16>
    %swap3A_50 = arith.constant 0 : index
    %swap3A_51 = arith.constant 64 : index
    %swap3A_52 = vector.load %arg3[%swap3A_50, %swap3A_51] : memref<512x768xbf16, #tpu.memory_space<vmem>>, vector<512x64xbf16>
    tpu.vector_store %arg3[%swap3A_50, %swap3A_51], %convert_element_type3A_49 {strides = array<i32>} : memref<512x768xbf16, #tpu.memory_space<vmem>>, vector<512x64xbf16>,
    %get3A_53 = arith.constant 0 : index
    %get3A_54 = arith.constant 128 : index
    %get3A_55 = vector.load %arg1[%get3A_53, %get3A_54] : memref<512x2304xbf16, #tpu.memory_space<vmem>>, vector<512x64xbf16>
    %get3A_56 = arith.constant 0 : index
    %get3A_57 = arith.constant 896 : index
    %get3A_58 = vector.load %arg2[%get3A_56, %get3A_57] : memref<2048x2304xbf16, #tpu.memory_space<vmem>>, vector<2048x64xbf16>
    %get3A_59 = arith.constant 0 : index
    %get3A_60 = arith.constant 1664 : index
    %get3A_61 = vector.load %arg2[%get3A_59, %get3A_60] : memref<2048x2304xbf16, #tpu.memory_space<vmem>>, vector<2048x64xbf16>
    %dot_general3A_62 = arith.constant dense<0.000000e+00> : vector<512x2048xf32>
    %dot_general3A_63 = tpu.matmul %get3A_55, %get3A_58, %dot_general3A_62 {dimension_numbers = #tpu.dot_dimension_numbers<[1], [1], [0], [0], [0, 0, 1, 0], [], []>, transpose_lhs_hint = false} : vector<512x64xbf16>, vector<2048x64xbf16>, vector<512x2048xf32> -> vector<512x2048xf32>
    %mul3A_64 = arith.constant 1.250000e-01 : f32
    %mul3A_65 = vector.broadcast %mul3A_64 : f32 to vector<512x2048xf32>
    %mul3A_66 = arith.mulf %dot_general3A_63, %mul3A_65 : vector<512x2048xf32>
    %reduce_max3A_67 = arith.constant dense<0xFF800000> : vector<512xf32>
    %reduce_max3A_68 = vector.multi_reduction <maximumf>, %mul3A_66, %reduce_max3A_67 [1] : vector<512x2048xf32> to vector<512xf32>
    %broadcast_in_dim3A_69 = vector.shape_cast %reduce_max3A_68 : vector<512xf32> to vector<512x1xf32>
    %sub3A_70 = vector.broadcast %broadcast_in_dim3A_69 : vector<512x1xf32> to vector<512x2048xf32>
    %sub3A_71 = arith.subf %mul3A_66, %sub3A_70 : vector<512x2048xf32>
    %exp3A_72 = math.exp %sub3A_71 : vector<512x2048xf32>
    %reduce_sum3A_73 = arith.constant dense<0.000000e+00> : vector<512xf32>
    %reduce_sum3A_74 = vector.multi_reduction <add>, %exp3A_72, %reduce_sum3A_73 [1] : vector<512x2048xf32> to vector<512xf32>
    %broadcast_in_dim3A_75 = vector.shape_cast %reduce_sum3A_74 : vector<512xf32> to vector<512x1xf32>
    %div3A_76 = vector.broadcast %broadcast_in_dim3A_75 : vector<512x1xf32> to vector<512x2048xf32>
    %div3A_77 = arith.divf %exp3A_72, %div3A_76 : vector<512x2048xf32>
    %convert_element_type3A_78 = arith.truncf %div3A_77 : vector<512x2048xf32> to vector<512x2048xbf16>
    %dot_general3A_79 = arith.constant dense<0.000000e+00> : vector<512x64xf32>
    %dot_general3A_80 = tpu.matmul %convert_element_type3A_78, %get3A_61, %dot_general3A_79 {dimension_numbers = #tpu.dot_dimension_numbers<[1], [0], [0], [1], [0, 0, 1, 1], [], []>, transpose_lhs_hint = false} : vector<512x2048xbf16>, vector<2048x64xbf16>, vector<512x64xf32> -> vector<512x64xf32>
    %convert_element_type3A_81 = arith.truncf %dot_general3A_80 : vector<512x64xf32> to vector<512x64xbf16>
    %swap3A_82 = arith.constant 0 : index
    %swap3A_83 = arith.constant 128 : index
    %swap3A_84 = vector.load %arg3[%swap3A_82, %swap3A_83] : memref<512x768xbf16, #tpu.memory_space<vmem>>, vector<512x64xbf16>
    tpu.vector_store %arg3[%swap3A_82, %swap3A_83], %convert_element_type3A_81 {strides = array<i32>} : memref<512x768xbf16, #tpu.memory_space<vmem>>, vector<512x64xbf16>,
    %get3A_85 = arith.constant 0 : index
    %get3A_86 = arith.constant 192 : index
    %get3A_87 = vector.load %arg1[%get3A_85, %get3A_86] : memref<512x2304xbf16, #tpu.memory_space<vmem>>, vector<512x64xbf16>
    %get3A_88 = arith.constant 0 : index
    %get3A_89 = arith.constant 960 : index
    %get3A_90 = vector.load %arg2[%get3A_88, %get3A_89] : memref<2048x2304xbf16, #tpu.memory_space<vmem>>, vector<2048x64xbf16>
    %get3A_91 = arith.constant 0 : index
    %get3A_92 = arith.constant 1728 : index
    %get3A_93 = vector.load %arg2[%get3A_91, %get3A_92] : memref<2048x2304xbf16, #tpu.memory_space<vmem>>, vector<2048x64xbf16>
    %dot_general3A_94 = arith.constant dense<0.000000e+00> : vector<512x2048xf32>
    %dot_general3A_95 = tpu.matmul %get3A_87, %get3A_90, %dot_general3A_94 {dimension_numbers = #tpu.dot_dimension_numbers<[1], [1], [0], [0], [0, 0, 1, 0], [], []>, transpose_lhs_hint = false} : vector<512x64xbf16>, vector<2048x64xbf16>, vector<512x2048xf32> -> vector<512x2048xf32>
    %mul3A_96 = arith.constant 1.250000e-01 : f32
    %mul3A_97 = vector.broadcast %mul3A_96 : f32 to vector<512x2048xf32>
    %mul3A_98 = arith.mulf %dot_general3A_95, %mul3A_97 : vector<512x2048xf32>
    %reduce_max3A_99 = arith.constant dense<0xFF800000> : vector<512xf32>
    %reduce_max3A_100 = vector.multi_reduction <maximumf>, %mul3A_98, %reduce_max3A_99 [1] : vector<512x2048xf32> to vector<512xf32>
    %broadcast_in_dim3A_101 = vector.shape_cast %reduce_max3A_100 : vector<512xf32> to vector<512x1xf32>
    %sub3A_102 = vector.broadcast %broadcast_in_dim3A_101 : vector<512x1xf32> to vector<512x2048xf32>
    %sub3A_103 = arith.subf %mul3A_98, %sub3A_102 : vector<512x2048xf32>
    %exp3A_104 = math.exp %sub3A_103 : vector<512x2048xf32>
    %reduce_sum3A_105 = arith.constant dense<0.000000e+00> : vector<512xf32>
    %reduce_sum3A_106 = vector.multi_reduction <add>, %exp3A_104, %reduce_sum3A_105 [1] : vector<512x2048xf32> to vector<512xf32>
    %broadcast_in_dim3A_107 = vector.shape_cast %reduce_sum3A_106 : vector<512xf32> to vector<512x1xf32>
    %div3A_108 = vector.broadcast %broadcast_in_dim3A_107 : vector<512x1xf32> to vector<512x2048xf32>
    %div3A_109 = arith.divf %exp3A_104, %div3A_108 : vector<512x2048xf32>
    %convert_element_type3A_110 = arith.truncf %div3A_109 : vector<512x2048xf32> to vector<512x2048xbf16>
    %dot_general3A_111 = arith.constant dense<0.000000e+00> : vector<512x64xf32>
    %dot_general3A_112 = tpu.matmul %convert_element_type3A_110, %get3A_93, %dot_general3A_111 {dimension_numbers = #tpu.dot_dimension_numbers<[1], [0], [0], [1], [0, 0, 1, 1], [], []>, transpose_lhs_hint = false} : vector<512x2048xbf16>, vector<2048x64xbf16>, vector<512x64xf32> -> vector<512x64xf32>
    %convert_element_type3A_113 = arith.truncf %dot_general3A_112 : vector<512x64xf32> to vector<512x64xbf16>
    %swap3A_114 = arith.constant 0 : index
    %swap3A_115 = arith.constant 192 : index
    %swap3A_116 = vector.load %arg3[%swap3A_114, %swap3A_115] : memref<512x768xbf16, #tpu.memory_space<vmem>>, vector<512x64xbf16>
    tpu.vector_store %arg3[%swap3A_114, %swap3A_115], %convert_element_type3A_113 {strides = array<i32>} : memref<512x768xbf16, #tpu.memory_space<vmem>>, vector<512x64xbf16>,
    %get3A_117 = arith.constant 0 : index
    %get3A_118 = arith.constant 256 : index
    %get3A_119 = vector.load %arg1[%get3A_117, %get3A_118] : memref<512x2304xbf16, #tpu.memory_space<vmem>>, vector<512x64xbf16>
    %get3A_120 = arith.constant 0 : index
    %get3A_121 = arith.constant 1024 : index
    %get3A_122 = vector.load %arg2[%get3A_120, %get3A_121] : memref<2048x2304xbf16, #tpu.memory_space<vmem>>, vector<2048x64xbf16>
    %get3A_123 = arith.constant 0 : index
    %get3A_124 = arith.constant 1792 : index
    %get3A_125 = vector.load %arg2[%get3A_123, %get3A_124] : memref<2048x2304xbf16, #tpu.memory_space<vmem>>, vector<2048x64xbf16>
    %dot_general3A_126 = arith.constant dense<0.000000e+00> : vector<512x2048xf32>
    %dot_general3A_127 = tpu.matmul %get3A_119, %get3A_122, %dot_general3A_126 {dimension_numbers = #tpu.dot_dimension_numbers<[1], [1], [0], [0], [0, 0, 1, 0], [], []>, transpose_lhs_hint = false} : vector<512x64xbf16>, vector<2048x64xbf16>, vector<512x2048xf32> -> vector<512x2048xf32>
    %mul3A_128 = arith.constant 1.250000e-01 : f32
    %mul3A_129 = vector.broadcast %mul3A_128 : f32 to vector<512x2048xf32>
    %mul3A_130 = arith.mulf %dot_general3A_127, %mul3A_129 : vector<512x2048xf32>
    %reduce_max3A_131 = arith.constant dense<0xFF800000> : vector<512xf32>
    %reduce_max3A_132 = vector.multi_reduction <maximumf>, %mul3A_130, %reduce_max3A_131 [1] : vector<512x2048xf32> to vector<512xf32>
    %broadcast_in_dim3A_133 = vector.shape_cast %reduce_max3A_132 : vector<512xf32> to vector<512x1xf32>
    %sub3A_134 = vector.broadcast %broadcast_in_dim3A_133 : vector<512x1xf32> to vector<512x2048xf32>
    %sub3A_135 = arith.subf %mul3A_130, %sub3A_134 : vector<512x2048xf32>
    %exp3A_136 = math.exp %sub3A_135 : vector<512x2048xf32>
    %reduce_sum3A_137 = arith.constant dense<0.000000e+00> : vector<512xf32>
    %reduce_sum3A_138 = vector.multi_reduction <add>, %exp3A_136, %reduce_sum3A_137 [1] : vector<512x2048xf32> to vector<512xf32>
    %broadcast_in_dim3A_139 = vector.shape_cast %reduce_sum3A_138 : vector<512xf32> to vector<512x1xf32>
    %div3A_140 = vector.broadcast %broadcast_in_dim3A_139 : vector<512x1xf32> to vector<512x2048xf32>
    %div3A_141 = arith.divf %exp3A_136, %div3A_140 : vector<512x2048xf32>
    %convert_element_type3A_142 = arith.truncf %div3A_141 : vector<512x2048xf32> to vector<512x2048xbf16>
    %dot_general3A_143 = arith.constant dense<0.000000e+00> : vector<512x64xf32>
    %dot_general3A_144 = tpu.matmul %convert_element_type3A_142, %get3A_125, %dot_general3A_143 {dimension_numbers = #tpu.dot_dimension_numbers<[1], [0], [0], [1], [0, 0, 1, 1], [], []>, transpose_lhs_hint = false} : vector<512x2048xbf16>, vector<2048x64xbf16>, vector<512x64xf32> -> vector<512x64xf32>
    %convert_element_type3A_145 = arith.truncf %dot_general3A_144 : vector<512x64xf32> to vector<512x64xbf16>
    %swap3A_146 = arith.constant 0 : index
    %swap3A_147 = arith.constant 256 : index
    %swap3A_148 = vector.load %arg3[%swap3A_146, %swap3A_147] : memref<512x768xbf16, #tpu.memory_space<vmem>>, vector<512x64xbf16>
    tpu.vector_store %arg3[%swap3A_146, %swap3A_147], %convert_element_type3A_145 {strides = array<i32>} : memref<512x768xbf16, #tpu.memory_space<vmem>>, vector<512x64xbf16>,
    %get3A_149 = arith.constant 0 : index
    %get3A_150 = arith.constant 320 : index
    %get3A_151 = vector.load %arg1[%get3A_149, %get3A_150] : memref<512x2304xbf16, #tpu.memory_space<vmem>>, vector<512x64xbf16>
    %get3A_152 = arith.constant 0 : index
    %get3A_153 = arith.constant 1088 : index
    %get3A_154 = vector.load %arg2[%get3A_152, %get3A_153] : memref<2048x2304xbf16, #tpu.memory_space<vmem>>, vector<2048x64xbf16>
    %get3A_155 = arith.constant 0 : index
    %get3A_156 = arith.constant 1856 : index
    %get3A_157 = vector.load %arg2[%get3A_155, %get3A_156] : memref<2048x2304xbf16, #tpu.memory_space<vmem>>, vector<2048x64xbf16>
    %dot_general3A_158 = arith.constant dense<0.000000e+00> : vector<512x2048xf32>
    %dot_general3A_159 = tpu.matmul %get3A_151, %get3A_154, %dot_general3A_158 {dimension_numbers = #tpu.dot_dimension_numbers<[1], [1], [0], [0], [0, 0, 1, 0], [], []>, transpose_lhs_hint = false} : vector<512x64xbf16>, vector<2048x64xbf16>, vector<512x2048xf32> -> vector<512x2048xf32>
    %mul3A_160 = arith.constant 1.250000e-01 : f32
    %mul3A_161 = vector.broadcast %mul3A_160 : f32 to vector<512x2048xf32>
    %mul3A_162 = arith.mulf %dot_general3A_159, %mul3A_161 : vector<512x2048xf32>
    %reduce_max3A_163 = arith.constant dense<0xFF800000> : vector<512xf32>
    %reduce_max3A_164 = vector.multi_reduction <maximumf>, %mul3A_162, %reduce_max3A_163 [1] : vector<512x2048xf32> to vector<512xf32>
    %broadcast_in_dim3A_165 = vector.shape_cast %reduce_max3A_164 : vector<512xf32> to vector<512x1xf32>
    %sub3A_166 = vector.broadcast %broadcast_in_dim3A_165 : vector<512x1xf32> to vector<512x2048xf32>
    %sub3A_167 = arith.subf %mul3A_162, %sub3A_166 : vector<512x2048xf32>
    %exp3A_168 = math.exp %sub3A_167 : vector<512x2048xf32>
    %reduce_sum3A_169 = arith.constant dense<0.000000e+00> : vector<512xf32>
    %reduce_sum3A_170 = vector.multi_reduction <add>, %exp3A_168, %reduce_sum3A_169 [1] : vector<512x2048xf32> to vector<512xf32>
    %broadcast_in_dim3A_171 = vector.shape_cast %reduce_sum3A_170 : vector<512xf32> to vector<512x1xf32>
    %div3A_172 = vector.broadcast %broadcast_in_dim3A_171 : vector<512x1xf32> to vector<512x2048xf32>
    %div3A_173 = arith.divf %exp3A_168, %div3A_172 : vector<512x2048xf32>
    %convert_element_type3A_174 = arith.truncf %div3A_173 : vector<512x2048xf32> to vector<512x2048xbf16>
    %dot_general3A_175 = arith.constant dense<0.000000e+00> : vector<512x64xf32>
    %dot_general3A_176 = tpu.matmul %convert_element_type3A_174, %get3A_157, %dot_general3A_175 {dimension_numbers = #tpu.dot_dimension_numbers<[1], [0], [0], [1], [0, 0, 1, 1], [], []>, transpose_lhs_hint = false} : vector<512x2048xbf16>, vector<2048x64xbf16>, vector<512x64xf32> -> vector<512x64xf32>
    %convert_element_type3A_177 = arith.truncf %dot_general3A_176 : vector<512x64xf32> to vector<512x64xbf16>
    %swap3A_178 = arith.constant 0 : index
    %swap3A_179 = arith.constant 320 : index
    %swap3A_180 = vector.load %arg3[%swap3A_178, %swap3A_179] : memref<512x768xbf16, #tpu.memory_space<vmem>>, vector<512x64xbf16>
    tpu.vector_store %arg3[%swap3A_178, %swap3A_179], %convert_element_type3A_177 {strides = array<i32>} : memref<512x768xbf16, #tpu.memory_space<vmem>>, vector<512x64xbf16>,
    %get3A_181 = arith.constant 0 : index
    %get3A_182 = arith.constant 384 : index
    %get3A_183 = vector.load %arg1[%get3A_181, %get3A_182] : memref<512x2304xbf16, #tpu.memory_space<vmem>>, vector<512x64xbf16>
    %get3A_184 = arith.constant 0 : index
    %get3A_185 = arith.constant 1152 : index
    %get3A_186 = vector.load %arg2[%get3A_184, %get3A_185] : memref<2048x2304xbf16, #tpu.memory_space<vmem>>, vector<2048x64xbf16>
    %get3A_187 = arith.constant 0 : index
    %get3A_188 = arith.constant 1920 : index
    %get3A_189 = vector.load %arg2[%get3A_187, %get3A_188] : memref<2048x2304xbf16, #tpu.memory_space<vmem>>, vector<2048x64xbf16>
    %dot_general3A_190 = arith.constant dense<0.000000e+00> : vector<512x2048xf32>
    %dot_general3A_191 = tpu.matmul %get3A_183, %get3A_186, %dot_general3A_190 {dimension_numbers = #tpu.dot_dimension_numbers<[1], [1], [0], [0], [0, 0, 1, 0], [], []>, transpose_lhs_hint = false} : vector<512x64xbf16>, vector<2048x64xbf16>, vector<512x2048xf32> -> vector<512x2048xf32>
    %mul3A_192 = arith.constant 1.250000e-01 : f32
    %mul3A_193 = vector.broadcast %mul3A_192 : f32 to vector<512x2048xf32>
    %mul3A_194 = arith.mulf %dot_general3A_191, %mul3A_193 : vector<512x2048xf32>
    %reduce_max3A_195 = arith.constant dense<0xFF800000> : vector<512xf32>
    %reduce_max3A_196 = vector.multi_reduction <maximumf>, %mul3A_194, %reduce_max3A_195 [1] : vector<512x2048xf32> to vector<512xf32>
    %broadcast_in_dim3A_197 = vector.shape_cast %reduce_max3A_196 : vector<512xf32> to vector<512x1xf32>
    %sub3A_198 = vector.broadcast %broadcast_in_dim3A_197 : vector<512x1xf32> to vector<512x2048xf32>
    %sub3A_199 = arith.subf %mul3A_194, %sub3A_198 : vector<512x2048xf32>
    %exp3A_200 = math.exp %sub3A_199 : vector<512x2048xf32>
    %reduce_sum3A_201 = arith.constant dense<0.000000e+00> : vector<512xf32>
    %reduce_sum3A_202 = vector.multi_reduction <add>, %exp3A_200, %reduce_sum3A_201 [1] : vector<512x2048xf32> to vector<512xf32>
    %broadcast_in_dim3A_203 = vector.shape_cast %reduce_sum3A_202 : vector<512xf32> to vector<512x1xf32>
    %div3A_204 = vector.broadcast %broadcast_in_dim3A_203 : vector<512x1xf32> to vector<512x2048xf32>
    %div3A_205 = arith.divf %exp3A_200, %div3A_204 : vector<512x2048xf32>
    %convert_element_type3A_206 = arith.truncf %div3A_205 : vector<512x2048xf32> to vector<512x2048xbf16>
    %dot_general3A_207 = arith.constant dense<0.000000e+00> : vector<512x64xf32>
    %dot_general3A_208 = tpu.matmul %convert_element_type3A_206, %get3A_189, %dot_general3A_207 {dimension_numbers = #tpu.dot_dimension_numbers<[1], [0], [0], [1], [0, 0, 1, 1], [], []>, transpose_lhs_hint = false} : vector<512x2048xbf16>, vector<2048x64xbf16>, vector<512x64xf32> -> vector<512x64xf32>
    %convert_element_type3A_209 = arith.truncf %dot_general3A_208 : vector<512x64xf32> to vector<512x64xbf16>
    %swap3A_210 = arith.constant 0 : index
    %swap3A_211 = arith.constant 384 : index
    %swap3A_212 = vector.load %arg3[%swap3A_210, %swap3A_211] : memref<512x768xbf16, #tpu.memory_space<vmem>>, vector<512x64xbf16>
    tpu.vector_store %arg3[%swap3A_210, %swap3A_211], %convert_element_type3A_209 {strides = array<i32>} : memref<512x768xbf16, #tpu.memory_space<vmem>>, vector<512x64xbf16>,
    %get3A_213 = arith.constant 0 : index
    %get3A_214 = arith.constant 448 : index
    %get3A_215 = vector.load %arg1[%get3A_213, %get3A_214] : memref<512x2304xbf16, #tpu.memory_space<vmem>>, vector<512x64xbf16>
    %get3A_216 = arith.constant 0 : index
    %get3A_217 = arith.constant 1216 : index
    %get3A_218 = vector.load %arg2[%get3A_216, %get3A_217] : memref<2048x2304xbf16, #tpu.memory_space<vmem>>, vector<2048x64xbf16>
    %get3A_219 = arith.constant 0 : index
    %get3A_220 = arith.constant 1984 : index
    %get3A_221 = vector.load %arg2[%get3A_219, %get3A_220] : memref<2048x2304xbf16, #tpu.memory_space<vmem>>, vector<2048x64xbf16>
    %dot_general3A_222 = arith.constant dense<0.000000e+00> : vector<512x2048xf32>
    %dot_general3A_223 = tpu.matmul %get3A_215, %get3A_218, %dot_general3A_222 {dimension_numbers = #tpu.dot_dimension_numbers<[1], [1], [0], [0], [0, 0, 1, 0], [], []>, transpose_lhs_hint = false} : vector<512x64xbf16>, vector<2048x64xbf16>, vector<512x2048xf32> -> vector<512x2048xf32>
    %mul3A_224 = arith.constant 1.250000e-01 : f32
    %mul3A_225 = vector.broadcast %mul3A_224 : f32 to vector<512x2048xf32>
    %mul3A_226 = arith.mulf %dot_general3A_223, %mul3A_225 : vector<512x2048xf32>
    %reduce_max3A_227 = arith.constant dense<0xFF800000> : vector<512xf32>
    %reduce_max3A_228 = vector.multi_reduction <maximumf>, %mul3A_226, %reduce_max3A_227 [1] : vector<512x2048xf32> to vector<512xf32>
    %broadcast_in_dim3A_229 = vector.shape_cast %reduce_max3A_228 : vector<512xf32> to vector<512x1xf32>
    %sub3A_230 = vector.broadcast %broadcast_in_dim3A_229 : vector<512x1xf32> to vector<512x2048xf32>
    %sub3A_231 = arith.subf %mul3A_226, %sub3A_230 : vector<512x2048xf32>
    %exp3A_232 = math.exp %sub3A_231 : vector<512x2048xf32>
    %reduce_sum3A_233 = arith.constant dense<0.000000e+00> : vector<512xf32>
    %reduce_sum3A_234 = vector.multi_reduction <add>, %exp3A_232, %reduce_sum3A_233 [1] : vector<512x2048xf32> to vector<512xf32>
    %broadcast_in_dim3A_235 = vector.shape_cast %reduce_sum3A_234 : vector<512xf32> to vector<512x1xf32>
    %div3A_236 = vector.broadcast %broadcast_in_dim3A_235 : vector<512x1xf32> to vector<512x2048xf32>
    %div3A_237 = arith.divf %exp3A_232, %div3A_236 : vector<512x2048xf32>
    %convert_element_type3A_238 = arith.truncf %div3A_237 : vector<512x2048xf32> to vector<512x2048xbf16>
    %dot_general3A_239 = arith.constant dense<0.000000e+00> : vector<512x64xf32>
    %dot_general3A_240 = tpu.matmul %convert_element_type3A_238, %get3A_221, %dot_general3A_239 {dimension_numbers = #tpu.dot_dimension_numbers<[1], [0], [0], [1], [0, 0, 1, 1], [], []>, transpose_lhs_hint = false} : vector<512x2048xbf16>, vector<2048x64xbf16>, vector<512x64xf32> -> vector<512x64xf32>
    %convert_element_type3A_241 = arith.truncf %dot_general3A_240 : vector<512x64xf32> to vector<512x64xbf16>
    %swap3A_242 = arith.constant 0 : index
    %swap3A_243 = arith.constant 448 : index
    %swap3A_244 = vector.load %arg3[%swap3A_242, %swap3A_243] : memref<512x768xbf16, #tpu.memory_space<vmem>>, vector<512x64xbf16>
    tpu.vector_store %arg3[%swap3A_242, %swap3A_243], %convert_element_type3A_241 {strides = array<i32>} : memref<512x768xbf16, #tpu.memory_space<vmem>>, vector<512x64xbf16>,
    %get3A_245 = arith.constant 0 : index
    %get3A_246 = arith.constant 512 : index
    %get3A_247 = vector.load %arg1[%get3A_245, %get3A_246] : memref<512x2304xbf16, #tpu.memory_space<vmem>>, vector<512x64xbf16>
    %get3A_248 = arith.constant 0 : index
    %get3A_249 = arith.constant 1280 : index
    %get3A_250 = vector.load %arg2[%get3A_248, %get3A_249] : memref<2048x2304xbf16, #tpu.memory_space<vmem>>, vector<2048x64xbf16>
    %get3A_251 = arith.constant 0 : index
    %get3A_252 = arith.constant 2048 : index
    %get3A_253 = vector.load %arg2[%get3A_251, %get3A_252] : memref<2048x2304xbf16, #tpu.memory_space<vmem>>, vector<2048x64xbf16>
    %dot_general3A_254 = arith.constant dense<0.000000e+00> : vector<512x2048xf32>
    %dot_general3A_255 = tpu.matmul %get3A_247, %get3A_250, %dot_general3A_254 {dimension_numbers = #tpu.dot_dimension_numbers<[1], [1], [0], [0], [0, 0, 1, 0], [], []>, transpose_lhs_hint = false} : vector<512x64xbf16>, vector<2048x64xbf16>, vector<512x2048xf32> -> vector<512x2048xf32>
    %mul3A_256 = arith.constant 1.250000e-01 : f32
    %mul3A_257 = vector.broadcast %mul3A_256 : f32 to vector<512x2048xf32>
    %mul3A_258 = arith.mulf %dot_general3A_255, %mul3A_257 : vector<512x2048xf32>
    %reduce_max3A_259 = arith.constant dense<0xFF800000> : vector<512xf32>
    %reduce_max3A_260 = vector.multi_reduction <maximumf>, %mul3A_258, %reduce_max3A_259 [1] : vector<512x2048xf32> to vector<512xf32>
    %broadcast_in_dim3A_261 = vector.shape_cast %reduce_max3A_260 : vector<512xf32> to vector<512x1xf32>
    %sub3A_262 = vector.broadcast %broadcast_in_dim3A_261 : vector<512x1xf32> to vector<512x2048xf32>
    %sub3A_263 = arith.subf %mul3A_258, %sub3A_262 : vector<512x2048xf32>
    %exp3A_264 = math.exp %sub3A_263 : vector<512x2048xf32>
    %reduce_sum3A_265 = arith.constant dense<0.000000e+00> : vector<512xf32>
    %reduce_sum3A_266 = vector.multi_reduction <add>, %exp3A_264, %reduce_sum3A_265 [1] : vector<512x2048xf32> to vector<512xf32>
    %broadcast_in_dim3A_267 = vector.shape_cast %reduce_sum3A_266 : vector<512xf32> to vector<512x1xf32>
    %div3A_268 = vector.broadcast %broadcast_in_dim3A_267 : vector<512x1xf32> to vector<512x2048xf32>
    %div3A_269 = arith.divf %exp3A_264, %div3A_268 : vector<512x2048xf32>
    %convert_element_type3A_270 = arith.truncf %div3A_269 : vector<512x2048xf32> to vector<512x2048xbf16>
    %dot_general3A_271 = arith.constant dense<0.000000e+00> : vector<512x64xf32>
    %dot_general3A_272 = tpu.matmul %convert_element_type3A_270, %get3A_253, %dot_general3A_271 {dimension_numbers = #tpu.dot_dimension_numbers<[1], [0], [0], [1], [0, 0, 1, 1], [], []>, transpose_lhs_hint = false} : vector<512x2048xbf16>, vector<2048x64xbf16>, vector<512x64xf32> -> vector<512x64xf32>
    %convert_element_type3A_273 = arith.truncf %dot_general3A_272 : vector<512x64xf32> to vector<512x64xbf16>
    %swap3A_274 = arith.constant 0 : index
    %swap3A_275 = arith.constant 512 : index
    %swap3A_276 = vector.load %arg3[%swap3A_274, %swap3A_275] : memref<512x768xbf16, #tpu.memory_space<vmem>>, vector<512x64xbf16>
    tpu.vector_store %arg3[%swap3A_274, %swap3A_275], %convert_element_type3A_273 {strides = array<i32>} : memref<512x768xbf16, #tpu.memory_space<vmem>>, vector<512x64xbf16>,
    %get3A_277 = arith.constant 0 : index
    %get3A_278 = arith.constant 576 : index
    %get3A_279 = vector.load %arg1[%get3A_277, %get3A_278] : memref<512x2304xbf16, #tpu.memory_space<vmem>>, vector<512x64xbf16>
    %get3A_280 = arith.constant 0 : index
    %get3A_281 = arith.constant 1344 : index
    %get3A_282 = vector.load %arg2[%get3A_280, %get3A_281] : memref<2048x2304xbf16, #tpu.memory_space<vmem>>, vector<2048x64xbf16>
    %get3A_283 = arith.constant 0 : index
    %get3A_284 = arith.constant 2112 : index
    %get3A_285 = vector.load %arg2[%get3A_283, %get3A_284] : memref<2048x2304xbf16, #tpu.memory_space<vmem>>, vector<2048x64xbf16>
    %dot_general3A_286 = arith.constant dense<0.000000e+00> : vector<512x2048xf32>
    %dot_general3A_287 = tpu.matmul %get3A_279, %get3A_282, %dot_general3A_286 {dimension_numbers = #tpu.dot_dimension_numbers<[1], [1], [0], [0], [0, 0, 1, 0], [], []>, transpose_lhs_hint = false} : vector<512x64xbf16>, vector<2048x64xbf16>, vector<512x2048xf32> -> vector<512x2048xf32>
    %mul3A_288 = arith.constant 1.250000e-01 : f32
    %mul3A_289 = vector.broadcast %mul3A_288 : f32 to vector<512x2048xf32>
    %mul3A_290 = arith.mulf %dot_general3A_287, %mul3A_289 : vector<512x2048xf32>
    %reduce_max3A_291 = arith.constant dense<0xFF800000> : vector<512xf32>
    %reduce_max3A_292 = vector.multi_reduction <maximumf>, %mul3A_290, %reduce_max3A_291 [1] : vector<512x2048xf32> to vector<512xf32>
    %broadcast_in_dim3A_293 = vector.shape_cast %reduce_max3A_292 : vector<512xf32> to vector<512x1xf32>
    %sub3A_294 = vector.broadcast %broadcast_in_dim3A_293 : vector<512x1xf32> to vector<512x2048xf32>
    %sub3A_295 = arith.subf %mul3A_290, %sub3A_294 : vector<512x2048xf32>
    %exp3A_296 = math.exp %sub3A_295 : vector<512x2048xf32>
    %reduce_sum3A_297 = arith.constant dense<0.000000e+00> : vector<512xf32>
    %reduce_sum3A_298 = vector.multi_reduction <add>, %exp3A_296, %reduce_sum3A_297 [1] : vector<512x2048xf32> to vector<512xf32>
    %broadcast_in_dim3A_299 = vector.shape_cast %reduce_sum3A_298 : vector<512xf32> to vector<512x1xf32>
    %div3A_300 = vector.broadcast %broadcast_in_dim3A_299 : vector<512x1xf32> to vector<512x2048xf32>
    %div3A_301 = arith.divf %exp3A_296, %div3A_300 : vector<512x2048xf32>
    %convert_element_type3A_302 = arith.truncf %div3A_301 : vector<512x2048xf32> to vector<512x2048xbf16>
    %dot_general3A_303 = arith.constant dense<0.000000e+00> : vector<512x64xf32>
    %dot_general3A_304 = tpu.matmul %convert_element_type3A_302, %get3A_285, %dot_general3A_303 {dimension_numbers = #tpu.dot_dimension_numbers<[1], [0], [0], [1], [0, 0, 1, 1], [], []>, transpose_lhs_hint = false} : vector<512x2048xbf16>, vector<2048x64xbf16>, vector<512x64xf32> -> vector<512x64xf32>
    %convert_element_type3A_305 = arith.truncf %dot_general3A_304 : vector<512x64xf32> to vector<512x64xbf16>
    %swap3A_306 = arith.constant 0 : index
    %swap3A_307 = arith.constant 576 : index
    %swap3A_308 = vector.load %arg3[%swap3A_306, %swap3A_307] : memref<512x768xbf16, #tpu.memory_space<vmem>>, vector<512x64xbf16>
    tpu.vector_store %arg3[%swap3A_306, %swap3A_307], %convert_element_type3A_305 {strides = array<i32>} : memref<512x768xbf16, #tpu.memory_space<vmem>>, vector<512x64xbf16>,
    %get3A_309 = arith.constant 0 : index
    %get3A_310 = arith.constant 640 : index
    %get3A_311 = vector.load %arg1[%get3A_309, %get3A_310] : memref<512x2304xbf16, #tpu.memory_space<vmem>>, vector<512x64xbf16>
    %get3A_312 = arith.constant 0 : index
    %get3A_313 = arith.constant 1408 : index
    %get3A_314 = vector.load %arg2[%get3A_312, %get3A_313] : memref<2048x2304xbf16, #tpu.memory_space<vmem>>, vector<2048x64xbf16>
    %get3A_315 = arith.constant 0 : index
    %get3A_316 = arith.constant 2176 : index
    %get3A_317 = vector.load %arg2[%get3A_315, %get3A_316] : memref<2048x2304xbf16, #tpu.memory_space<vmem>>, vector<2048x64xbf16>
    %dot_general3A_318 = arith.constant dense<0.000000e+00> : vector<512x2048xf32>
    %dot_general3A_319 = tpu.matmul %get3A_311, %get3A_314, %dot_general3A_318 {dimension_numbers = #tpu.dot_dimension_numbers<[1], [1], [0], [0], [0, 0, 1, 0], [], []>, transpose_lhs_hint = false} : vector<512x64xbf16>, vector<2048x64xbf16>, vector<512x2048xf32> -> vector<512x2048xf32>
    %mul3A_320 = arith.constant 1.250000e-01 : f32
    %mul3A_321 = vector.broadcast %mul3A_320 : f32 to vector<512x2048xf32>
    %mul3A_322 = arith.mulf %dot_general3A_319, %mul3A_321 : vector<512x2048xf32>
    %reduce_max3A_323 = arith.constant dense<0xFF800000> : vector<512xf32>
    %reduce_max3A_324 = vector.multi_reduction <maximumf>, %mul3A_322, %reduce_max3A_323 [1] : vector<512x2048xf32> to vector<512xf32>
    %broadcast_in_dim3A_325 = vector.shape_cast %reduce_max3A_324 : vector<512xf32> to vector<512x1xf32>
    %sub3A_326 = vector.broadcast %broadcast_in_dim3A_325 : vector<512x1xf32> to vector<512x2048xf32>
    %sub3A_327 = arith.subf %mul3A_322, %sub3A_326 : vector<512x2048xf32>
    %exp3A_328 = math.exp %sub3A_327 : vector<512x2048xf32>
    %reduce_sum3A_329 = arith.constant dense<0.000000e+00> : vector<512xf32>
    %reduce_sum3A_330 = vector.multi_reduction <add>, %exp3A_328, %reduce_sum3A_329 [1] : vector<512x2048xf32> to vector<512xf32>
    %broadcast_in_dim3A_331 = vector.shape_cast %reduce_sum3A_330 : vector<512xf32> to vector<512x1xf32>
    %div3A_332 = vector.broadcast %broadcast_in_dim3A_331 : vector<512x1xf32> to vector<512x2048xf32>
    %div3A_333 = arith.divf %exp3A_328, %div3A_332 : vector<512x2048xf32>
    %convert_element_type3A_334 = arith.truncf %div3A_333 : vector<512x2048xf32> to vector<512x2048xbf16>
    %dot_general3A_335 = arith.constant dense<0.000000e+00> : vector<512x64xf32>
    %dot_general3A_336 = tpu.matmul %convert_element_type3A_334, %get3A_317, %dot_general3A_335 {dimension_numbers = #tpu.dot_dimension_numbers<[1], [0], [0], [1], [0, 0, 1, 1], [], []>, transpose_lhs_hint = false} : vector<512x2048xbf16>, vector<2048x64xbf16>, vector<512x64xf32> -> vector<512x64xf32>
    %convert_element_type3A_337 = arith.truncf %dot_general3A_336 : vector<512x64xf32> to vector<512x64xbf16>
    %swap3A_338 = arith.constant 0 : index
    %swap3A_339 = arith.constant 640 : index
    %swap3A_340 = vector.load %arg3[%swap3A_338, %swap3A_339] : memref<512x768xbf16, #tpu.memory_space<vmem>>, vector<512x64xbf16>
    tpu.vector_store %arg3[%swap3A_338, %swap3A_339], %convert_element_type3A_337 {strides = array<i32>} : memref<512x768xbf16, #tpu.memory_space<vmem>>, vector<512x64xbf16>,
    %get3A_341 = arith.constant 0 : index
    %get3A_342 = arith.constant 704 : index
    %get3A_343 = vector.load %arg1[%get3A_341, %get3A_342] : memref<512x2304xbf16, #tpu.memory_space<vmem>>, vector<512x64xbf16>
    %get3A_344 = arith.constant 0 : index
    %get3A_345 = arith.constant 1472 : index
    %get3A_346 = vector.load %arg2[%get3A_344, %get3A_345] : memref<2048x2304xbf16, #tpu.memory_space<vmem>>, vector<2048x64xbf16>
    %get3A_347 = arith.constant 0 : index
    %get3A_348 = arith.constant 2240 : index
    %get3A_349 = vector.load %arg2[%get3A_347, %get3A_348] : memref<2048x2304xbf16, #tpu.memory_space<vmem>>, vector<2048x64xbf16>
    %dot_general3A_350 = arith.constant dense<0.000000e+00> : vector<512x2048xf32>
    %dot_general3A_351 = tpu.matmul %get3A_343, %get3A_346, %dot_general3A_350 {dimension_numbers = #tpu.dot_dimension_numbers<[1], [1], [0], [0], [0, 0, 1, 0], [], []>, transpose_lhs_hint = false} : vector<512x64xbf16>, vector<2048x64xbf16>, vector<512x2048xf32> -> vector<512x2048xf32>
    %mul3A_352 = arith.constant 1.250000e-01 : f32
    %mul3A_353 = vector.broadcast %mul3A_352 : f32 to vector<512x2048xf32>
    %mul3A_354 = arith.mulf %dot_general3A_351, %mul3A_353 : vector<512x2048xf32>
    %reduce_max3A_355 = arith.constant dense<0xFF800000> : vector<512xf32>
    %reduce_max3A_356 = vector.multi_reduction <maximumf>, %mul3A_354, %reduce_max3A_355 [1] : vector<512x2048xf32> to vector<512xf32>
    %broadcast_in_dim3A_357 = vector.shape_cast %reduce_max3A_356 : vector<512xf32> to vector<512x1xf32>
    %sub3A_358 = vector.broadcast %broadcast_in_dim3A_357 : vector<512x1xf32> to vector<512x2048xf32>
    %sub3A_359 = arith.subf %mul3A_354, %sub3A_358 : vector<512x2048xf32>
    %exp3A_360 = math.exp %sub3A_359 : vector<512x2048xf32>
    %reduce_sum3A_361 = arith.constant dense<0.000000e+00> : vector<512xf32>
    %reduce_sum3A_362 = vector.multi_reduction <add>, %exp3A_360, %reduce_sum3A_361 [1] : vector<512x2048xf32> to vector<512xf32>
    %broadcast_in_dim3A_363 = vector.shape_cast %reduce_sum3A_362 : vector<512xf32> to vector<512x1xf32>
    %div3A_364 = vector.broadcast %broadcast_in_dim3A_363 : vector<512x1xf32> to vector<512x2048xf32>
    %div3A_365 = arith.divf %exp3A_360, %div3A_364 : vector<512x2048xf32>
    %convert_element_type3A_366 = arith.truncf %div3A_365 : vector<512x2048xf32> to vector<512x2048xbf16>
    %dot_general3A_367 = arith.constant dense<0.000000e+00> : vector<512x64xf32>
    %dot_general3A_368 = tpu.matmul %convert_element_type3A_366, %get3A_349, %dot_general3A_367 {dimension_numbers = #tpu.dot_dimension_numbers<[1], [0], [0], [1], [0, 0, 1, 1], [], []>, transpose_lhs_hint = false} : vector<512x2048xbf16>, vector<2048x64xbf16>, vector<512x64xf32> -> vector<512x64xf32>
    %convert_element_type3A_369 = arith.truncf %dot_general3A_368 : vector<512x64xf32> to vector<512x64xbf16>
    %swap3A_370 = arith.constant 0 : index
    %swap3A_371 = arith.constant 704 : index
    %swap3A_372 = vector.load %arg3[%swap3A_370, %swap3A_371] : memref<512x768xbf16, #tpu.memory_space<vmem>>, vector<512x64xbf16>
    tpu.vector_store %arg3[%swap3A_370, %swap3A_371], %convert_element_type3A_369 {strides = array<i32>} : memref<512x768xbf16, #tpu.memory_space<vmem>>, vector<512x64xbf16>,
    return
  }
  func.func @transform_0(%arg0: i32) -> (i32, i32) {
    %c0_i32 = arith.constant 0 : i32
    %c0_i32_0 = arith.constant 0 : i32
    return %arg0, %c0_i32 : i32, i32
  }
  func.func @transform_1(%arg0: i32) -> (i32, i32) {
    %c0_i32 = arith.constant 0 : i32
    %c0_i32_0 = arith.constant 0 : i32
    %c0_i32_1 = arith.constant 0 : i32
    return %c0_i32, %c0_i32_0 : i32, i32
  }
  func.func @transform_2(%arg0: i32) -> (i32, i32) {
    %c0_i32 = arith.constant 0 : i32
    %c0_i32_0 = arith.constant 0 : i32
    return %arg0, %c0_i32 : i32, i32
  }
}

module attributes {stable_mosaic.version = 14 : i64} {
  func.func @_proj_gate_kernel(%arg0: i32, %arg1: memref<256x768xbf16, #tpu.memory_space<vmem>>, %arg2: memref<256x768xf32, #tpu.memory_space<vmem>>, %arg3: memref<768x768xbf16, #tpu.memory_space<vmem>>, %arg4: memref<1x768xf32, #tpu.memory_space<vmem>>, %arg5: memref<1x768xf32, #tpu.memory_space<vmem>>, %arg6: memref<1x768xf32, #tpu.memory_space<vmem>>, %arg7: memref<768x128xf32, #tpu.memory_space<vmem>>, %arg8: memref<1x128xf32, #tpu.memory_space<vmem>>, %arg9: memref<256x768xf32, #tpu.memory_space<vmem>>, %arg10: memref<256x768xf32, #tpu.memory_space<vmem>>, %arg11: memref<256x128xf32, #tpu.memory_space<vmem>>) attributes {dimension_semantics = [#tpu.dimension_semantics<arbitrary>], iteration_bounds = array<i64: 8>, scalar_prefetch = 0 : i64, scratch_operands = 0 : i64, tpu.core_type = #tpu.core_type<tc>, window_params = [{transform_indices = @transform_0, window_bounds = array<i64: 256, 768>}, {transform_indices = @transform_1, window_bounds = array<i64: 256, 768>}, {pipeline_mode = #tpu.pipeline_mode<synchronous>, transform_indices = @transform_2, window_bounds = array<i64: 768, 768>}, {pipeline_mode = #tpu.pipeline_mode<synchronous>, transform_indices = @transform_3, window_bounds = array<i64: 1, 768>}, {pipeline_mode = #tpu.pipeline_mode<synchronous>, transform_indices = @transform_4, window_bounds = array<i64: 1, 768>}, {pipeline_mode = #tpu.pipeline_mode<synchronous>, transform_indices = @transform_5, window_bounds = array<i64: 1, 768>}, {pipeline_mode = #tpu.pipeline_mode<synchronous>, transform_indices = @transform_6, window_bounds = array<i64: 768, 128>}, {pipeline_mode = #tpu.pipeline_mode<synchronous>, transform_indices = @transform_7, window_bounds = array<i64: 1, 128>}, {transform_indices = @transform_8, window_bounds = array<i64: 256, 768>}, {transform_indices = @transform_9, window_bounds = array<i64: 256, 768>}, {transform_indices = @transform_10, window_bounds = array<i64: 256, 128>}]} {
    %get3A = arith.constant 0 : index
    %get3A_0 = arith.constant 0 : index
    %get3A_1 = vector.load %arg2[%get3A, %get3A_0] : memref<256x768xf32, #tpu.memory_space<vmem>>, vector<256x768xf32>
    %get3A_2 = arith.constant 0 : index
    %get3A_3 = arith.constant 0 : index
    %get3A_4 = vector.load %arg1[%get3A_2, %get3A_3] : memref<256x768xbf16, #tpu.memory_space<vmem>>, vector<256x768xbf16>
    %get3A_5 = arith.constant 0 : index
    %get3A_6 = arith.constant 0 : index
    %get3A_7 = vector.load %arg3[%get3A_5, %get3A_6] : memref<768x768xbf16, #tpu.memory_space<vmem>>, vector<768x768xbf16>
    %dot_general3A = arith.constant dense<0.000000e+00> : vector<256x768xf32>
    %dot_general3A_8 = tpu.matmul %get3A_4, %get3A_7, %dot_general3A {dimension_numbers = #tpu.dot_dimension_numbers<[1], [0], [0], [1], [0, 0, 1, 1], [], []>, transpose_lhs_hint = false} : vector<256x768xbf16>, vector<768x768xbf16>, vector<256x768xf32> -> vector<256x768xf32>
    %add3A = arith.addf %get3A_1, %dot_general3A_8 : vector<256x768xf32>
    %get3A_9 = arith.constant 0 : index
    %get3A_10 = arith.constant 0 : index
    %get3A_11 = vector.load %arg4[%get3A_9, %get3A_10] : memref<1x768xf32, #tpu.memory_space<vmem>>, vector<1x768xf32>
    %add3A_12 = vector.broadcast %get3A_11 : vector<1x768xf32> to vector<256x768xf32>
    %add3A_13 = arith.addf %add3A, %add3A_12 : vector<256x768xf32>
    %swap3A = arith.constant 0 : index
    %swap3A_14 = arith.constant 0 : index
    %swap3A_15 = vector.load %arg9[%swap3A, %swap3A_14] : memref<256x768xf32, #tpu.memory_space<vmem>>, vector<256x768xf32>
    tpu.vector_store %arg9[%swap3A, %swap3A_14], %add3A_13 {strides = array<i32>} : memref<256x768xf32, #tpu.memory_space<vmem>>, vector<256x768xf32>,
    %get3A_16 = arith.constant 0 : index
    %get3A_17 = arith.constant 0 : index
    %get3A_18 = vector.load %arg5[%get3A_16, %get3A_17] : memref<1x768xf32, #tpu.memory_space<vmem>>, vector<1x768xf32>
    %get3A_19 = arith.constant 0 : index
    %get3A_20 = arith.constant 0 : index
    %get3A_21 = vector.load %arg6[%get3A_19, %get3A_20] : memref<1x768xf32, #tpu.memory_space<vmem>>, vector<1x768xf32>
    %reduce_sum3A = arith.constant dense<0.000000e+00> : vector<256xf32>
    %reduce_sum3A_22 = vector.multi_reduction <add>, %add3A_13, %reduce_sum3A [1] : vector<256x768xf32> to vector<256xf32>
    %broadcast_in_dim3A = vector.shape_cast %reduce_sum3A_22 : vector<256xf32> to vector<256x1xf32>
    %div3A = arith.constant 7.680000e+02 : f32
    %div3A_23 = vector.broadcast %div3A : f32 to vector<256x1xf32>
    %div3A_24 = arith.divf %broadcast_in_dim3A, %div3A_23 : vector<256x1xf32>
    %sub3A = vector.broadcast %div3A_24 : vector<256x1xf32> to vector<256x768xf32>
    %sub3A_25 = arith.subf %add3A_13, %sub3A : vector<256x768xf32>
    %mul3A = arith.mulf %sub3A_25, %sub3A_25 : vector<256x768xf32>
    %reduce_sum3A_26 = arith.constant dense<0.000000e+00> : vector<256xf32>
    %reduce_sum3A_27 = vector.multi_reduction <add>, %mul3A, %reduce_sum3A_26 [1] : vector<256x768xf32> to vector<256xf32>
    %broadcast_in_dim3A_28 = vector.shape_cast %reduce_sum3A_27 : vector<256xf32> to vector<256x1xf32>
    %div3A_29 = arith.constant 7.680000e+02 : f32
    %div3A_30 = vector.broadcast %div3A_29 : f32 to vector<256x1xf32>
    %div3A_31 = arith.divf %broadcast_in_dim3A_28, %div3A_30 : vector<256x1xf32>
    %add3A_32 = arith.constant 9.99999974E-6 : f32
    %add3A_33 = vector.broadcast %add3A_32 : f32 to vector<256x1xf32>
    %add3A_34 = arith.addf %div3A_31, %add3A_33 : vector<256x1xf32>
    %rsqrt3A = math.rsqrt %add3A_34 : vector<256x1xf32>
    %mul3A_35 = vector.broadcast %rsqrt3A : vector<256x1xf32> to vector<256x768xf32>
    %mul3A_36 = arith.mulf %sub3A_25, %mul3A_35 : vector<256x768xf32>
    %mul3A_37 = vector.broadcast %get3A_18 : vector<1x768xf32> to vector<256x768xf32>
    %mul3A_38 = arith.mulf %mul3A_36, %mul3A_37 : vector<256x768xf32>
    %add3A_39 = vector.broadcast %get3A_21 : vector<1x768xf32> to vector<256x768xf32>
    %add3A_40 = arith.addf %mul3A_38, %add3A_39 : vector<256x768xf32>
    %swap3A_41 = arith.constant 0 : index
    %swap3A_42 = arith.constant 0 : index
    %swap3A_43 = vector.load %arg10[%swap3A_41, %swap3A_42] : memref<256x768xf32, #tpu.memory_space<vmem>>, vector<256x768xf32>
    tpu.vector_store %arg10[%swap3A_41, %swap3A_42], %add3A_40 {strides = array<i32>} : memref<256x768xf32, #tpu.memory_space<vmem>>, vector<256x768xf32>,
    %get3A_44 = arith.constant 0 : index
    %get3A_45 = arith.constant 0 : index
    %get3A_46 = vector.load %arg7[%get3A_44, %get3A_45] : memref<768x128xf32, #tpu.memory_space<vmem>>, vector<768x128xf32>
    %dot_general3A_47 = arith.constant dense<0.000000e+00> : vector<256x128xf32>
    %dot_general3A_48 = tpu.matmul %add3A_40, %get3A_46, %dot_general3A_47 {dimension_numbers = #tpu.dot_dimension_numbers<[1], [0], [0], [1], [0, 0, 1, 1], [], []>, transpose_lhs_hint = false} : vector<256x768xf32>, vector<768x128xf32>, vector<256x128xf32> -> vector<256x128xf32>
    %get3A_49 = arith.constant 0 : index
    %get3A_50 = arith.constant 0 : index
    %get3A_51 = vector.load %arg8[%get3A_49, %get3A_50] : memref<1x128xf32, #tpu.memory_space<vmem>>, vector<1x128xf32>
    %add3A_52 = vector.broadcast %get3A_51 : vector<1x128xf32> to vector<256x128xf32>
    %add3A_53 = arith.addf %dot_general3A_48, %add3A_52 : vector<256x128xf32>
    %logistic3A = arith.negf %add3A_53 : vector<256x128xf32>
    %logistic3A_54 = math.exp %logistic3A : vector<256x128xf32>
    %logistic3A_55 = arith.constant 1.000000e+00 : f32
    %logistic3A_56 = vector.broadcast %logistic3A_55 : f32 to vector<256x128xf32>
    %logistic3A_57 = arith.addf %logistic3A_56, %logistic3A_54 : vector<256x128xf32>
    %logistic3A_58 = arith.divf %logistic3A_56, %logistic3A_57 : vector<256x128xf32>
    %swap3A_59 = arith.constant 0 : index
    %swap3A_60 = arith.constant 0 : index
    %swap3A_61 = vector.load %arg11[%swap3A_59, %swap3A_60] : memref<256x128xf32, #tpu.memory_space<vmem>>, vector<256x128xf32>
    tpu.vector_store %arg11[%swap3A_59, %swap3A_60], %logistic3A_58 {strides = array<i32>} : memref<256x128xf32, #tpu.memory_space<vmem>>, vector<256x128xf32>,
    return
  }
  func.func @transform_0(%arg0: i32) -> (i32, i32) {
    %c0_i32 = arith.constant 0 : i32
    %c0_i32_0 = arith.constant 0 : i32
    return %arg0, %c0_i32 : i32, i32
  }
  func.func @transform_1(%arg0: i32) -> (i32, i32) {
    %c0_i32 = arith.constant 0 : i32
    %c0_i32_0 = arith.constant 0 : i32
    return %arg0, %c0_i32 : i32, i32
  }
  func.func @transform_2(%arg0: i32) -> (i32, i32) {
    %c0_i32 = arith.constant 0 : i32
    %c0_i32_0 = arith.constant 0 : i32
    %c0_i32_1 = arith.constant 0 : i32
    return %c0_i32, %c0_i32_0 : i32, i32
  }
  func.func @transform_3(%arg0: i32) -> (i32, i32) {
    %c0_i32 = arith.constant 0 : i32
    %c0_i32_0 = arith.constant 0 : i32
    %c0_i32_1 = arith.constant 0 : i32
    return %c0_i32, %c0_i32_0 : i32, i32
  }
  func.func @transform_4(%arg0: i32) -> (i32, i32) {
    %c0_i32 = arith.constant 0 : i32
    %c0_i32_0 = arith.constant 0 : i32
    %c0_i32_1 = arith.constant 0 : i32
    return %c0_i32, %c0_i32_0 : i32, i32
  }
  func.func @transform_5(%arg0: i32) -> (i32, i32) {
    %c0_i32 = arith.constant 0 : i32
    %c0_i32_0 = arith.constant 0 : i32
    %c0_i32_1 = arith.constant 0 : i32
    return %c0_i32, %c0_i32_0 : i32, i32
  }
  func.func @transform_6(%arg0: i32) -> (i32, i32) {
    %c0_i32 = arith.constant 0 : i32
    %c0_i32_0 = arith.constant 0 : i32
    %c0_i32_1 = arith.constant 0 : i32
    return %c0_i32, %c0_i32_0 : i32, i32
  }
  func.func @transform_7(%arg0: i32) -> (i32, i32) {
    %c0_i32 = arith.constant 0 : i32
    %c0_i32_0 = arith.constant 0 : i32
    %c0_i32_1 = arith.constant 0 : i32
    return %c0_i32, %c0_i32_0 : i32, i32
  }
  func.func @transform_8(%arg0: i32) -> (i32, i32) {
    %c0_i32 = arith.constant 0 : i32
    %c0_i32_0 = arith.constant 0 : i32
    return %arg0, %c0_i32 : i32, i32
  }
  func.func @transform_9(%arg0: i32) -> (i32, i32) {
    %c0_i32 = arith.constant 0 : i32
    %c0_i32_0 = arith.constant 0 : i32
    return %arg0, %c0_i32 : i32, i32
  }
  func.func @transform_10(%arg0: i32) -> (i32, i32) {
    %c0_i32 = arith.constant 0 : i32
    %c0_i32_0 = arith.constant 0 : i32
    return %arg0, %c0_i32 : i32, i32
  }
}

module attributes {stable_mosaic.version = 14 : i64} {
  func.func @_router_kernel(%arg0: i32, %arg1: memref<256x128xf32, #tpu.memory_space<vmem>>, %arg2: memref<1x128xf32, #tpu.memory_space<vmem>>, %arg3: memref<256x128xi32, #tpu.memory_space<vmem>>, %arg4: memref<256x128xf32, #tpu.memory_space<vmem>>, %arg5: memref<256x128xf32, #tpu.memory_space<vmem>>, %arg6: memref<1x1x128xf32, #tpu.memory_space<vmem>>, %arg7: memref<1x1x128xf32, #tpu.memory_space<vmem>>, %arg8: memref<1x128xf32, #tpu.memory_space<vmem>>) attributes {dimension_semantics = [#tpu.dimension_semantics<arbitrary>], iteration_bounds = array<i64: 8>, scalar_prefetch = 0 : i64, scratch_operands = 1 : i64, tpu.core_type = #tpu.core_type<tc>, window_params = [{transform_indices = @transform_0, window_bounds = array<i64: 256, 128>}, {pipeline_mode = #tpu.pipeline_mode<synchronous>, transform_indices = @transform_1, window_bounds = array<i64: 1, 128>}, {transform_indices = @transform_2, window_bounds = array<i64: 256, 128>}, {transform_indices = @transform_3, window_bounds = array<i64: 256, 128>}, {transform_indices = @transform_4, window_bounds = array<i64: 256, 128>}, {transform_indices = @transform_5, window_bounds = array<i64: 1, 1, 128>}, {transform_indices = @transform_6, window_bounds = array<i64: 1, 1, 128>}]} {
    %get3A = arith.constant 0 : index
    %get3A_0 = arith.constant 0 : index
    %get3A_1 = vector.load %arg1[%get3A, %get3A_0] : memref<256x128xf32, #tpu.memory_space<vmem>>, vector<256x128xf32>
    %iota3A = tpu.iota {dimensions = array<i32: 1>} : vector<256x128xi32>
    %get3A_2 = arith.constant 0 : index
    %get3A_3 = arith.constant 0 : index
    %get3A_4 = vector.load %arg2[%get3A_2, %get3A_3] : memref<1x128xf32, #tpu.memory_space<vmem>>, vector<1x128xf32>
    %add3A = vector.broadcast %get3A_4 : vector<1x128xf32> to vector<256x128xf32>
    %add3A_5 = arith.addf %get3A_1, %add3A : vector<256x128xf32>
    %reduce_max3A = arith.constant dense<0xFF800000> : vector<256xf32>
    %reduce_max3A_6 = vector.multi_reduction <maximumf>, %add3A_5, %reduce_max3A [1] : vector<256x128xf32> to vector<256xf32>
    %broadcast_in_dim3A = vector.shape_cast %reduce_max3A_6 : vector<256xf32> to vector<256x1xf32>
    %eq3A = vector.broadcast %broadcast_in_dim3A : vector<256x1xf32> to vector<256x128xf32>
    %eq3A_7 = arith.cmpf oeq, %add3A_5, %eq3A : vector<256x128xf32>
    %jit3A = arith.constant 128 : i32
    %broadcast_in_dim3A_8 = vector.broadcast %jit3A : i32 to vector<256x128xi32>
    %select_n3A = arith.select %eq3A_7, %iota3A, %broadcast_in_dim3A_8 : vector<256x128xi1>, vector<256x128xi32>
    %reduce_min3A = arith.constant dense<2147483647> : vector<256xi32>
    %reduce_min3A_9 = vector.multi_reduction <minsi>, %select_n3A, %reduce_min3A [1] : vector<256x128xi32> to vector<256xi32>
    %broadcast_in_dim3A_10 = vector.shape_cast %reduce_min3A_9 : vector<256xi32> to vector<256x1xi32>
    %eq3A_11 = vector.broadcast %broadcast_in_dim3A_10 : vector<256x1xi32> to vector<256x128xi32>
    %eq3A_12 = arith.cmpi eq, %iota3A, %eq3A_11 : vector<256x128xi32>
    %jit3A_13 = arith.constant 0.000000e+00 : f32
    %broadcast_in_dim3A_14 = vector.broadcast %jit3A_13 : f32 to vector<256x128xf32>
    %select_n3A_15 = arith.select %eq3A_12, %get3A_1, %broadcast_in_dim3A_14 : vector<256x128xi1>, vector<256x128xf32>
    %reduce_sum3A = arith.constant dense<0.000000e+00> : vector<256xf32>
    %reduce_sum3A_16 = vector.multi_reduction <add>, %select_n3A_15, %reduce_sum3A [1] : vector<256x128xf32> to vector<256xf32>
    %broadcast_in_dim3A_17 = vector.shape_cast %reduce_sum3A_16 : vector<256xf32> to vector<256x1xf32>
    %eq3A_18 = vector.broadcast %broadcast_in_dim3A_10 : vector<256x1xi32> to vector<256x128xi32>
    %eq3A_19 = arith.cmpi eq, %iota3A, %eq3A_18 : vector<256x128xi32>
    %jit3A_20 = arith.constant -1.000000e+30 : f32
    %broadcast_in_dim3A_21 = vector.broadcast %jit3A_20 : f32 to vector<256x128xf32>
    %select_n3A_22 = arith.select %eq3A_19, %broadcast_in_dim3A_21, %add3A_5 : vector<256x128xi1>, vector<256x128xf32>
    %reduce_max3A_23 = arith.constant dense<0xFF800000> : vector<256xf32>
    %reduce_max3A_24 = vector.multi_reduction <maximumf>, %select_n3A_22, %reduce_max3A_23 [1] : vector<256x128xf32> to vector<256xf32>
    %broadcast_in_dim3A_25 = vector.shape_cast %reduce_max3A_24 : vector<256xf32> to vector<256x1xf32>
    %eq3A_26 = vector.broadcast %broadcast_in_dim3A_25 : vector<256x1xf32> to vector<256x128xf32>
    %eq3A_27 = arith.cmpf oeq, %select_n3A_22, %eq3A_26 : vector<256x128xf32>
    %jit3A_28 = arith.constant 128 : i32
    %broadcast_in_dim3A_29 = vector.broadcast %jit3A_28 : i32 to vector<256x128xi32>
    %select_n3A_30 = arith.select %eq3A_27, %iota3A, %broadcast_in_dim3A_29 : vector<256x128xi1>, vector<256x128xi32>
    %reduce_min3A_31 = arith.constant dense<2147483647> : vector<256xi32>
    %reduce_min3A_32 = vector.multi_reduction <minsi>, %select_n3A_30, %reduce_min3A_31 [1] : vector<256x128xi32> to vector<256xi32>
    %broadcast_in_dim3A_33 = vector.shape_cast %reduce_min3A_32 : vector<256xi32> to vector<256x1xi32>
    %eq3A_34 = vector.broadcast %broadcast_in_dim3A_33 : vector<256x1xi32> to vector<256x128xi32>
    %eq3A_35 = arith.cmpi eq, %iota3A, %eq3A_34 : vector<256x128xi32>
    %jit3A_36 = arith.constant 0.000000e+00 : f32
    %broadcast_in_dim3A_37 = vector.broadcast %jit3A_36 : f32 to vector<256x128xf32>
    %select_n3A_38 = arith.select %eq3A_35, %get3A_1, %broadcast_in_dim3A_37 : vector<256x128xi1>, vector<256x128xf32>
    %reduce_sum3A_39 = arith.constant dense<0.000000e+00> : vector<256xf32>
    %reduce_sum3A_40 = vector.multi_reduction <add>, %select_n3A_38, %reduce_sum3A_39 [1] : vector<256x128xf32> to vector<256xf32>
    %broadcast_in_dim3A_41 = vector.shape_cast %reduce_sum3A_40 : vector<256xf32> to vector<256x1xf32>
    %eq3A_42 = vector.broadcast %broadcast_in_dim3A_33 : vector<256x1xi32> to vector<256x128xi32>
    %eq3A_43 = arith.cmpi eq, %iota3A, %eq3A_42 : vector<256x128xi32>
    %jit3A_44 = arith.constant -1.000000e+30 : f32
    %broadcast_in_dim3A_45 = vector.broadcast %jit3A_44 : f32 to vector<256x128xf32>
    %select_n3A_46 = arith.select %eq3A_43, %broadcast_in_dim3A_45, %select_n3A_22 : vector<256x128xi1>, vector<256x128xf32>
    %reduce_max3A_47 = arith.constant dense<0xFF800000> : vector<256xf32>
    %reduce_max3A_48 = vector.multi_reduction <maximumf>, %select_n3A_46, %reduce_max3A_47 [1] : vector<256x128xf32> to vector<256xf32>
    %broadcast_in_dim3A_49 = vector.shape_cast %reduce_max3A_48 : vector<256xf32> to vector<256x1xf32>
    %eq3A_50 = vector.broadcast %broadcast_in_dim3A_49 : vector<256x1xf32> to vector<256x128xf32>
    %eq3A_51 = arith.cmpf oeq, %select_n3A_46, %eq3A_50 : vector<256x128xf32>
    %jit3A_52 = arith.constant 128 : i32
    %broadcast_in_dim3A_53 = vector.broadcast %jit3A_52 : i32 to vector<256x128xi32>
    %select_n3A_54 = arith.select %eq3A_51, %iota3A, %broadcast_in_dim3A_53 : vector<256x128xi1>, vector<256x128xi32>
    %reduce_min3A_55 = arith.constant dense<2147483647> : vector<256xi32>
    %reduce_min3A_56 = vector.multi_reduction <minsi>, %select_n3A_54, %reduce_min3A_55 [1] : vector<256x128xi32> to vector<256xi32>
    %broadcast_in_dim3A_57 = vector.shape_cast %reduce_min3A_56 : vector<256xi32> to vector<256x1xi32>
    %eq3A_58 = vector.broadcast %broadcast_in_dim3A_57 : vector<256x1xi32> to vector<256x128xi32>
    %eq3A_59 = arith.cmpi eq, %iota3A, %eq3A_58 : vector<256x128xi32>
    %jit3A_60 = arith.constant 0.000000e+00 : f32
    %broadcast_in_dim3A_61 = vector.broadcast %jit3A_60 : f32 to vector<256x128xf32>
    %select_n3A_62 = arith.select %eq3A_59, %get3A_1, %broadcast_in_dim3A_61 : vector<256x128xi1>, vector<256x128xf32>
    %reduce_sum3A_63 = arith.constant dense<0.000000e+00> : vector<256xf32>
    %reduce_sum3A_64 = vector.multi_reduction <add>, %select_n3A_62, %reduce_sum3A_63 [1] : vector<256x128xf32> to vector<256xf32>
    %broadcast_in_dim3A_65 = vector.shape_cast %reduce_sum3A_64 : vector<256xf32> to vector<256x1xf32>
    %add3A_66 = arith.addf %broadcast_in_dim3A_17, %broadcast_in_dim3A_41 : vector<256x1xf32>
    %add3A_67 = arith.addf %add3A_66, %broadcast_in_dim3A_65 : vector<256x1xf32>
    %eq3A_68 = arith.constant 0 : i32
    %eq3A_69 = vector.broadcast %eq3A_68 : i32 to vector<256x128xi32>
    %eq3A_70 = arith.cmpi eq, %iota3A, %eq3A_69 : vector<256x128xi32>
    %eq3A_71 = arith.constant 1 : i32
    %eq3A_72 = vector.broadcast %eq3A_71 : i32 to vector<256x128xi32>
    %eq3A_73 = arith.cmpi eq, %iota3A, %eq3A_72 : vector<256x128xi32>
    %eq3A_74 = arith.constant 2 : i32
    %eq3A_75 = vector.broadcast %eq3A_74 : i32 to vector<256x128xi32>
    %eq3A_76 = arith.cmpi eq, %iota3A, %eq3A_75 : vector<256x128xi32>
    %jit3A_77 = arith.constant 0 : i32
    %broadcast_in_dim3A_78 = vector.shape_cast %broadcast_in_dim3A_57 : vector<256x1xi32> to vector<256x1xi32>
    %broadcast_in_dim3A_79 = vector.broadcast %broadcast_in_dim3A_78 : vector<256x1xi32> to vector<256x128xi32>
    %broadcast_in_dim3A_80 = vector.broadcast %jit3A_77 : i32 to vector<256x128xi32>
    %select_n3A_81 = arith.select %eq3A_76, %broadcast_in_dim3A_79, %broadcast_in_dim3A_80 : vector<256x128xi1>, vector<256x128xi32>
    %broadcast_in_dim3A_82 = vector.shape_cast %broadcast_in_dim3A_33 : vector<256x1xi32> to vector<256x1xi32>
    %broadcast_in_dim3A_83 = vector.broadcast %broadcast_in_dim3A_82 : vector<256x1xi32> to vector<256x128xi32>
    %select_n3A_84 = arith.select %eq3A_73, %broadcast_in_dim3A_83, %select_n3A_81 : vector<256x128xi1>, vector<256x128xi32>
    %broadcast_in_dim3A_85 = vector.shape_cast %broadcast_in_dim3A_10 : vector<256x1xi32> to vector<256x1xi32>
    %broadcast_in_dim3A_86 = vector.broadcast %broadcast_in_dim3A_85 : vector<256x1xi32> to vector<256x128xi32>
    %select_n3A_87 = arith.select %eq3A_70, %broadcast_in_dim3A_86, %select_n3A_84 : vector<256x128xi1>, vector<256x128xi32>
    %swap3A = arith.constant 0 : index
    %swap3A_88 = arith.constant 0 : index
    %swap3A_89 = vector.load %arg3[%swap3A, %swap3A_88] : memref<256x128xi32, #tpu.memory_space<vmem>>, vector<256x128xi32>
    tpu.vector_store %arg3[%swap3A, %swap3A_88], %select_n3A_87 {strides = array<i32>} : memref<256x128xi32, #tpu.memory_space<vmem>>, vector<256x128xi32>,
    %eq3A_90 = arith.constant 0 : i32
    %eq3A_91 = vector.broadcast %eq3A_90 : i32 to vector<256x128xi32>
    %eq3A_92 = arith.cmpi eq, %iota3A, %eq3A_91 : vector<256x128xi32>
    %eq3A_93 = arith.constant 1 : i32
    %eq3A_94 = vector.broadcast %eq3A_93 : i32 to vector<256x128xi32>
    %eq3A_95 = arith.cmpi eq, %iota3A, %eq3A_94 : vector<256x128xi32>
    %eq3A_96 = arith.constant 2 : i32
    %eq3A_97 = vector.broadcast %eq3A_96 : i32 to vector<256x128xi32>
    %eq3A_98 = arith.cmpi eq, %iota3A, %eq3A_97 : vector<256x128xi32>
    %jit3A_99 = arith.constant 0.000000e+00 : f32
    %broadcast_in_dim3A_100 = vector.shape_cast %broadcast_in_dim3A_65 : vector<256x1xf32> to vector<256x1xf32>
    %broadcast_in_dim3A_101 = vector.broadcast %broadcast_in_dim3A_100 : vector<256x1xf32> to vector<256x128xf32>
    %broadcast_in_dim3A_102 = vector.broadcast %jit3A_99 : f32 to vector<256x128xf32>
    %select_n3A_103 = arith.select %eq3A_98, %broadcast_in_dim3A_101, %broadcast_in_dim3A_102 : vector<256x128xi1>, vector<256x128xf32>
    %broadcast_in_dim3A_104 = vector.shape_cast %broadcast_in_dim3A_41 : vector<256x1xf32> to vector<256x1xf32>
    %broadcast_in_dim3A_105 = vector.broadcast %broadcast_in_dim3A_104 : vector<256x1xf32> to vector<256x128xf32>
    %select_n3A_106 = arith.select %eq3A_95, %broadcast_in_dim3A_105, %select_n3A_103 : vector<256x128xi1>, vector<256x128xf32>
    %broadcast_in_dim3A_107 = vector.shape_cast %broadcast_in_dim3A_17 : vector<256x1xf32> to vector<256x1xf32>
    %broadcast_in_dim3A_108 = vector.broadcast %broadcast_in_dim3A_107 : vector<256x1xf32> to vector<256x128xf32>
    %select_n3A_109 = arith.select %eq3A_92, %broadcast_in_dim3A_108, %select_n3A_106 : vector<256x128xi1>, vector<256x128xf32>
    %div3A = vector.broadcast %add3A_67 : vector<256x1xf32> to vector<256x128xf32>
    %div3A_110 = arith.divf %select_n3A_109, %div3A : vector<256x128xf32>
    %swap3A_111 = arith.constant 0 : index
    %swap3A_112 = arith.constant 0 : index
    %swap3A_113 = vector.load %arg4[%swap3A_111, %swap3A_112] : memref<256x128xf32, #tpu.memory_space<vmem>>, vector<256x128xf32>
    tpu.vector_store %arg4[%swap3A_111, %swap3A_112], %div3A_110 {strides = array<i32>} : memref<256x128xf32, #tpu.memory_space<vmem>>, vector<256x128xf32>,
    %eq3A_114 = arith.constant 0 : i32
    %eq3A_115 = arith.cmpi eq, %arg0, %eq3A_114 : i32
    %convert_element_type3A = arith.extui %eq3A_115 : i1 to i32
    %cond3A = arith.constant 0 : i32
    %cond3A_116 = arith.cmpi ne, %convert_element_type3A, %cond3A : i32
    scf.if %cond3A_116 {
      %broadcast_in_dim3A_216 = arith.constant 0.000000e+00 : f32
      %broadcast_in_dim3A_217 = vector.broadcast %broadcast_in_dim3A_216 : f32 to vector<1x128xf32>
      %swap3A_218 = arith.constant 0 : index
      %swap3A_219 = arith.constant 0 : index
      %swap3A_220 = vector.load %arg8[%swap3A_218, %swap3A_219] : memref<1x128xf32, #tpu.memory_space<vmem>>, vector<1x128xf32>
      tpu.vector_store %arg8[%swap3A_218, %swap3A_219], %broadcast_in_dim3A_217 {strides = array<i32>} : memref<1x128xf32, #tpu.memory_space<vmem>>, vector<1x128xf32>,
    } else {
    }
    %eq3A_117 = vector.broadcast %broadcast_in_dim3A_10 : vector<256x1xi32> to vector<256x128xi32>
    %eq3A_118 = arith.cmpi eq, %iota3A, %eq3A_117 : vector<256x128xi32>
    %eq3A_119 = vector.broadcast %broadcast_in_dim3A_33 : vector<256x1xi32> to vector<256x128xi32>
    %eq3A_120 = arith.cmpi eq, %iota3A, %eq3A_119 : vector<256x128xi32>
    %or3A = arith.ori %eq3A_118, %eq3A_120 : vector<256x128xi1>
    %eq3A_121 = vector.broadcast %broadcast_in_dim3A_57 : vector<256x1xi32> to vector<256x128xi32>
    %eq3A_122 = arith.cmpi eq, %iota3A, %eq3A_121 : vector<256x128xi32>
    %or3A_123 = arith.ori %or3A, %eq3A_122 : vector<256x128xi1>
    %convert_element_type3A_124 = arith.extui %or3A_123 : vector<256x128xi1> to vector<256x128xi32>
    %convert_element_type3A_125 = arith.sitofp %convert_element_type3A_124 : vector<256x128xi32> to vector<256x128xf32>
    %convert_element_type3A_126 = arith.truncf %convert_element_type3A_125 : vector<256x128xf32> to vector<256x128xbf16>
    %iota3A_127 = tpu.iota {dimensions = array<i32: 0>} : vector<256x256xi32>
    %iota3A_128 = tpu.iota {dimensions = array<i32: 1>} : vector<256x256xi32>
    %lt3A = arith.cmpi slt, %iota3A_128, %iota3A_127 : vector<256x256xi32>
    %convert_element_type3A_129 = arith.extui %lt3A : vector<256x256xi1> to vector<256x256xi32>
    %convert_element_type3A_130 = arith.sitofp %convert_element_type3A_129 : vector<256x256xi32> to vector<256x256xf32>
    %convert_element_type3A_131 = arith.truncf %convert_element_type3A_130 : vector<256x256xf32> to vector<256x256xbf16>
    %dot_general3A = arith.constant dense<0.000000e+00> : vector<256x128xf32>
    %dot_general3A_132 = tpu.matmul %convert_element_type3A_131, %convert_element_type3A_126, %dot_general3A {dimension_numbers = #tpu.dot_dimension_numbers<[1], [0], [0], [1], [0, 0, 1, 1], [], []>, transpose_lhs_hint = false} : vector<256x256xbf16>, vector<256x128xbf16>, vector<256x128xf32> -> vector<256x128xf32>
    %get3A_133 = arith.constant 0 : index
    %get3A_134 = arith.constant 0 : index
    %get3A_135 = vector.load %arg8[%get3A_133, %get3A_134] : memref<1x128xf32, #tpu.memory_space<vmem>>, vector<1x128xf32>
    %add3A_136 = vector.broadcast %get3A_135 : vector<1x128xf32> to vector<256x128xf32>
    %add3A_137 = arith.addf %dot_general3A_132, %add3A_136 : vector<256x128xf32>
    %eq3A_138 = vector.broadcast %broadcast_in_dim3A_10 : vector<256x1xi32> to vector<256x128xi32>
    %eq3A_139 = arith.cmpi eq, %iota3A, %eq3A_138 : vector<256x128xi32>
    %jit3A_140 = arith.constant 0.000000e+00 : f32
    %broadcast_in_dim3A_141 = vector.broadcast %jit3A_140 : f32 to vector<256x128xf32>
    %select_n3A_142 = arith.select %eq3A_139, %add3A_137, %broadcast_in_dim3A_141 : vector<256x128xi1>, vector<256x128xf32>
    %reduce_sum3A_143 = arith.constant dense<0.000000e+00> : vector<256xf32>
    %reduce_sum3A_144 = vector.multi_reduction <add>, %select_n3A_142, %reduce_sum3A_143 [1] : vector<256x128xf32> to vector<256xf32>
    %broadcast_in_dim3A_145 = vector.shape_cast %reduce_sum3A_144 : vector<256xf32> to vector<256x1xf32>
    %eq3A_146 = vector.broadcast %broadcast_in_dim3A_33 : vector<256x1xi32> to vector<256x128xi32>
    %eq3A_147 = arith.cmpi eq, %iota3A, %eq3A_146 : vector<256x128xi32>
    %jit3A_148 = arith.constant 0.000000e+00 : f32
    %broadcast_in_dim3A_149 = vector.broadcast %jit3A_148 : f32 to vector<256x128xf32>
    %select_n3A_150 = arith.select %eq3A_147, %add3A_137, %broadcast_in_dim3A_149 : vector<256x128xi1>, vector<256x128xf32>
    %reduce_sum3A_151 = arith.constant dense<0.000000e+00> : vector<256xf32>
    %reduce_sum3A_152 = vector.multi_reduction <add>, %select_n3A_150, %reduce_sum3A_151 [1] : vector<256x128xf32> to vector<256xf32>
    %broadcast_in_dim3A_153 = vector.shape_cast %reduce_sum3A_152 : vector<256xf32> to vector<256x1xf32>
    %eq3A_154 = vector.broadcast %broadcast_in_dim3A_57 : vector<256x1xi32> to vector<256x128xi32>
    %eq3A_155 = arith.cmpi eq, %iota3A, %eq3A_154 : vector<256x128xi32>
    %jit3A_156 = arith.constant 0.000000e+00 : f32
    %broadcast_in_dim3A_157 = vector.broadcast %jit3A_156 : f32 to vector<256x128xf32>
    %select_n3A_158 = arith.select %eq3A_155, %add3A_137, %broadcast_in_dim3A_157 : vector<256x128xi1>, vector<256x128xf32>
    %reduce_sum3A_159 = arith.constant dense<0.000000e+00> : vector<256xf32>
    %reduce_sum3A_160 = vector.multi_reduction <add>, %select_n3A_158, %reduce_sum3A_159 [1] : vector<256x128xf32> to vector<256xf32>
    %broadcast_in_dim3A_161 = vector.shape_cast %reduce_sum3A_160 : vector<256xf32> to vector<256x1xf32>
    %eq3A_162 = arith.constant 0 : i32
    %eq3A_163 = vector.broadcast %eq3A_162 : i32 to vector<256x128xi32>
    %eq3A_164 = arith.cmpi eq, %iota3A, %eq3A_163 : vector<256x128xi32>
    %eq3A_165 = arith.constant 1 : i32
    %eq3A_166 = vector.broadcast %eq3A_165 : i32 to vector<256x128xi32>
    %eq3A_167 = arith.cmpi eq, %iota3A, %eq3A_166 : vector<256x128xi32>
    %eq3A_168 = arith.constant 2 : i32
    %eq3A_169 = vector.broadcast %eq3A_168 : i32 to vector<256x128xi32>
    %eq3A_170 = arith.cmpi eq, %iota3A, %eq3A_169 : vector<256x128xi32>
    %jit3A_171 = arith.constant 0.000000e+00 : f32
    %broadcast_in_dim3A_172 = vector.shape_cast %broadcast_in_dim3A_161 : vector<256x1xf32> to vector<256x1xf32>
    %broadcast_in_dim3A_173 = vector.broadcast %broadcast_in_dim3A_172 : vector<256x1xf32> to vector<256x128xf32>
    %broadcast_in_dim3A_174 = vector.broadcast %jit3A_171 : f32 to vector<256x128xf32>
    %select_n3A_175 = arith.select %eq3A_170, %broadcast_in_dim3A_173, %broadcast_in_dim3A_174 : vector<256x128xi1>, vector<256x128xf32>
    %broadcast_in_dim3A_176 = vector.shape_cast %broadcast_in_dim3A_153 : vector<256x1xf32> to vector<256x1xf32>
    %broadcast_in_dim3A_177 = vector.broadcast %broadcast_in_dim3A_176 : vector<256x1xf32> to vector<256x128xf32>
    %select_n3A_178 = arith.select %eq3A_167, %broadcast_in_dim3A_177, %select_n3A_175 : vector<256x128xi1>, vector<256x128xf32>
    %broadcast_in_dim3A_179 = vector.shape_cast %broadcast_in_dim3A_145 : vector<256x1xf32> to vector<256x1xf32>
    %broadcast_in_dim3A_180 = vector.broadcast %broadcast_in_dim3A_179 : vector<256x1xf32> to vector<256x128xf32>
    %select_n3A_181 = arith.select %eq3A_164, %broadcast_in_dim3A_180, %select_n3A_178 : vector<256x128xi1>, vector<256x128xf32>
    %swap3A_182 = arith.constant 0 : index
    %swap3A_183 = arith.constant 0 : index
    %swap3A_184 = vector.load %arg5[%swap3A_182, %swap3A_183] : memref<256x128xf32, #tpu.memory_space<vmem>>, vector<256x128xf32>
    tpu.vector_store %arg5[%swap3A_182, %swap3A_183], %select_n3A_181 {strides = array<i32>} : memref<256x128xf32, #tpu.memory_space<vmem>>, vector<256x128xf32>,
    %convert_element_type3A_185 = arith.extf %convert_element_type3A_126 : vector<256x128xbf16> to vector<256x128xf32>
    %reduce_sum3A_186 = arith.constant dense<0.000000e+00> : vector<128xf32>
    %reduce_sum3A_187 = vector.multi_reduction <add>, %convert_element_type3A_185, %reduce_sum3A_186 [0] : vector<256x128xf32> to vector<128xf32>
    %broadcast_in_dim3A_188 = vector.shape_cast %reduce_sum3A_187 : vector<128xf32> to vector<1x128xf32>
    %get3A_189 = arith.constant 0 : index
    %get3A_190 = arith.constant 0 : index
    %get3A_191 = vector.load %arg8[%get3A_189, %get3A_190] : memref<1x128xf32, #tpu.memory_space<vmem>>, vector<1x128xf32>
    %add3A_192 = arith.addf %get3A_191, %broadcast_in_dim3A_188 : vector<1x128xf32>
    %swap3A_193 = arith.constant 0 : index
    %swap3A_194 = arith.constant 0 : index
    %swap3A_195 = vector.load %arg8[%swap3A_193, %swap3A_194] : memref<1x128xf32, #tpu.memory_space<vmem>>, vector<1x128xf32>
    tpu.vector_store %arg8[%swap3A_193, %swap3A_194], %add3A_192 {strides = array<i32>} : memref<1x128xf32, #tpu.memory_space<vmem>>, vector<1x128xf32>,
    %swap3A_196 = arith.constant 0 : index
    %swap3A_197 = arith.constant 0 : index
    %swap3A_198 = arith.constant 0 : index
    %swap3A_199 = vector.load %arg6[%swap3A_196, %swap3A_197, %swap3A_198] : memref<1x1x128xf32, #tpu.memory_space<vmem>>, vector<1x1x128xf32>
    %swap3A_200 = vector.shape_cast %swap3A_199 : vector<1x1x128xf32> to vector<1x128xf32>
    %swap3A_201 = vector.shape_cast %broadcast_in_dim3A_188 : vector<1x128xf32> to vector<1x1x128xf32>
    tpu.vector_store %arg6[%swap3A_196, %swap3A_197, %swap3A_198], %swap3A_201 {strides = array<i32>} : memref<1x1x128xf32, #tpu.memory_space<vmem>>, vector<1x1x128xf32>,
    %reduce_sum3A_202 = arith.constant dense<0.000000e+00> : vector<256xf32>
    %reduce_sum3A_203 = vector.multi_reduction <add>, %get3A_1, %reduce_sum3A_202 [1] : vector<256x128xf32> to vector<256xf32>
    %broadcast_in_dim3A_204 = vector.shape_cast %reduce_sum3A_203 : vector<256xf32> to vector<256x1xf32>
    %div3A_205 = vector.broadcast %broadcast_in_dim3A_204 : vector<256x1xf32> to vector<256x128xf32>
    %div3A_206 = arith.divf %get3A_1, %div3A_205 : vector<256x128xf32>
    %reduce_sum3A_207 = arith.constant dense<0.000000e+00> : vector<128xf32>
    %reduce_sum3A_208 = vector.multi_reduction <add>, %div3A_206, %reduce_sum3A_207 [0] : vector<256x128xf32> to vector<128xf32>
    %broadcast_in_dim3A_209 = vector.shape_cast %reduce_sum3A_208 : vector<128xf32> to vector<1x128xf32>
    %swap3A_210 = arith.constant 0 : index
    %swap3A_211 = arith.constant 0 : index
    %swap3A_212 = arith.constant 0 : index
    %swap3A_213 = vector.load %arg7[%swap3A_210, %swap3A_211, %swap3A_212] : memref<1x1x128xf32, #tpu.memory_space<vmem>>, vector<1x1x128xf32>
    %swap3A_214 = vector.shape_cast %swap3A_213 : vector<1x1x128xf32> to vector<1x128xf32>
    %swap3A_215 = vector.shape_cast %broadcast_in_dim3A_209 : vector<1x128xf32> to vector<1x1x128xf32>
    tpu.vector_store %arg7[%swap3A_210, %swap3A_211, %swap3A_212], %swap3A_215 {strides = array<i32>} : memref<1x1x128xf32, #tpu.memory_space<vmem>>, vector<1x1x128xf32>,
    return
  }
  func.func @transform_0(%arg0: i32) -> (i32, i32) {
    %c0_i32 = arith.constant 0 : i32
    %c0_i32_0 = arith.constant 0 : i32
    return %arg0, %c0_i32 : i32, i32
  }
  func.func @transform_1(%arg0: i32) -> (i32, i32) {
    %c0_i32 = arith.constant 0 : i32
    %c0_i32_0 = arith.constant 0 : i32
    %c0_i32_1 = arith.constant 0 : i32
    return %c0_i32, %c0_i32_0 : i32, i32
  }
  func.func @transform_2(%arg0: i32) -> (i32, i32) {
    %c0_i32 = arith.constant 0 : i32
    %c0_i32_0 = arith.constant 0 : i32
    return %arg0, %c0_i32 : i32, i32
  }
  func.func @transform_3(%arg0: i32) -> (i32, i32) {
    %c0_i32 = arith.constant 0 : i32
    %c0_i32_0 = arith.constant 0 : i32
    return %arg0, %c0_i32 : i32, i32
  }
  func.func @transform_4(%arg0: i32) -> (i32, i32) {
    %c0_i32 = arith.constant 0 : i32
    %c0_i32_0 = arith.constant 0 : i32
    return %arg0, %c0_i32 : i32, i32
  }
  func.func @transform_5(%arg0: i32) -> (i32, i32, i32) {
    %c0_i32 = arith.constant 0 : i32
    %c0_i32_0 = arith.constant 0 : i32
    %c0_i32_1 = arith.constant 0 : i32
    return %arg0, %c0_i32, %c0_i32_0 : i32, i32, i32
  }
  func.func @transform_6(%arg0: i32) -> (i32, i32, i32) {
    %c0_i32 = arith.constant 0 : i32
    %c0_i32_0 = arith.constant 0 : i32
    %c0_i32_1 = arith.constant 0 : i32
    return %arg0, %c0_i32, %c0_i32_0 : i32, i32, i32
  }
}

module attributes {stable_mosaic.version = 14 : i64} {
  func.func @_dest_kernel(%arg0: i32, %arg1: memref<256x128xi32, #tpu.memory_space<vmem>>, %arg2: memref<256x128xf32, #tpu.memory_space<vmem>>, %arg3: memref<1x128xf32, #tpu.memory_space<vmem>>, %arg4: memref<256x3xi32, #tpu.memory_space<vmem>>) attributes {dimension_semantics = [#tpu.dimension_semantics<arbitrary>], iteration_bounds = array<i64: 8>, scalar_prefetch = 0 : i64, scratch_operands = 0 : i64, tpu.core_type = #tpu.core_type<tc>, window_params = [{transform_indices = @transform_0, window_bounds = array<i64: 256, 128>}, {transform_indices = @transform_1, window_bounds = array<i64: 256, 128>}, {pipeline_mode = #tpu.pipeline_mode<synchronous>, transform_indices = @transform_2, window_bounds = array<i64: 1, 128>}, {transform_indices = @transform_3, window_bounds = array<i64: 256, 3>}]} {
    %get3A = arith.constant 0 : index
    %get3A_0 = arith.constant 0 : index
    %get3A_1 = vector.load %arg1[%get3A, %get3A_0] : memref<256x128xi32, #tpu.memory_space<vmem>>, vector<256x128xi32>
    %get3A_2 = arith.constant 0 : index
    %get3A_3 = arith.constant 0 : index
    %get3A_4 = vector.load %arg2[%get3A_2, %get3A_3] : memref<256x128xf32, #tpu.memory_space<vmem>>, vector<256x128xf32>
    %get3A_5 = arith.constant 0 : index
    %get3A_6 = arith.constant 0 : index
    %get3A_7 = vector.load %arg3[%get3A_5, %get3A_6] : memref<1x128xf32, #tpu.memory_space<vmem>>, vector<1x128xf32>
    %iota3A = tpu.iota {dimensions = array<i32: 1>} : vector<256x128xi32>
    %eq3A = arith.constant 0 : i32
    %eq3A_8 = vector.broadcast %eq3A : i32 to vector<256x128xi32>
    %eq3A_9 = arith.cmpi eq, %iota3A, %eq3A_8 : vector<256x128xi32>
    %jit3A = arith.constant 0 : i32
    %broadcast_in_dim3A = vector.broadcast %jit3A : i32 to vector<256x128xi32>
    %select_n3A = arith.select %eq3A_9, %get3A_1, %broadcast_in_dim3A : vector<256x128xi1>, vector<256x128xi32>
    %reduce_sum3A = arith.constant dense<0> : vector<256xi32>
    %reduce_sum3A_10 = vector.multi_reduction <add>, %select_n3A, %reduce_sum3A [1] : vector<256x128xi32> to vector<256xi32>
    %broadcast_in_dim3A_11 = vector.shape_cast %reduce_sum3A_10 : vector<256xi32> to vector<256x1xi32>
    %eq3A_12 = arith.constant 0 : i32
    %eq3A_13 = vector.broadcast %eq3A_12 : i32 to vector<256x128xi32>
    %eq3A_14 = arith.cmpi eq, %iota3A, %eq3A_13 : vector<256x128xi32>
    %jit3A_15 = arith.constant 0.000000e+00 : f32
    %broadcast_in_dim3A_16 = vector.broadcast %jit3A_15 : f32 to vector<256x128xf32>
    %select_n3A_17 = arith.select %eq3A_14, %get3A_4, %broadcast_in_dim3A_16 : vector<256x128xi1>, vector<256x128xf32>
    %reduce_sum3A_18 = arith.constant dense<0.000000e+00> : vector<256xf32>
    %reduce_sum3A_19 = vector.multi_reduction <add>, %select_n3A_17, %reduce_sum3A_18 [1] : vector<256x128xf32> to vector<256xf32>
    %broadcast_in_dim3A_20 = vector.shape_cast %reduce_sum3A_19 : vector<256xf32> to vector<256x1xf32>
    %eq3A_21 = vector.broadcast %broadcast_in_dim3A_11 : vector<256x1xi32> to vector<256x128xi32>
    %eq3A_22 = arith.cmpi eq, %iota3A, %eq3A_21 : vector<256x128xi32>
    %jit3A_23 = arith.constant 0.000000e+00 : f32
    %broadcast_in_dim3A_24 = vector.shape_cast %get3A_7 : vector<1x128xf32> to vector<1x128xf32>
    %broadcast_in_dim3A_25 = vector.broadcast %broadcast_in_dim3A_24 : vector<1x128xf32> to vector<256x128xf32>
    %broadcast_in_dim3A_26 = vector.broadcast %jit3A_23 : f32 to vector<256x128xf32>
    %select_n3A_27 = arith.select %eq3A_22, %broadcast_in_dim3A_25, %broadcast_in_dim3A_26 : vector<256x128xi1>, vector<256x128xf32>
    %reduce_sum3A_28 = arith.constant dense<0.000000e+00> : vector<256xf32>
    %reduce_sum3A_29 = vector.multi_reduction <add>, %select_n3A_27, %reduce_sum3A_28 [1] : vector<256x128xf32> to vector<256xf32>
    %broadcast_in_dim3A_30 = vector.shape_cast %reduce_sum3A_29 : vector<256xf32> to vector<256x1xf32>
    %add3A = arith.addf %broadcast_in_dim3A_30, %broadcast_in_dim3A_20 : vector<256x1xf32>
    %convert_element_type3A = arith.fptosi %add3A : vector<256x1xf32> to vector<256x1xi32>
    %eq3A_31 = arith.constant 1 : i32
    %eq3A_32 = vector.broadcast %eq3A_31 : i32 to vector<256x128xi32>
    %eq3A_33 = arith.cmpi eq, %iota3A, %eq3A_32 : vector<256x128xi32>
    %jit3A_34 = arith.constant 0 : i32
    %broadcast_in_dim3A_35 = vector.broadcast %jit3A_34 : i32 to vector<256x128xi32>
    %select_n3A_36 = arith.select %eq3A_33, %get3A_1, %broadcast_in_dim3A_35 : vector<256x128xi1>, vector<256x128xi32>
    %reduce_sum3A_37 = arith.constant dense<0> : vector<256xi32>
    %reduce_sum3A_38 = vector.multi_reduction <add>, %select_n3A_36, %reduce_sum3A_37 [1] : vector<256x128xi32> to vector<256xi32>
    %broadcast_in_dim3A_39 = vector.shape_cast %reduce_sum3A_38 : vector<256xi32> to vector<256x1xi32>
    %eq3A_40 = arith.constant 1 : i32
    %eq3A_41 = vector.broadcast %eq3A_40 : i32 to vector<256x128xi32>
    %eq3A_42 = arith.cmpi eq, %iota3A, %eq3A_41 : vector<256x128xi32>
    %jit3A_43 = arith.constant 0.000000e+00 : f32
    %broadcast_in_dim3A_44 = vector.broadcast %jit3A_43 : f32 to vector<256x128xf32>
    %select_n3A_45 = arith.select %eq3A_42, %get3A_4, %broadcast_in_dim3A_44 : vector<256x128xi1>, vector<256x128xf32>
    %reduce_sum3A_46 = arith.constant dense<0.000000e+00> : vector<256xf32>
    %reduce_sum3A_47 = vector.multi_reduction <add>, %select_n3A_45, %reduce_sum3A_46 [1] : vector<256x128xf32> to vector<256xf32>
    %broadcast_in_dim3A_48 = vector.shape_cast %reduce_sum3A_47 : vector<256xf32> to vector<256x1xf32>
    %eq3A_49 = vector.broadcast %broadcast_in_dim3A_39 : vector<256x1xi32> to vector<256x128xi32>
    %eq3A_50 = arith.cmpi eq, %iota3A, %eq3A_49 : vector<256x128xi32>
    %jit3A_51 = arith.constant 0.000000e+00 : f32
    %broadcast_in_dim3A_52 = vector.shape_cast %get3A_7 : vector<1x128xf32> to vector<1x128xf32>
    %broadcast_in_dim3A_53 = vector.broadcast %broadcast_in_dim3A_52 : vector<1x128xf32> to vector<256x128xf32>
    %broadcast_in_dim3A_54 = vector.broadcast %jit3A_51 : f32 to vector<256x128xf32>
    %select_n3A_55 = arith.select %eq3A_50, %broadcast_in_dim3A_53, %broadcast_in_dim3A_54 : vector<256x128xi1>, vector<256x128xf32>
    %reduce_sum3A_56 = arith.constant dense<0.000000e+00> : vector<256xf32>
    %reduce_sum3A_57 = vector.multi_reduction <add>, %select_n3A_55, %reduce_sum3A_56 [1] : vector<256x128xf32> to vector<256xf32>
    %broadcast_in_dim3A_58 = vector.shape_cast %reduce_sum3A_57 : vector<256xf32> to vector<256x1xf32>
    %add3A_59 = arith.addf %broadcast_in_dim3A_58, %broadcast_in_dim3A_48 : vector<256x1xf32>
    %convert_element_type3A_60 = arith.fptosi %add3A_59 : vector<256x1xf32> to vector<256x1xi32>
    %eq3A_61 = arith.constant 2 : i32
    %eq3A_62 = vector.broadcast %eq3A_61 : i32 to vector<256x128xi32>
    %eq3A_63 = arith.cmpi eq, %iota3A, %eq3A_62 : vector<256x128xi32>
    %jit3A_64 = arith.constant 0 : i32
    %broadcast_in_dim3A_65 = vector.broadcast %jit3A_64 : i32 to vector<256x128xi32>
    %select_n3A_66 = arith.select %eq3A_63, %get3A_1, %broadcast_in_dim3A_65 : vector<256x128xi1>, vector<256x128xi32>
    %reduce_sum3A_67 = arith.constant dense<0> : vector<256xi32>
    %reduce_sum3A_68 = vector.multi_reduction <add>, %select_n3A_66, %reduce_sum3A_67 [1] : vector<256x128xi32> to vector<256xi32>
    %broadcast_in_dim3A_69 = vector.shape_cast %reduce_sum3A_68 : vector<256xi32> to vector<256x1xi32>
    %eq3A_70 = arith.constant 2 : i32
    %eq3A_71 = vector.broadcast %eq3A_70 : i32 to vector<256x128xi32>
    %eq3A_72 = arith.cmpi eq, %iota3A, %eq3A_71 : vector<256x128xi32>
    %jit3A_73 = arith.constant 0.000000e+00 : f32
    %broadcast_in_dim3A_74 = vector.broadcast %jit3A_73 : f32 to vector<256x128xf32>
    %select_n3A_75 = arith.select %eq3A_72, %get3A_4, %broadcast_in_dim3A_74 : vector<256x128xi1>, vector<256x128xf32>
    %reduce_sum3A_76 = arith.constant dense<0.000000e+00> : vector<256xf32>
    %reduce_sum3A_77 = vector.multi_reduction <add>, %select_n3A_75, %reduce_sum3A_76 [1] : vector<256x128xf32> to vector<256xf32>
    %broadcast_in_dim3A_78 = vector.shape_cast %reduce_sum3A_77 : vector<256xf32> to vector<256x1xf32>
    %eq3A_79 = vector.broadcast %broadcast_in_dim3A_69 : vector<256x1xi32> to vector<256x128xi32>
    %eq3A_80 = arith.cmpi eq, %iota3A, %eq3A_79 : vector<256x128xi32>
    %jit3A_81 = arith.constant 0.000000e+00 : f32
    %broadcast_in_dim3A_82 = vector.shape_cast %get3A_7 : vector<1x128xf32> to vector<1x128xf32>
    %broadcast_in_dim3A_83 = vector.broadcast %broadcast_in_dim3A_82 : vector<1x128xf32> to vector<256x128xf32>
    %broadcast_in_dim3A_84 = vector.broadcast %jit3A_81 : f32 to vector<256x128xf32>
    %select_n3A_85 = arith.select %eq3A_80, %broadcast_in_dim3A_83, %broadcast_in_dim3A_84 : vector<256x128xi1>, vector<256x128xf32>
    %reduce_sum3A_86 = arith.constant dense<0.000000e+00> : vector<256xf32>
    %reduce_sum3A_87 = vector.multi_reduction <add>, %select_n3A_85, %reduce_sum3A_86 [1] : vector<256x128xf32> to vector<256xf32>
    %broadcast_in_dim3A_88 = vector.shape_cast %reduce_sum3A_87 : vector<256xf32> to vector<256x1xf32>
    %add3A_89 = arith.addf %broadcast_in_dim3A_88, %broadcast_in_dim3A_78 : vector<256x1xf32>
    %convert_element_type3A_90 = arith.fptosi %add3A_89 : vector<256x1xf32> to vector<256x1xi32>
    %concatenate3A = tpu.concatenate %convert_element_type3A, %convert_element_type3A_60, %convert_element_type3A_90 in 1 : vector<256x1xi32>, vector<256x1xi32>, vector<256x1xi32> -> vector<256x3xi32>
    %swap3A = arith.constant 0 : index
    %swap3A_91 = arith.constant 0 : index
    %swap3A_92 = vector.load %arg4[%swap3A, %swap3A_91] : memref<256x3xi32, #tpu.memory_space<vmem>>, vector<256x3xi32>
    tpu.vector_store %arg4[%swap3A, %swap3A_91], %concatenate3A {strides = array<i32>} : memref<256x3xi32, #tpu.memory_space<vmem>>, vector<256x3xi32>,
    return
  }
  func.func @transform_0(%arg0: i32) -> (i32, i32) {
    %c0_i32 = arith.constant 0 : i32
    %c0_i32_0 = arith.constant 0 : i32
    return %arg0, %c0_i32 : i32, i32
  }
  func.func @transform_1(%arg0: i32) -> (i32, i32) {
    %c0_i32 = arith.constant 0 : i32
    %c0_i32_0 = arith.constant 0 : i32
    return %arg0, %c0_i32 : i32, i32
  }
  func.func @transform_2(%arg0: i32) -> (i32, i32) {
    %c0_i32 = arith.constant 0 : i32
    %c0_i32_0 = arith.constant 0 : i32
    %c0_i32_1 = arith.constant 0 : i32
    return %c0_i32, %c0_i32_0 : i32, i32
  }
  func.func @transform_3(%arg0: i32) -> (i32, i32) {
    %c0_i32 = arith.constant 0 : i32
    %c0_i32_0 = arith.constant 0 : i32
    return %arg0, %c0_i32 : i32, i32
  }
}

module attributes {stable_mosaic.version = 14 : i64} {
  func.func @_gmm_kernel(%arg0: i32, %arg1: memref<39xi32, #tpu.memory_space<smem>>, %arg2: memref<384x768xf32, #tpu.memory_space<vmem>>, %arg3: memref<1x768x576xbf16, #tpu.memory_space<vmem>>, %arg4: memref<1x1x576xf32, #tpu.memory_space<vmem>>, %arg5: memref<1x576x768xbf16, #tpu.memory_space<vmem>>, %arg6: memref<1x1x768xf32, #tpu.memory_space<vmem>>, %arg7: memref<384x768xf32, #tpu.memory_space<vmem>>) attributes {dimension_semantics = [#tpu.dimension_semantics<arbitrary>], iteration_bounds = array<i64: 39>, scalar_prefetch = 1 : i64, scratch_operands = 0 : i64, tpu.core_type = #tpu.core_type<tc>, window_params = [{transform_indices = @transform_0, window_bounds = array<i64: 384, 768>}, {transform_indices = @transform_1, window_bounds = array<i64: 1, 768, 576>}, {transform_indices = @transform_2, window_bounds = array<i64: 1, 1, 576>}, {transform_indices = @transform_3, window_bounds = array<i64: 1, 576, 768>}, {transform_indices = @transform_4, window_bounds = array<i64: 1, 1, 768>}, {transform_indices = @transform_5, window_bounds = array<i64: 384, 768>}]} {
    %get3A = arith.constant 0 : index
    %get3A_0 = arith.constant 0 : index
    %get3A_1 = vector.load %arg2[%get3A, %get3A_0] : memref<384x768xf32, #tpu.memory_space<vmem>>, vector<384x768xf32>
    %convert_element_type3A = arith.truncf %get3A_1 : vector<384x768xf32> to vector<384x768xbf16>
    %get3A_2 = arith.constant 0 : index
    %get3A_3 = arith.constant 0 : index
    %get3A_4 = arith.constant 0 : index
    %get3A_5 = vector.load %arg3[%get3A_2, %get3A_3, %get3A_4] : memref<1x768x576xbf16, #tpu.memory_space<vmem>>, vector<1x768x576xbf16>
    %get3A_6 = vector.shape_cast %get3A_5 : vector<1x768x576xbf16> to vector<768x576xbf16>
    %dot_general3A = arith.constant dense<0.000000e+00> : vector<384x576xf32>
    %dot_general3A_7 = tpu.matmul %convert_element_type3A, %get3A_6, %dot_general3A {dimension_numbers = #tpu.dot_dimension_numbers<[1], [0], [0], [1], [0, 0, 1, 1], [], []>, transpose_lhs_hint = false} : vector<384x768xbf16>, vector<768x576xbf16>, vector<384x576xf32> -> vector<384x576xf32>
    %get3A_8 = arith.constant 0 : index
    %get3A_9 = arith.constant 0 : index
    %get3A_10 = arith.constant 0 : index
    %get3A_11 = vector.load %arg4[%get3A_8, %get3A_9, %get3A_10] : memref<1x1x576xf32, #tpu.memory_space<vmem>>, vector<1x1x576xf32>
    %get3A_12 = vector.shape_cast %get3A_11 : vector<1x1x576xf32> to vector<1x576xf32>
    %add3A = vector.broadcast %get3A_12 : vector<1x576xf32> to vector<384x576xf32>
    %add3A_13 = arith.addf %dot_general3A_7, %add3A : vector<384x576xf32>
    %mul3A = arith.constant 5.000000e-01 : f32
    %mul3A_14 = vector.broadcast %mul3A : f32 to vector<384x576xf32>
    %mul3A_15 = arith.mulf %mul3A_14, %add3A_13 : vector<384x576xf32>
    %mul3A_16 = arith.constant 0.707106769 : f32
    %mul3A_17 = vector.broadcast %mul3A_16 : f32 to vector<384x576xf32>
    %mul3A_18 = arith.mulf %add3A_13, %mul3A_17 : vector<384x576xf32>
    %erf3A = math.erf %mul3A_18 : vector<384x576xf32>
    %add3A_19 = arith.constant 1.000000e+00 : f32
    %add3A_20 = vector.broadcast %add3A_19 : f32 to vector<384x576xf32>
    %add3A_21 = arith.addf %add3A_20, %erf3A : vector<384x576xf32>
    %mul3A_22 = arith.mulf %mul3A_15, %add3A_21 : vector<384x576xf32>
    %convert_element_type3A_23 = arith.truncf %mul3A_22 : vector<384x576xf32> to vector<384x576xbf16>
    %get3A_24 = arith.constant 0 : index
    %get3A_25 = arith.constant 0 : index
    %get3A_26 = arith.constant 0 : index
    %get3A_27 = vector.load %arg5[%get3A_24, %get3A_25, %get3A_26] : memref<1x576x768xbf16, #tpu.memory_space<vmem>>, vector<1x576x768xbf16>
    %get3A_28 = vector.shape_cast %get3A_27 : vector<1x576x768xbf16> to vector<576x768xbf16>
    %dot_general3A_29 = arith.constant dense<0.000000e+00> : vector<384x768xf32>
    %dot_general3A_30 = tpu.matmul %convert_element_type3A_23, %get3A_28, %dot_general3A_29 {dimension_numbers = #tpu.dot_dimension_numbers<[1], [0], [0], [1], [0, 0, 1, 1], [], []>, transpose_lhs_hint = false} : vector<384x576xbf16>, vector<576x768xbf16>, vector<384x768xf32> -> vector<384x768xf32>
    %get3A_31 = arith.constant 0 : index
    %get3A_32 = arith.constant 0 : index
    %get3A_33 = arith.constant 0 : index
    %get3A_34 = vector.load %arg6[%get3A_31, %get3A_32, %get3A_33] : memref<1x1x768xf32, #tpu.memory_space<vmem>>, vector<1x1x768xf32>
    %get3A_35 = vector.shape_cast %get3A_34 : vector<1x1x768xf32> to vector<1x768xf32>
    %add3A_36 = vector.broadcast %get3A_35 : vector<1x768xf32> to vector<384x768xf32>
    %add3A_37 = arith.addf %dot_general3A_30, %add3A_36 : vector<384x768xf32>
    %swap3A = arith.constant 0 : index
    %swap3A_38 = arith.constant 0 : index
    %swap3A_39 = vector.load %arg7[%swap3A, %swap3A_38] : memref<384x768xf32, #tpu.memory_space<vmem>>, vector<384x768xf32>
    tpu.vector_store %arg7[%swap3A, %swap3A_38], %add3A_37 {strides = array<i32>} : memref<384x768xf32, #tpu.memory_space<vmem>>, vector<384x768xf32>,
    return
  }
  func.func @transform_0(%arg0: i32, %arg1: memref<39xi32, #tpu.memory_space<smem>>) -> (i32, i32) {
    %c0_i32 = arith.constant 0 : i32
    %c0_i32_0 = arith.constant 0 : i32
    return %arg0, %c0_i32 : i32, i32
  }
  func.func @transform_1(%arg0: i32, %arg1: memref<39xi32, #tpu.memory_space<smem>>) -> (i32, i32, i32) {
    %get3A = arith.index_cast %arg0 : i32 to index
    %get3A_0 = memref.load %arg1[%get3A] : memref<39xi32, #tpu.memory_space<smem>>
    %c0_i32 = arith.constant 0 : i32
    %c0_i32_1 = arith.constant 0 : i32
    %c0_i32_2 = arith.constant 0 : i32
    return %get3A_0, %c0_i32, %c0_i32_1 : i32, i32, i32
  }
  func.func @transform_2(%arg0: i32, %arg1: memref<39xi32, #tpu.memory_space<smem>>) -> (i32, i32, i32) {
    %get3A = arith.index_cast %arg0 : i32 to index
    %get3A_0 = memref.load %arg1[%get3A] : memref<39xi32, #tpu.memory_space<smem>>
    %c0_i32 = arith.constant 0 : i32
    %c0_i32_1 = arith.constant 0 : i32
    %c0_i32_2 = arith.constant 0 : i32
    return %get3A_0, %c0_i32, %c0_i32_1 : i32, i32, i32
  }
  func.func @transform_3(%arg0: i32, %arg1: memref<39xi32, #tpu.memory_space<smem>>) -> (i32, i32, i32) {
    %get3A = arith.index_cast %arg0 : i32 to index
    %get3A_0 = memref.load %arg1[%get3A] : memref<39xi32, #tpu.memory_space<smem>>
    %c0_i32 = arith.constant 0 : i32
    %c0_i32_1 = arith.constant 0 : i32
    %c0_i32_2 = arith.constant 0 : i32
    return %get3A_0, %c0_i32, %c0_i32_1 : i32, i32, i32
  }
  func.func @transform_4(%arg0: i32, %arg1: memref<39xi32, #tpu.memory_space<smem>>) -> (i32, i32, i32) {
    %get3A = arith.index_cast %arg0 : i32 to index
    %get3A_0 = memref.load %arg1[%get3A] : memref<39xi32, #tpu.memory_space<smem>>
    %c0_i32 = arith.constant 0 : i32
    %c0_i32_1 = arith.constant 0 : i32
    %c0_i32_2 = arith.constant 0 : i32
    return %get3A_0, %c0_i32, %c0_i32_1 : i32, i32, i32
  }
  func.func @transform_5(%arg0: i32, %arg1: memref<39xi32, #tpu.memory_space<smem>>) -> (i32, i32) {
    %c0_i32 = arith.constant 0 : i32
    %c0_i32_0 = arith.constant 0 : i32
    return %arg0, %c0_i32 : i32, i32
  }
}

module attributes {stable_mosaic.version = 14 : i64} {
  func.func @_shared_kernel(%arg0: i32, %arg1: memref<256x768xf32, #tpu.memory_space<vmem>>, %arg2: memref<256x768xf32, #tpu.memory_space<vmem>>, %arg3: memref<768x576xbf16, #tpu.memory_space<vmem>>, %arg4: memref<1x576xf32, #tpu.memory_space<vmem>>, %arg5: memref<576x768xbf16, #tpu.memory_space<vmem>>, %arg6: memref<1x768xf32, #tpu.memory_space<vmem>>, %arg7: memref<256x768xf32, #tpu.memory_space<vmem>>) attributes {dimension_semantics = [#tpu.dimension_semantics<arbitrary>], iteration_bounds = array<i64: 8>, scalar_prefetch = 0 : i64, scratch_operands = 0 : i64, tpu.core_type = #tpu.core_type<tc>, window_params = [{transform_indices = @transform_0, window_bounds = array<i64: 256, 768>}, {transform_indices = @transform_1, window_bounds = array<i64: 256, 768>}, {pipeline_mode = #tpu.pipeline_mode<synchronous>, transform_indices = @transform_2, window_bounds = array<i64: 768, 576>}, {pipeline_mode = #tpu.pipeline_mode<synchronous>, transform_indices = @transform_3, window_bounds = array<i64: 1, 576>}, {pipeline_mode = #tpu.pipeline_mode<synchronous>, transform_indices = @transform_4, window_bounds = array<i64: 576, 768>}, {pipeline_mode = #tpu.pipeline_mode<synchronous>, transform_indices = @transform_5, window_bounds = array<i64: 1, 768>}, {transform_indices = @transform_6, window_bounds = array<i64: 256, 768>}]} {
    %get3A = arith.constant 0 : index
    %get3A_0 = arith.constant 0 : index
    %get3A_1 = vector.load %arg1[%get3A, %get3A_0] : memref<256x768xf32, #tpu.memory_space<vmem>>, vector<256x768xf32>
    %convert_element_type3A = arith.truncf %get3A_1 : vector<256x768xf32> to vector<256x768xbf16>
    %get3A_2 = arith.constant 0 : index
    %get3A_3 = arith.constant 0 : index
    %get3A_4 = vector.load %arg3[%get3A_2, %get3A_3] : memref<768x576xbf16, #tpu.memory_space<vmem>>, vector<768x576xbf16>
    %dot_general3A = arith.constant dense<0.000000e+00> : vector<256x576xf32>
    %dot_general3A_5 = tpu.matmul %convert_element_type3A, %get3A_4, %dot_general3A {dimension_numbers = #tpu.dot_dimension_numbers<[1], [0], [0], [1], [0, 0, 1, 1], [], []>, transpose_lhs_hint = false} : vector<256x768xbf16>, vector<768x576xbf16>, vector<256x576xf32> -> vector<256x576xf32>
    %get3A_6 = arith.constant 0 : index
    %get3A_7 = arith.constant 0 : index
    %get3A_8 = vector.load %arg4[%get3A_6, %get3A_7] : memref<1x576xf32, #tpu.memory_space<vmem>>, vector<1x576xf32>
    %add3A = vector.broadcast %get3A_8 : vector<1x576xf32> to vector<256x576xf32>
    %add3A_9 = arith.addf %dot_general3A_5, %add3A : vector<256x576xf32>
    %mul3A = arith.constant 5.000000e-01 : f32
    %mul3A_10 = vector.broadcast %mul3A : f32 to vector<256x576xf32>
    %mul3A_11 = arith.mulf %mul3A_10, %add3A_9 : vector<256x576xf32>
    %mul3A_12 = arith.constant 0.707106769 : f32
    %mul3A_13 = vector.broadcast %mul3A_12 : f32 to vector<256x576xf32>
    %mul3A_14 = arith.mulf %add3A_9, %mul3A_13 : vector<256x576xf32>
    %erf3A = math.erf %mul3A_14 : vector<256x576xf32>
    %add3A_15 = arith.constant 1.000000e+00 : f32
    %add3A_16 = vector.broadcast %add3A_15 : f32 to vector<256x576xf32>
    %add3A_17 = arith.addf %add3A_16, %erf3A : vector<256x576xf32>
    %mul3A_18 = arith.mulf %mul3A_11, %add3A_17 : vector<256x576xf32>
    %convert_element_type3A_19 = arith.truncf %mul3A_18 : vector<256x576xf32> to vector<256x576xbf16>
    %get3A_20 = arith.constant 0 : index
    %get3A_21 = arith.constant 0 : index
    %get3A_22 = vector.load %arg2[%get3A_20, %get3A_21] : memref<256x768xf32, #tpu.memory_space<vmem>>, vector<256x768xf32>
    %get3A_23 = arith.constant 0 : index
    %get3A_24 = arith.constant 0 : index
    %get3A_25 = vector.load %arg5[%get3A_23, %get3A_24] : memref<576x768xbf16, #tpu.memory_space<vmem>>, vector<576x768xbf16>
    %dot_general3A_26 = arith.constant dense<0.000000e+00> : vector<256x768xf32>
    %dot_general3A_27 = tpu.matmul %convert_element_type3A_19, %get3A_25, %dot_general3A_26 {dimension_numbers = #tpu.dot_dimension_numbers<[1], [0], [0], [1], [0, 0, 1, 1], [], []>, transpose_lhs_hint = false} : vector<256x576xbf16>, vector<576x768xbf16>, vector<256x768xf32> -> vector<256x768xf32>
    %add3A_28 = arith.addf %get3A_22, %dot_general3A_27 : vector<256x768xf32>
    %get3A_29 = arith.constant 0 : index
    %get3A_30 = arith.constant 0 : index
    %get3A_31 = vector.load %arg6[%get3A_29, %get3A_30] : memref<1x768xf32, #tpu.memory_space<vmem>>, vector<1x768xf32>
    %add3A_32 = vector.broadcast %get3A_31 : vector<1x768xf32> to vector<256x768xf32>
    %add3A_33 = arith.addf %add3A_28, %add3A_32 : vector<256x768xf32>
    %swap3A = arith.constant 0 : index
    %swap3A_34 = arith.constant 0 : index
    %swap3A_35 = vector.load %arg7[%swap3A, %swap3A_34] : memref<256x768xf32, #tpu.memory_space<vmem>>, vector<256x768xf32>
    tpu.vector_store %arg7[%swap3A, %swap3A_34], %add3A_33 {strides = array<i32>} : memref<256x768xf32, #tpu.memory_space<vmem>>, vector<256x768xf32>,
    return
  }
  func.func @transform_0(%arg0: i32) -> (i32, i32) {
    %c0_i32 = arith.constant 0 : i32
    %c0_i32_0 = arith.constant 0 : i32
    return %arg0, %c0_i32 : i32, i32
  }
  func.func @transform_1(%arg0: i32) -> (i32, i32) {
    %c0_i32 = arith.constant 0 : i32
    %c0_i32_0 = arith.constant 0 : i32
    return %arg0, %c0_i32 : i32, i32
  }
  func.func @transform_2(%arg0: i32) -> (i32, i32) {
    %c0_i32 = arith.constant 0 : i32
    %c0_i32_0 = arith.constant 0 : i32
    %c0_i32_1 = arith.constant 0 : i32
    return %c0_i32, %c0_i32_0 : i32, i32
  }
  func.func @transform_3(%arg0: i32) -> (i32, i32) {
    %c0_i32 = arith.constant 0 : i32
    %c0_i32_0 = arith.constant 0 : i32
    %c0_i32_1 = arith.constant 0 : i32
    return %c0_i32, %c0_i32_0 : i32, i32
  }
  func.func @transform_4(%arg0: i32) -> (i32, i32) {
    %c0_i32 = arith.constant 0 : i32
    %c0_i32_0 = arith.constant 0 : i32
    %c0_i32_1 = arith.constant 0 : i32
    return %c0_i32, %c0_i32_0 : i32, i32
  }
  func.func @transform_5(%arg0: i32) -> (i32, i32) {
    %c0_i32 = arith.constant 0 : i32
    %c0_i32_0 = arith.constant 0 : i32
    %c0_i32_1 = arith.constant 0 : i32
    return %c0_i32, %c0_i32_0 : i32, i32
  }
  func.func @transform_6(%arg0: i32) -> (i32, i32) {
    %c0_i32 = arith.constant 0 : i32
    %c0_i32_0 = arith.constant 0 : i32
    return %arg0, %c0_i32 : i32, i32
  }
}

module attributes {stable_mosaic.version = 14 : i64} {
  func.func @_comb_kernel(%arg0: i32, %arg1: memref<768x768xf32, #tpu.memory_space<vmem>>, %arg2: memref<256x768xf32, #tpu.memory_space<vmem>>, %arg3: memref<256x128xf32, #tpu.memory_space<vmem>>, %arg4: memref<256x768xf32, #tpu.memory_space<vmem>>) attributes {dimension_semantics = [#tpu.dimension_semantics<arbitrary>], iteration_bounds = array<i64: 8>, scalar_prefetch = 0 : i64, scratch_operands = 0 : i64, tpu.core_type = #tpu.core_type<tc>, window_params = [{transform_indices = @transform_0, window_bounds = array<i64: 768, 768>}, {transform_indices = @transform_1, window_bounds = array<i64: 256, 768>}, {transform_indices = @transform_2, window_bounds = array<i64: 256, 128>}, {transform_indices = @transform_3, window_bounds = array<i64: 256, 768>}]} {
    %get3A = arith.constant 0 : index
    %get3A_0 = arith.constant 0 : index
    %get3A_1 = vector.load %arg1[%get3A, %get3A_0] : memref<768x768xf32, #tpu.memory_space<vmem>>, vector<768x768xf32>
    %reshape3A = vector.shape_cast %get3A_1 : vector<768x768xf32> to vector<256x3x768xf32>
    %get3A_2 = arith.constant 0 : index
    %get3A_3 = arith.constant 0 : index
    %get3A_4 = vector.load %arg3[%get3A_2, %get3A_3] : memref<256x128xf32, #tpu.memory_space<vmem>>, vector<256x128xf32>
    %get3A_5 = arith.constant 0 : index
    %get3A_6 = arith.constant 0 : index
    %get3A_7 = vector.load %arg2[%get3A_5, %get3A_6] : memref<256x768xf32, #tpu.memory_space<vmem>>, vector<256x768xf32>
    %slice3A = vector.extract_strided_slice %get3A_4 {offsets = [0, 0], sizes = [256, 1], strides = [1, 1]} : vector<256x128xf32> to vector<256x1xf32>
    %slice3A_8 = vector.extract_strided_slice %reshape3A {offsets = [0, 0, 0], sizes = [256, 1, 768], strides = [1, 1, 1]} : vector<256x3x768xf32> to vector<256x1x768xf32>
    %squeeze3A = vector.shape_cast %slice3A_8 : vector<256x1x768xf32> to vector<256x768xf32>
    %mul3A = vector.broadcast %slice3A : vector<256x1xf32> to vector<256x768xf32>
    %mul3A_9 = arith.mulf %mul3A, %squeeze3A : vector<256x768xf32>
    %add3A = arith.addf %get3A_7, %mul3A_9 : vector<256x768xf32>
    %slice3A_10 = vector.extract_strided_slice %get3A_4 {offsets = [0, 1], sizes = [256, 1], strides = [1, 1]} : vector<256x128xf32> to vector<256x1xf32>
    %slice3A_11 = vector.extract_strided_slice %reshape3A {offsets = [0, 1, 0], sizes = [256, 1, 768], strides = [1, 1, 1]} : vector<256x3x768xf32> to vector<256x1x768xf32>
    %squeeze3A_12 = vector.shape_cast %slice3A_11 : vector<256x1x768xf32> to vector<256x768xf32>
    %mul3A_13 = vector.broadcast %slice3A_10 : vector<256x1xf32> to vector<256x768xf32>
    %mul3A_14 = arith.mulf %mul3A_13, %squeeze3A_12 : vector<256x768xf32>
    %add3A_15 = arith.addf %add3A, %mul3A_14 : vector<256x768xf32>
    %slice3A_16 = vector.extract_strided_slice %get3A_4 {offsets = [0, 2], sizes = [256, 1], strides = [1, 1]} : vector<256x128xf32> to vector<256x1xf32>
    %slice3A_17 = vector.extract_strided_slice %reshape3A {offsets = [0, 2, 0], sizes = [256, 1, 768], strides = [1, 1, 1]} : vector<256x3x768xf32> to vector<256x1x768xf32>
    %squeeze3A_18 = vector.shape_cast %slice3A_17 : vector<256x1x768xf32> to vector<256x768xf32>
    %mul3A_19 = vector.broadcast %slice3A_16 : vector<256x1xf32> to vector<256x768xf32>
    %mul3A_20 = arith.mulf %mul3A_19, %squeeze3A_18 : vector<256x768xf32>
    %add3A_21 = arith.addf %add3A_15, %mul3A_20 : vector<256x768xf32>
    %swap3A = arith.constant 0 : index
    %swap3A_22 = arith.constant 0 : index
    %swap3A_23 = vector.load %arg4[%swap3A, %swap3A_22] : memref<256x768xf32, #tpu.memory_space<vmem>>, vector<256x768xf32>
    tpu.vector_store %arg4[%swap3A, %swap3A_22], %add3A_21 {strides = array<i32>} : memref<256x768xf32, #tpu.memory_space<vmem>>, vector<256x768xf32>,
    return
  }
  func.func @transform_0(%arg0: i32) -> (i32, i32) {
    %c0_i32 = arith.constant 0 : i32
    %c0_i32_0 = arith.constant 0 : i32
    return %arg0, %c0_i32 : i32, i32
  }
  func.func @transform_1(%arg0: i32) -> (i32, i32) {
    %c0_i32 = arith.constant 0 : i32
    %c0_i32_0 = arith.constant 0 : i32
    return %arg0, %c0_i32 : i32, i32
  }
  func.func @transform_2(%arg0: i32) -> (i32, i32) {
    %c0_i32 = arith.constant 0 : i32
    %c0_i32_0 = arith.constant 0 : i32
    return %arg0, %c0_i32 : i32, i32
  }
  func.func @transform_3(%arg0: i32) -> (i32, i32) {
    %c0_i32 = arith.constant 0 : i32
    %c0_i32_0 = arith.constant 0 : i32
    return %arg0, %c0_i32 : i32, i32
  }
}

</mosaic_0001>

<sc_bundles>
// kernel: kernel.12.cloned.1.call-start
scs
__scs_entry_jumppad:
0x0: {  	(pc) =	sbr.rel $0x88, $3  }
0x1: {  	(tag) =	ssettag $0x0;
	lr =	simm.s32 $0x1  }
0x2: {  	[smem:$0x3F8E] =	sst lr;
	_ =	strace $0xD0000000  }
0x3: {  	_ = 	snop  }
0x4: {  	_ = 	snop  }
0x5: {  	_ = 	snop  }
0x6: {  	_ = 	snop  }
0x7: {  	_ = 	snop  }
__scs_overlays_trampoline_lowered:
0x8: {  	[smem:$0x3F9D] =	sst s0  }
0x9: {  	[smem:$0x3F9E] =	sst s1  }
0xa: {  	[smem:$0x3F9F] =	sst s2  }
0xb: {  	[smem:$0x3FA0] =	sst s3  }
0xc: {  	[smem:$0x3FA1] =	sst s4  }
0xd: {  	[smem:$0x3FA2] =	sst s5  }
0xe: {  	[smem:$0x3FA3] =	sst s6  }
0xf: {  	[smem:$0x3FA4] =	sst s7  }
0x10: {  	[smem:$0x3FA5] =	sst s8  }
0x11: {  	[smem:$0x3FA6] =	sst s9;
	s0 =	simm.s32 @!p0 $0x0  }
0x12: {  	s1 =	sld [smem:$0x3F8C];
	s0 =	simm.s32 @p0 $0x1  }
0x13: {  	[smem:$0x3FA7] =	sst s0;
	s0 =	simm.s32 @!p1 $0x0  }
0x14: {  	s2 =	sld [smem:$0x3F8B];
	s0 =	simm.s32 @p1 $0x1  }
0x15: {  	[smem:$0x3FA8] =	sst s0;
	s0 =	simm.s32 @!p2 $0x0  }
0x16: {  	s3 =	sld [smem:$0x3FDB];
	s0 =	simm.s32 @p2 $0x1  }
0x17: {  	s4 =	simm.s32 $0x1BF5;
	[smem:$0x3FAA] =	sst s0  }
0x18: {  	s0 =	sld [smem:$0x3F8D];
	_ =	swait.ge [sflag:s4], $0x0  }
0x19: {  	s7 =	sld [smem:$0x3F8E]  }
0x1a: {  	s8 =	sadd.s32 $0xFFFFE003, lr  }
0x1b: {  	s9 =	sadd.s32 $0xFFFFFEF7, lr;
	s5 =	simm.s32 $0xFFFFFFFF;
	p2 =	slt.u32 s8, $0xFFFFF086  }
0x1c: {  	p1 =	slt.u32 s9, $0xF7A;
	s5 =	simm.s32 @!p2 $0x0  }
0x1d: {  	s5 =	simm.s32 @p1 $0x1;
	p0 =	seq.s32 s7, s2  }
0x1e: {  	s7 =	smul.u32 @!p0 $0xF7A, s2;
	p2 =	seq.s32 @!p0 s5, $0x0  }
0x1f: {  	s9 =	smul.u32 $0xF7A, s1;
	s8 =	simm.s32 @!p0 $0x1BF5;
	p2 =	por !p2, p0  }
0x20: {  	[sflag:s8] =	ssyncset.s32 @!p0 $0xFFFFF086;
	s6 =	sadd.s32 @!p0 s3, s7;
	s7 =	simm.s32 @!p0 $0x108  }
0x21: {  	s3 =	sadd.s32 s3, s9;
	s6 =	sadd.s32 @!p0 $0x88, s6;
	s7 =	simm.s32 @p2 $0x1082  }
0x22: {  	[simem:s7], [sflag:s8] =	dma.local @!p0 [hbm:s6], $0xF7A  }
0x23: {  	s9 =	sor.u32 $0xD0000000, s2;
	s6 =	simm.s32 $0x108;
	_ =	swait.ge @!p0 [sflag:s8], $0x0  }
0x24: {  	s3 =	sadd.s32 $0x88, s3;
	s6 =	simm.s32 @!p1 $0x1082;
	[sflag:s4] =	ssyncset.s32 $0xFFFFF086  }
0x25: {  	[simem:s6], [sflag:s4] =	dma.local [hbm:s3], $0xF7A  }
0x26: {  	[smem:$0x3F8E] =	sst s1;
	(tag) =	ssettag s2;
	_ =	strace s9  }
0x27: {  	s1 =	sld [smem:$0x3F9E]  }
0x28: {  	s2 =	sld [smem:$0x3F9F]  }
0x29: {  	s4 =	sld [smem:$0x3FA1]  }
0x2a: {  	p0 =	seq.s32 s5, $0x0;
	s5 =	sld [smem:$0x3FA2]  }
0x2b: {  	s6 =	sld [smem:$0x3FA3]  }
0x2c: {  	s7 =	sld [smem:$0x3FA4]  }
0x2d: {  	s3 =	simm.s32 $0x108;
	s8 =	sld [smem:$0x3FA5]  }
0x2e: {  	s3 =	simm.s32 @!p0 $0x1082;
	s9 =	sld [smem:$0x3FA6]  }
0x2f: {  	lr =	sadd.s32 s0, s3;
	s0 =	sld [smem:$0x3F9D]  }
0x30: {  	s3 =	sld [smem:$0x3FA0]  }
0x31: {  	[smem:$0x3FA9] =	sst s10  }
0x32: {  	s10 =	sld [smem:$0x3FA7];
	_ =	sdelay $0x3  }
0x33: {  	p0 =	seq.s32 s10, $0x1;
	s10 =	sld [smem:$0x3FA9];
	_ =	sdelay $0x3  }
0x34: {  	[smem:$0x3FA9] =	sst s10  }
0x35: {  	s10 =	sld [smem:$0x3FA8];
	_ =	sdelay $0x3  }
0x36: {  	p1 =	seq.s32 s10, $0x1;
	s10 =	sld [smem:$0x3FA9];
	_ =	sdelay $0x3  }
0x37: {  	[smem:$0x3FA9] =	sst s10  }
0x38: {  	s10 =	sld [smem:$0x3FAA]  }
0x39: {  	_ = 	snop;
	(pc) =	sbr.ind lr, $3  }
0x3a: {  	_ = 	snop  }
0x3b: {  	_ = 	snop  }
0x3c: {  	p2 =	seq.s32 s10, $0x1;
	s10 =	sld [smem:$0x3FA9]  }
0x3d: {  	_ =	shalt  }
0x3e: {  	_ =	shalt  }
0x3f: {  	_ =	shalt  }
0x40: {  	_ =	shalt  }
0x41: {  	_ =	shalt  }
0x42: {  	_ =	shalt  }
0x43: {  	_ =	shalt  }
0x44: {  	_ =	shalt  }
0x45: {  	_ =	shalt  }
0x46: {  	_ =	shalt  }
0x47: {  	_ =	shalt  }
0x48: {  	_ =	shalt  }
0x49: {  	_ =	shalt  }
0x4a: {  	_ =	shalt  }
0x4b: {  	_ =	shalt  }
0x4c: {  	_ =	shalt  }
0x4d: {  	_ =	shalt  }
0x4e: {  	_ =	shalt  }
0x4f: {  	_ =	shalt  }
0x50: {  	_ =	shalt  }
0x51: {  	_ =	shalt  }
0x52: {  	_ =	shalt  }
0x53: {  	_ =	shalt  }
0x54: {  	_ =	shalt  }
0x55: {  	_ =	shalt  }
0x56: {  	_ =	shalt  }
0x57: {  	_ =	shalt  }
0x58: {  	_ =	shalt  }
0x59: {  	_ =	shalt  }
0x5a: {  	_ =	shalt  }
0x5b: {  	_ =	shalt  }
0x5c: {  	_ =	shalt  }
0x5d: {  	_ =	shalt  }
0x5e: {  	_ =	shalt  }
0x5f: {  	_ =	shalt  }
0x60: {  	_ =	shalt  }
0x61: {  	_ =	shalt  }
0x62: {  	_ =	shalt  }
0x63: {  	_ =	shalt  }
0x64: {  	_ =	shalt  }
0x65: {  	_ =	shalt  }
0x66: {  	_ =	shalt  }
0x67: {  	_ =	shalt  }
0x68: {  	_ =	shalt  }
0x69: {  	_ =	shalt  }
0x6a: {  	_ =	shalt  }
0x6b: {  	_ =	shalt  }
0x6c: {  	_ =	shalt  }
0x6d: {  	_ =	shalt  }
0x6e: {  	_ =	shalt  }
0x6f: {  	_ =	shalt  }
0x70: {  	_ =	shalt  }
0x71: {  	_ =	shalt  }
0x72: {  	_ =	shalt  }
0x73: {  	_ =	shalt  }
0x74: {  	_ =	shalt  }
0x75: {  	_ =	shalt  }
0x76: {  	_ =	shalt  }
0x77: {  	_ =	shalt  }
0x78: {  	_ =	shalt  }
0x79: {  	_ =	shalt  }
0x7a: {  	_ =	shalt  }
0x7b: {  	_ =	shalt  }
0x7c: {  	_ =	shalt  }
0x7d: {  	_ =	shalt  }
0x7e: {  	_ =	shalt  }
0x7f: {  	_ =	shalt  }
0x80: {  	_ =	shalt  }
0x81: {  	_ =	shalt  }
0x82: {  	_ =	shalt  }
0x83: {  	_ =	shalt  }
0x84: {  	_ =	shalt  }
0x85: {  	_ =	shalt  }
0x86: {  	_ =	shalt  }
0x87: {  	_ =	shalt  }
.Lfunc_end0:
.L_simem_size_0:
called_computation_lowered:
.L_overlay_start_0:
0x88: {  	s2 =	sld [smem:$0x3FD9]  }
0x89: {  	s3 =	sld [smem:$0x3FFE];
	_ =	sdelay $0x1  }
0x8a: {  	s1 =	srdreg.scid  }
0x8b: {  	s0 =	sand.u32 $0x1, s1  }
0x8c: {  	s14 =	sshll.u32 s0, $0xA;
	s2 =	sadd.s32 s3, s2  }
0x8d: {  	s2 =	sadd.s32 s2, s14  }
0x8e: {  	[smem:$0x3FB5] =	sst s2  }
0x8f: {  	_ = 	snop  }
0x90: {  	s2 =	sld [smem:$0x3FD0];
	_ =	sdelay $0x2  }
0x91: {  	s15 =	simm.s32 $0xA;
	s4 =	simm.s32 $0x10  }
0x92: {  	[smem:s4], [sflag:s15] =	dma.local [hbm:s2], $0x1  }
0x93: {  	_ =	swait.eq [sflag:s15], $0x1  }
0x94: {  	[sflag:s15] =	ssyncset.done $0x0  }
0x95: {  	[sflag:s15] =	ssyncadd.s32 $0xFFFFFFFF  }
0x96: {  	s16 =	sld [smem:$0x10];
	(tm) =	ssettm $0x1  }
0x97: {  	s17 =	sld [smem:$0x3FFB];
	_ =	sdelay $0x3  }
0x98: {  	_ =	strace s17  }
0x99: {  	s3 =	sld [smem:$0x3FFC];
	_ =	sdelay $0x3  }
0x9a: {  	_ =	strace s3  }
0x9b: {  	s3 =	sld [smem:$0x3FFD];
	_ =	sdelay $0x3  }
0x9c: {  	_ =	strace s3  }
0x9d: {  	_ =	strace $0x8FFFFFFF  }
0x9e: {  	s18 =	sld [smem:$0x3FDB];
	_ =	sdelay $0x1  }
0x9f: {  	s19 =	simm.s32 $_scs_section_size  }
0xa0: {  	s5 =	simm.s32 $_size__tile_overlayer_lowered;
	s6 =	simm.s32 $_tile_overlayer_lowered  }
0xa1: {  	s22 =	simm.s32 $0x1BFF;
	s21 =	sshll.u32 s6, $0x1;
	s3 =	sadd.s32 s19, s18  }
0xa2: {  	s7 =	simm.s32 $0x0;
	s20 =	sshll.u32 s5, $0x1;
	s5 =	sadd.s32 s21, s3  }
0xa3: {  	[timem:s7], [sflag:s22] =	dma.local [hbm:s5], s20  }
0xa4: {  	_ =	swait.ge [sflag:s22], s20  }
0xa5: {  	s4 =	ssub.s32 $0x0, s20;
	[sflag:s22] =	ssyncset.done $0x0  }
0xa6: {  	[sflag:s22] =	ssyncadd.s32 s4;
	_ =	sdelay $0x1  }
0xa7: {  	s23 =	simm.s32 $0x1B8B  }
0xa8: {  	_ =	swait.ge [sflag:s23], $0x1  }
0xa9: {  	[sflag:s23] =	ssyncset.done $0x0  }
0xaa: {  	s25 =	simm.s32 $0x1B8E;
	s24 =	sld [smem:$0x3FFE];
	[sflag:s23] =	ssyncadd.s32 $0xFFFFFFFF  }
0xab: {  	s26 =	simm.s32 $execute0_lowered;
	[smem:$0x3FD2] =	sst s25  }
0xac: {  	s5 =	sshll.u32 s26, $0x1;
	_ =	strace $0x80000046;
	[dreg:$0x1] =	wrdreg $0xFFFFFFFF  }
0xad: {  	s28 =	simm.s32 $_size_execute0_lowered;
	s3 =	sadd.s32 s3, s5;
	[dreg:$0x0] =	wrdreg $0x0  }
0xae: {  	s5 =	sshll.u32 s28, $0x1;
	[dreg:$0x2] =	wrdreg s3  }
0xaf: {  	[dreg:$0x3] =	wrdreg s5  }
0xb0: {  	[dreg:$0x4] =	wrdreg $0xC0  }
0xb1: {  	_ =	task [dreg:s7], $0x5FFFF  }
0xb2: {  	[dreg:$0x1] =	wrdreg $0xFFFFFFFF  }
0xb3: {  	[dreg:$0x0] =	wrdreg $0x60  }
0xb4: {  	[dreg:$0x2] =	wrdreg s16  }
0xb5: {  	[dreg:$0x3] =	wrdreg s24  }
0xb6: {  	[dreg:$0x4] =	wrdreg $0x9  }
0xb7: {  	_ =	task.clear_ibuf [dreg:s7], $0x5FFFF;
	_ =	strace $0x90000046  }
0xb8: {  	s29 =	simm.s32 $0x9;
	_ =	strace $0x80000048  }
0xb9: {  	_ =	swait.ge [sflag:s29], $0x1  }
0xba: {  	[sflag:s29] =	ssyncadd.s32 $0xFFFFFFFF  }
0xbb: {  	_ =	strace $0x90000048  }
0xbc: {  	_ =	sfence  }
0xbd: {  	s30 =	sld [smem:$0x0];
	_ =	sdelay $0x2  }
0xbe: {  	s31 =	sshll.u32 s1, $0xD;
	s1 =	sshrl.u32 s1, $0x2  }
0xbf: {  	s3 =	sand.u32 $0x4000, s31;
	s1 =	sadd.s32 s1, s30  }
0xc0: {  	s0 =	sor.u32 s3, s0;
	s1 =	sshll.u32 s1, $0x11  }
0xc1: {  	s0 =	sor.u32 s1, s0  }
0xc2: {  	s0 =	sadd.s32 $0x8F2B, s0  }
0xc3: {  	[sflag:s0] =	ssyncadd.remote.s32 $0x1  }
0xc4: {  	_ =	sfence.sel $0xFFFF  }
0xc5: {  	[dreg:$0x0] =	wrdreg $0xFFFFFFFF;
	(pc) =	sbr.abs _section_cstart, $3  }
0xc6: {  	[dreg:$0x1] =	wrdreg $0xFFFFFFFF  }
0xc7: {  	_ =	task.clear_ibuf [dreg:s7], $0x2FFFF;
	_ =	strace $0x9FFFFFFF  }
0xc8: {  	(tm) =	ssettm $0x7FFFFFFF  }
0xc9: {  	_ =	shalt  }
tec
execute0_lowered:
.L_overlay_start_1:
0x0: {  	(tag) =	ssettag $0x1  }
0x1: {  	s0 =	srdreg.scid;
	s2 =	rddreg [dreg:$0x0]  }
0x2: {  	s1 =	rddreg [dreg:$0x1];
	s0 =	sand.u32 $0x1, s0  }
0x3: {  	s5 =	stileid.u32;
	s3 =	simm.s32 $0x0;
	s4 =	sshll.u32 s0, $0x4  }
0x4: {  	s25 =	simm.s32 $0x1;
	[smem:$0x7FF] =	sst s3;
	s4 =	sor.u32 s5, s4  }
0x5: {  	s7 =	sadd.s32 $0x1C00, s1;
	s0 =	ssub.s32 $0x2, s0;
	s4 =	smul.u32 $0xC0, s4  }
0x6: {  	s8 =	sadd.s32 $0x3A000, s1;
	_ =	strace $0x80000047;
	s28 =	sshrl.u32 s0, $0x1  }
0x7: {  	s5 =	sadd.s32 $0x100, s2;
	s0 =	ssub.s32 s0, s28;
	s6 =	sshrl.u32 s4, $0x3  }
0x8: {  	s4 =	sadd.s32 $0x3A400, s1;
	s9 =	sadd.s32 s7, s6;
	s29 =	sadd.s32 s8, s6  }
0x9: {  	s10 =	sadd.s32 $0xC, s6;
	s6 =	sadd.s32 $0x200, s2;
	[dreg:$0x3] =	wrdreg s9  }
0xa: {  	v2 =	vlaneseq.u32;
	[dreg:$0x4] =	wrdreg s29;
	s30 =	sadd.s32 s7, s10;
	s7 =	sadd.s32 $0x3A500, s1  }
0xb: {  	vm0 =	vmmov $0xffff;
	v1 =	vshrl.u32 v2, $0x3;
	s31 =	sadd.s32 s8, s10;
	s8 =	sadd.s32 $0x3A600, s1;
	[dreg:$0x5] =	wrdreg s30  }
0xc: {  	v0 =	vand.u32 $0x7, v2;
	v2 =	vor.u32 $0x8, v2;
	v1 =	vmul.u32 $0x8, v1;
	s9 =	smax.u32 s0, $0x1;
	s10 =	simm.s32 $0x2;
	[dreg:$0x6] =	wrdreg s31  }
.LBB2_1:
0xd: {  	s26 =	rddreg [dreg:$0x3]  }
0xe: {  	[tilespmem:s3], [sflag:$0x2] =	stream.linear.gather [hbm4b:s26+s3], $0x60, $0x38;
	[tilespmem:$0x12100] =	vst v63  }
0xf: {  	_ =	swait.ge [sflag:s10], $0x60  }
0x10: {  	[sflag:s10] =	ssyncset.done $0x0  }
0x11: {  	[sflag:s10] =	ssyncadd.s32 $0xFFFFFFA0  }
0x12: {  	v3 =	vld [tilespmem:$0x0];
	_ =	sdelay $0x4  }
0x13: {  	v4 =	vshrl.u32 v3, $0x3  }
0x14: {  	v4 =	vmul.u32 $0x30, v4  }
0x15: {  	v3 =	vand.u32 $0x7, v3  }
0x16: {  	v3 =	vor.u32 v3, v4  }
0x17: {  	v4 =	vperm.xlane v3, v0;
	_ =	sdelay $0x1  }
0x18: {  	v4 =	vadd.s32 v1, v4;
	_ =	sdelay $0x3  }
0x19: {  	s0 =	simm.s32 $0x100;
	v3 =	vperm.xlane v3, v2  }
0x1a: {  	[tilespmem:s0], [sflag:$0x1] =	stream.indirect_vreg.gather [hbm4b:s2+s3], $0x80, v4, vm0, $0xb8;
	[tilespmem:$0x12100] =	vst v63  }
0x1b: {  	s13 =	simm.s32 $0x900;
	v3 =	vadd.s32 v1, v3  }
0x1c: {  	[tilespmem:s13], [sflag:$0x1] =	stream.indirect_vreg.gather [hbm4b:s5+s3], $0x80, v4, vm0, $0xb8;
	[tilespmem:$0x12100] =	vst v63  }
0x1d: {  	s14 =	simm.s32 $0x1100  }
0x1e: {  	[tilespmem:s14], [sflag:$0x1] =	stream.indirect_vreg.gather [hbm4b:s6+s3], $0x80, v4, vm0, $0xb8;
	[tilespmem:$0x12100] =	vst v63  }
0x1f: {  	s15 =	simm.s32 $0x1900  }
0x20: {  	[tilespmem:s15], [sflag:$0x1] =	stream.indirect_vreg.gather [hbm4b:s2+s3], $0x80, v3, vm0, $0xb8;
	[tilespmem:$0x12100] =	vst v63  }
0x21: {  	s16 =	simm.s32 $0x2100  }
0x22: {  	[tilespmem:s16], [sflag:$0x1] =	stream.indirect_vreg.gather [hbm4b:s5+s3], $0x80, v3, vm0, $0xb8;
	[tilespmem:$0x12100] =	vst v63  }
0x23: {  	s18 =	simm.s32 $0x2900  }
0x24: {  	[tilespmem:s18], [sflag:$0x1] =	stream.indirect_vreg.gather [hbm4b:s6+s3], $0x80, v3, vm0, $0xb8;
	[tilespmem:$0x12100] =	vst v63  }
0x25: {  	v3 =	vld [tilespmem:$0x10];
	_ =	sdelay $0x4  }
0x26: {  	v41 =	vshrl.u32 v3, $0x3  }
0x27: {  	v4 =	vmul.u32 $0x30, v41  }
0x28: {  	v3 =	vand.u32 $0x7, v3  }
0x29: {  	v3 =	vor.u32 v3, v4  }
0x2a: {  	v4 =	vperm.xlane v3, v0;
	_ =	sdelay $0x1  }
0x2b: {  	v4 =	vadd.s32 v1, v4;
	_ =	sdelay $0x3  }
0x2c: {  	s19 =	simm.s32 $0x3100;
	v3 =	vperm.xlane v3, v2  }
0x2d: {  	[tilespmem:s19], [sflag:$0x1] =	stream.indirect_vreg.gather [hbm4b:s2+s3], $0x80, v4, vm0, $0xb8;
	[tilespmem:$0x12100] =	vst v63  }
0x2e: {  	s20 =	simm.s32 $0x3900;
	v3 =	vadd.s32 v1, v3  }
0x2f: {  	[tilespmem:s20], [sflag:$0x1] =	stream.indirect_vreg.gather [hbm4b:s5+s3], $0x80, v4, vm0, $0xb8;
	[tilespmem:$0x12100] =	vst v63  }
0x30: {  	s21 =	simm.s32 $0x4100  }
0x31: {  	[tilespmem:s21], [sflag:$0x1] =	stream.indirect_vreg.gather [hbm4b:s6+s3], $0x80, v4, vm0, $0xb8;
	[tilespmem:$0x12100] =	vst v63  }
0x32: {  	s22 =	simm.s32 $0x4900  }
0x33: {  	[tilespmem:s22], [sflag:$0x1] =	stream.indirect_vreg.gather [hbm4b:s2+s3], $0x80, v3, vm0, $0xb8;
	[tilespmem:$0x12100] =	vst v63  }
0x34: {  	s23 =	simm.s32 $0x5100  }
0x35: {  	[tilespmem:s23], [sflag:$0x1] =	stream.indirect_vreg.gather [hbm4b:s5+s3], $0x80, v3, vm0, $0xb8;
	[tilespmem:$0x12100] =	vst v63  }
0x36: {  	s24 =	simm.s32 $0x5900  }
0x37: {  	[tilespmem:s24], [sflag:$0x1] =	stream.indirect_vreg.gather [hbm4b:s6+s3], $0x80, v3, vm0, $0xb8;
	[tilespmem:$0x12100] =	vst v63  }
0x38: {  	v3 =	vld [tilespmem:$0x20];
	_ =	sdelay $0x4  }
0x39: {  	v42 =	vshrl.u32 v3, $0x3  }
0x3a: {  	v4 =	vmul.u32 $0x30, v42  }
0x3b: {  	v3 =	vand.u32 $0x7, v3  }
0x3c: {  	v3 =	vor.u32 v3, v4  }
0x3d: {  	v4 =	vperm.xlane v3, v0;
	_ =	sdelay $0x1  }
0x3e: {  	v4 =	vadd.s32 v1, v4;
	_ =	sdelay $0x3  }
0x3f: {  	s26 =	simm.s32 $0x6100;
	v3 =	vperm.xlane v3, v2  }
0x40: {  	[tilespmem:s26], [sflag:$0x1] =	stream.indirect_vreg.gather [hbm4b:s2+s3], $0x80, v4, vm0, $0xb8;
	[tilespmem:$0x12100] =	vst v63  }
0x41: {  	s28 =	simm.s32 $0x6900;
	v3 =	vadd.s32 v1, v3  }
0x42: {  	[tilespmem:s28], [sflag:$0x1] =	stream.indirect_vreg.gather [hbm4b:s5+s3], $0x80, v4, vm0, $0xb8;
	[tilespmem:$0x12100] =	vst v63  }
0x43: {  	s29 =	simm.s32 $0x7100  }
0x44: {  	[tilespmem:s29], [sflag:$0x1] =	stream.indirect_vreg.gather [hbm4b:s6+s3], $0x80, v4, vm0, $0xb8;
	[tilespmem:$0x12100] =	vst v63  }
0x45: {  	s30 =	simm.s32 $0x7900  }
0x46: {  	[tilespmem:s30], [sflag:$0x1] =	stream.indirect_vreg.gather [hbm4b:s2+s3], $0x80, v3, vm0, $0xb8;
	[tilespmem:$0x12100] =	vst v63  }
0x47: {  	s31 =	simm.s32 $0x8100  }
0x48: {  	[tilespmem:s31], [sflag:$0x1] =	stream.indirect_vreg.gather [hbm4b:s5+s3], $0x80, v3, vm0, $0xb8;
	[tilespmem:$0x12100] =	vst v63  }
0x49: {  	s18 =	simm.s32 $0x8900  }
0x4a: {  	[tilespmem:s18], [sflag:$0x1] =	stream.indirect_vreg.gather [hbm4b:s6+s3], $0x80, v3, vm0, $0xb8;
	[tilespmem:$0x12100] =	vst v63  }
0x4b: {  	v3 =	vld [tilespmem:$0x30];
	_ =	sdelay $0x4  }
0x4c: {  	v43 =	vshrl.u32 v3, $0x3  }
0x4d: {  	v4 =	vmul.u32 $0x30, v43  }
0x4e: {  	v3 =	vand.u32 $0x7, v3  }
0x4f: {  	v3 =	vor.u32 v3, v4  }
0x50: {  	v4 =	vperm.xlane v3, v0;
	_ =	sdelay $0x1  }
0x51: {  	v4 =	vadd.s32 v1, v4;
	_ =	sdelay $0x3  }
0x52: {  	s19 =	simm.s32 $0x9100;
	v3 =	vperm.xlane v3, v2  }
0x53: {  	[tilespmem:s19], [sflag:$0x1] =	stream.indirect_vreg.gather [hbm4b:s2+s3], $0x80, v4, vm0, $0xb8;
	[tilespmem:$0x12100] =	vst v63  }
0x54: {  	s20 =	simm.s32 $0x9900;
	v3 =	vadd.s32 v1, v3  }
0x55: {  	[tilespmem:s20], [sflag:$0x1] =	stream.indirect_vreg.gather [hbm4b:s5+s3], $0x80, v4, vm0, $0xb8;
	[tilespmem:$0x12100] =	vst v63  }
0x56: {  	s21 =	simm.s32 $0xA100  }
0x57: {  	[tilespmem:s21], [sflag:$0x1] =	stream.indirect_vreg.gather [hbm4b:s6+s3], $0x80, v4, vm0, $0xb8;
	[tilespmem:$0x12100] =	vst v63  }
0x58: {  	s22 =	simm.s32 $0xA900  }
0x59: {  	[tilespmem:s22], [sflag:$0x1] =	stream.indirect_vreg.gather [hbm4b:s2+s3], $0x80, v3, vm0, $0xb8;
	[tilespmem:$0x12100] =	vst v63  }
0x5a: {  	s23 =	simm.s32 $0xB100  }
0x5b: {  	[tilespmem:s23], [sflag:$0x1] =	stream.indirect_vreg.gather [hbm4b:s5+s3], $0x80, v3, vm0, $0xb8;
	[tilespmem:$0x12100] =	vst v63  }
0x5c: {  	s24 =	simm.s32 $0xB900  }
0x5d: {  	[tilespmem:s24], [sflag:$0x1] =	stream.indirect_vreg.gather [hbm4b:s6+s3], $0x80, v3, vm0, $0xb8;
	[tilespmem:$0x12100] =	vst v63  }
0x5e: {  	v3 =	vld [tilespmem:$0x40];
	_ =	sdelay $0x4  }
0x5f: {  	v44 =	vshrl.u32 v3, $0x3  }
0x60: {  	v4 =	vmul.u32 $0x30, v44  }
0x61: {  	v3 =	vand.u32 $0x7, v3  }
0x62: {  	v3 =	vor.u32 v3, v4  }
0x63: {  	v4 =	vperm.xlane v3, v0;
	_ =	sdelay $0x1  }
0x64: {  	v4 =	vadd.s32 v1, v4;
	_ =	sdelay $0x3  }
0x65: {  	s31 =	simm.s32 $0xC100;
	v3 =	vperm.xlane v3, v2  }
0x66: {  	[tilespmem:s31], [sflag:$0x1] =	stream.indirect_vreg.gather [hbm4b:s2+s3], $0x80, v4, vm0, $0xb8;
	[tilespmem:$0x12100] =	vst v63  }
0x67: {  	s0 =	simm.s32 $0xC900;
	v3 =	vadd.s32 v1, v3  }
0x68: {  	[tilespmem:s0], [sflag:$0x1] =	stream.indirect_vreg.gather [hbm4b:s5+s3], $0x80, v4, vm0, $0xb8;
	[tilespmem:$0x12100] =	vst v63  }
0x69: {  	s18 =	simm.s32 $0xD100  }
0x6a: {  	[tilespmem:s18], [sflag:$0x1] =	stream.indirect_vreg.gather [hbm4b:s6+s3], $0x80, v4, vm0, $0xb8;
	[tilespmem:$0x12100] =	vst v63  }
0x6b: {  	s19 =	simm.s32 $0xD900  }
0x6c: {  	[tilespmem:s19], [sflag:$0x1] =	stream.indirect_vreg.gather [hbm4b:s2+s3], $0x80, v3, vm0, $0xb8;
	[tilespmem:$0x12100] =	vst v63  }
0x6d: {  	s20 =	simm.s32 $0xE100  }
0x6e: {  	[tilespmem:s20], [sflag:$0x1] =	stream.indirect_vreg.gather [hbm4b:s5+s3], $0x80, v3, vm0, $0xb8;
	[tilespmem:$0x12100] =	vst v63  }
0x6f: {  	s21 =	simm.s32 $0xE900  }
0x70: {  	[tilespmem:s21], [sflag:$0x1] =	stream.indirect_vreg.gather [hbm4b:s6+s3], $0x80, v3, vm0, $0xb8;
	[tilespmem:$0x12100] =	vst v63  }
0x71: {  	v3 =	vld [tilespmem:$0x50];
	_ =	sdelay $0x4  }
0x72: {  	v45 =	vshrl.u32 v3, $0x3  }
0x73: {  	v4 =	vmul.u32 $0x30, v45  }
0x74: {  	v3 =	vand.u32 $0x7, v3  }
0x75: {  	v3 =	vor.u32 v3, v4  }
0x76: {  	v4 =	vperm.xlane v3, v0;
	_ =	sdelay $0x1  }
0x77: {  	v4 =	vadd.s32 v1, v4;
	_ =	sdelay $0x3  }
0x78: {  	s22 =	simm.s32 $0xF100;
	v3 =	vperm.xlane v3, v2  }
0x79: {  	[tilespmem:s22], [sflag:$0x1] =	stream.indirect_vreg.gather [hbm4b:s2+s3], $0x80, v4, vm0, $0xb8;
	[tilespmem:$0x12100] =	vst v63  }
0x7a: {  	s0 =	simm.s32 $0xF900;
	v3 =	vadd.s32 v1, v3  }
0x7b: {  	[tilespmem:s0], [sflag:$0x1] =	stream.indirect_vreg.gather [hbm4b:s5+s3], $0x80, v4, vm0, $0xb8;
	[tilespmem:$0x12100] =	vst v63  }
0x7c: {  	s18 =	simm.s32 $0x10100  }
0x7d: {  	[tilespmem:s18], [sflag:$0x1] =	stream.indirect_vreg.gather [hbm4b:s6+s3], $0x80, v4, vm0, $0xb8;
	[tilespmem:$0x12100] =	vst v63  }
0x7e: {  	s19 =	simm.s32 $0x10900  }
0x7f: {  	[tilespmem:s19], [sflag:$0x1] =	stream.indirect_vreg.gather [hbm4b:s2+s3], $0x80, v3, vm0, $0xb8;
	[tilespmem:$0x12100] =	vst v63  }
0x80: {  	s22 =	simm.s32 $0x11100  }
0x81: {  	[tilespmem:s22], [sflag:$0x1] =	stream.indirect_vreg.gather [hbm4b:s5+s3], $0x80, v3, vm0, $0xb8;
	[tilespmem:$0x12100] =	vst v63  }
0x82: {  	s0 =	simm.s32 $0x11900  }
0x83: {  	[tilespmem:s0], [sflag:$0x1] =	stream.indirect_vreg.gather [hbm4b:s6+s3], $0x80, v3, vm0, $0xb8;
	[tilespmem:$0x12100] =	vst v63  }
0x84: {  	_ =	swait.ge [sflag:s25], $0x12000  }
0x85: {  	[sflag:s25] =	ssyncset.done $0x0  }
0x86: {  	s19 =	simm.s32 $0x80;
	s18 =	rddreg [dreg:$0x4];
	[sflag:s25] =	ssyncadd.s32 $0xFFFEE000  }
0x87: {  	[tilespmem:s19], [sflag:$0x2] =	stream.linear.gather [hbm4b:s18+s3], $0x60, $0x38;
	[tilespmem:$0x12100] =	vst v63  }
0x88: {  	_ =	swait.ge [sflag:s10], $0x60  }
0x89: {  	[sflag:s10] =	ssyncset.done $0x0  }
0x8a: {  	[sflag:s10] =	ssyncadd.s32 $0xFFFFFFA0  }
0x8b: {  	v3 =	vld [tilespmem:$0x80];
	_ =	sdelay $0x4  }
0x8c: {  	v46 =	vshrl.u32 v3, $0x3  }
0x8d: {  	v4 =	vmul.u32 $0x30, v46  }
0x8e: {  	v3 =	vand.u32 $0x7, v3  }
0x8f: {  	v3 =	vor.u32 v3, v4  }
0x90: {  	v4 =	vperm.xlane v3, v0;
	_ =	sdelay $0x1  }
0x91: {  	v4 =	vadd.s32 v1, v4;
	_ =	sdelay $0x3  }
0x92: {  	s17 =	simm.s32 $0x100;
	v3 =	vperm.xlane v3, v2  }
0x93: {  	[hbm4b:s4+s3] =	stream.indirect_vreg.scatter [tilespmem:s17], [sflag:$0x1], $0x80, v4, vm0, $0xb8;
	[tilespmem:$0x12100] =	vst v63  }
0x94: {  	s1 =	simm.s32 $0x900;
	v3 =	vadd.s32 v1, v3  }
0x95: {  	[hbm4b:s7+s3] =	stream.indirect_vreg.scatter [tilespmem:s1], [sflag:$0x1], $0x80, v4, vm0, $0xb8;
	[tilespmem:$0x12100] =	vst v63  }
0x96: {  	s11 =	simm.s32 $0x1100  }
0x97: {  	[hbm4b:s8+s3] =	stream.indirect_vreg.scatter [tilespmem:s11], [sflag:$0x1], $0x80, v4, vm0, $0xb8;
	[tilespmem:$0x12100] =	vst v63  }
0x98: {  	s12 =	simm.s32 $0x1900  }
0x99: {  	[hbm4b:s4+s3] =	stream.indirect_vreg.scatter [tilespmem:s12], [sflag:$0x1], $0x80, v3, vm0, $0xb8;
	[tilespmem:$0x12100] =	vst v63  }
0x9a: {  	s0 =	simm.s32 $0x2100  }
0x9b: {  	[hbm4b:s7+s3] =	stream.indirect_vreg.scatter [tilespmem:s0], [sflag:$0x1], $0x80, v3, vm0, $0xb8;
	[tilespmem:$0x12100] =	vst v63  }
0x9c: {  	s13 =	simm.s32 $0x2900  }
0x9d: {  	[hbm4b:s8+s3] =	stream.indirect_vreg.scatter [tilespmem:s13], [sflag:$0x1], $0x80, v3, vm0, $0xb8;
	[tilespmem:$0x12100] =	vst v63  }
0x9e: {  	v3 =	vld [tilespmem:$0x90];
	_ =	sdelay $0x4  }
0x9f: {  	v47 =	vshrl.u32 v3, $0x3  }
0xa0: {  	v4 =	vmul.u32 $0x30, v47  }
0xa1: {  	v3 =	vand.u32 $0x7, v3  }
0xa2: {  	v3 =	vor.u32 v3, v4  }
0xa3: {  	v4 =	vperm.xlane v3, v0;
	_ =	sdelay $0x1  }
0xa4: {  	v4 =	vadd.s32 v1, v4;
	_ =	sdelay $0x3  }
0xa5: {  	s14 =	simm.s32 $0x3100;
	v3 =	vperm.xlane v3, v2  }
0xa6: {  	[hbm4b:s4+s3] =	stream.indirect_vreg.scatter [tilespmem:s14], [sflag:$0x1], $0x80, v4, vm0, $0xb8;
	[tilespmem:$0x12100] =	vst v63  }
0xa7: {  	s1 =	simm.s32 $0x3900;
	v3 =	vadd.s32 v1, v3  }
0xa8: {  	[hbm4b:s7+s3] =	stream.indirect_vreg.scatter [tilespmem:s1], [sflag:$0x1], $0x80, v4, vm0, $0xb8;
	[tilespmem:$0x12100] =	vst v63  }
0xa9: {  	s11 =	simm.s32 $0x4100  }
0xaa: {  	[hbm4b:s8+s3] =	stream.indirect_vreg.scatter [tilespmem:s11], [sflag:$0x1], $0x80, v4, vm0, $0xb8;
	[tilespmem:$0x12100] =	vst v63  }
0xab: {  	s12 =	simm.s32 $0x4900  }
0xac: {  	[hbm4b:s4+s3] =	stream.indirect_vreg.scatter [tilespmem:s12], [sflag:$0x1], $0x80, v3, vm0, $0xb8;
	[tilespmem:$0x12100] =	vst v63  }
0xad: {  	s13 =	simm.s32 $0x5100  }
0xae: {  	[hbm4b:s7+s3] =	stream.indirect_vreg.scatter [tilespmem:s13], [sflag:$0x1], $0x80, v3, vm0, $0xb8;
	[tilespmem:$0x12100] =	vst v63  }
0xaf: {  	s15 =	simm.s32 $0x5900  }
0xb0: {  	[hbm4b:s8+s3] =	stream.indirect_vreg.scatter [tilespmem:s15], [sflag:$0x1], $0x80, v3, vm0, $0xb8;
	[tilespmem:$0x12100] =	vst v63  }
0xb1: {  	v3 =	vld [tilespmem:$0xA0];
	_ =	sdelay $0x4  }
0xb2: {  	v48 =	vshrl.u32 v3, $0x3  }
0xb3: {  	v4 =	vmul.u32 $0x30, v48  }
0xb4: {  	v3 =	vand.u32 $0x7, v3  }
0xb5: {  	v3 =	vor.u32 v3, v4  }
0xb6: {  	v4 =	vperm.xlane v3, v0;
	_ =	sdelay $0x1  }
0xb7: {  	v4 =	vadd.s32 v1, v4;
	_ =	sdelay $0x3  }
0xb8: {  	s16 =	simm.s32 $0x6100;
	v3 =	vperm.xlane v3, v2  }
0xb9: {  	[hbm4b:s4+s3] =	stream.indirect_vreg.scatter [tilespmem:s16], [sflag:$0x1], $0x80, v4, vm0, $0xb8;
	[tilespmem:$0x12100] =	vst v63  }
0xba: {  	s14 =	simm.s32 $0x6900;
	v3 =	vadd.s32 v1, v3  }
0xbb: {  	[hbm4b:s7+s3] =	stream.indirect_vreg.scatter [tilespmem:s14], [sflag:$0x1], $0x80, v4, vm0, $0xb8;
	[tilespmem:$0x12100] =	vst v63  }
0xbc: {  	s15 =	simm.s32 $0x7100  }
0xbd: {  	[hbm4b:s8+s3] =	stream.indirect_vreg.scatter [tilespmem:s15], [sflag:$0x1], $0x80, v4, vm0, $0xb8;
	[tilespmem:$0x12100] =	vst v63  }
0xbe: {  	s16 =	simm.s32 $0x7900  }
0xbf: {  	[hbm4b:s4+s3] =	stream.indirect_vreg.scatter [tilespmem:s16], [sflag:$0x1], $0x80, v3, vm0, $0xb8;
	[tilespmem:$0x12100] =	vst v63  }
0xc0: {  	s17 =	simm.s32 $0x8100  }
0xc1: {  	[hbm4b:s7+s3] =	stream.indirect_vreg.scatter [tilespmem:s17], [sflag:$0x1], $0x80, v3, vm0, $0xb8;
	[tilespmem:$0x12100] =	vst v63  }
0xc2: {  	s18 =	simm.s32 $0x8900  }
0xc3: {  	[hbm4b:s8+s3] =	stream.indirect_vreg.scatter [tilespmem:s18], [sflag:$0x1], $0x80, v3, vm0, $0xb8;
	[tilespmem:$0x12100] =	vst v63  }
0xc4: {  	v3 =	vld [tilespmem:$0xB0];
	_ =	sdelay $0x4  }
0xc5: {  	v49 =	vshrl.u32 v3, $0x3  }
0xc6: {  	v4 =	vmul.u32 $0x30, v49  }
0xc7: {  	v3 =	vand.u32 $0x7, v3  }
0xc8: {  	v3 =	vor.u32 v3, v4  }
0xc9: {  	v4 =	vperm.xlane v3, v0;
	_ =	sdelay $0x1  }
0xca: {  	v4 =	vadd.s32 v1, v4;
	_ =	sdelay $0x3  }
0xcb: {  	s19 =	simm.s32 $0x9100;
	v3 =	vperm.xlane v3, v2  }
0xcc: {  	[hbm4b:s4+s3] =	stream.indirect_vreg.scatter [tilespmem:s19], [sflag:$0x1], $0x80, v4, vm0, $0xb8;
	[tilespmem:$0x12100] =	vst v63  }
0xcd: {  	s26 =	simm.s32 $0x9900;
	v3 =	vadd.s32 v1, v3  }
0xce: {  	[hbm4b:s7+s3] =	stream.indirect_vreg.scatter [tilespmem:s26], [sflag:$0x1], $0x80, v4, vm0, $0xb8;
	[tilespmem:$0x12100] =	vst v63  }
0xcf: {  	s28 =	simm.s32 $0xA100  }
0xd0: {  	[hbm4b:s8+s3] =	stream.indirect_vreg.scatter [tilespmem:s28], [sflag:$0x1], $0x80, v4, vm0, $0xb8;
	[tilespmem:$0x12100] =	vst v63  }
0xd1: {  	s29 =	simm.s32 $0xA900  }
0xd2: {  	[hbm4b:s4+s3] =	stream.indirect_vreg.scatter [tilespmem:s29], [sflag:$0x1], $0x80, v3, vm0, $0xb8;
	[tilespmem:$0x12100] =	vst v63  }
0xd3: {  	s30 =	simm.s32 $0xB100  }
0xd4: {  	[hbm4b:s7+s3] =	stream.indirect_vreg.scatter [tilespmem:s30], [sflag:$0x1], $0x80, v3, vm0, $0xb8;
	[tilespmem:$0x12100] =	vst v63  }
0xd5: {  	s23 =	simm.s32 $0xB900  }
0xd6: {  	[hbm4b:s8+s3] =	stream.indirect_vreg.scatter [tilespmem:s23], [sflag:$0x1], $0x80, v3, vm0, $0xb8;
	[tilespmem:$0x12100] =	vst v63  }
0xd7: {  	v3 =	vld [tilespmem:$0xC0];
	_ =	sdelay $0x4  }
0xd8: {  	v50 =	vshrl.u32 v3, $0x3  }
0xd9: {  	v4 =	vmul.u32 $0x30, v50  }
0xda: {  	v3 =	vand.u32 $0x7, v3  }
0xdb: {  	v3 =	vor.u32 v3, v4  }
0xdc: {  	v4 =	vperm.xlane v3, v0;
	_ =	sdelay $0x1  }
0xdd: {  	v4 =	vadd.s32 v1, v4;
	_ =	sdelay $0x3  }
0xde: {  	s24 =	simm.s32 $0xC100;
	v3 =	vperm.xlane v3, v2  }
0xdf: {  	[hbm4b:s4+s3] =	stream.indirect_vreg.scatter [tilespmem:s24], [sflag:$0x1], $0x80, v4, vm0, $0xb8;
	[tilespmem:$0x12100] =	vst v63  }
0xe0: {  	s31 =	simm.s32 $0xC900;
	v3 =	vadd.s32 v1, v3  }
0xe1: {  	[hbm4b:s7+s3] =	stream.indirect_vreg.scatter [tilespmem:s31], [sflag:$0x1], $0x80, v4, vm0, $0xb8;
	[tilespmem:$0x12100] =	vst v63  }
0xe2: {  	s26 =	simm.s32 $0xD100  }
0xe3: {  	[hbm4b:s8+s3] =	stream.indirect_vreg.scatter [tilespmem:s26], [sflag:$0x1], $0x80, v4, vm0, $0xb8;
	[tilespmem:$0x12100] =	vst v63  }
0xe4: {  	s31 =	simm.s32 $0xD900  }
0xe5: {  	[hbm4b:s4+s3] =	stream.indirect_vreg.scatter [tilespmem:s31], [sflag:$0x1], $0x80, v3, vm0, $0xb8;
	[tilespmem:$0x12100] =	vst v63  }
0xe6: {  	s26 =	simm.s32 $0xE100  }
0xe7: {  	[hbm4b:s7+s3] =	stream.indirect_vreg.scatter [tilespmem:s26], [sflag:$0x1], $0x80, v3, vm0, $0xb8;
	[tilespmem:$0x12100] =	vst v63  }
0xe8: {  	s20 =	simm.s32 $0xE900  }
0xe9: {  	[hbm4b:s8+s3] =	stream.indirect_vreg.scatter [tilespmem:s20], [sflag:$0x1], $0x80, v3, vm0, $0xb8;
	[tilespmem:$0x12100] =	vst v63  }
0xea: {  	v3 =	vld [tilespmem:$0xD0];
	_ =	sdelay $0x4  }
0xeb: {  	v51 =	vshrl.u32 v3, $0x3  }
0xec: {  	v4 =	vmul.u32 $0x30, v51  }
0xed: {  	v3 =	vand.u32 $0x7, v3  }
0xee: {  	v3 =	vor.u32 v3, v4  }
0xef: {  	v4 =	vperm.xlane v3, v0;
	_ =	sdelay $0x1  }
0xf0: {  	v4 =	vadd.s32 v1, v4;
	_ =	sdelay $0x3  }
0xf1: {  	s21 =	simm.s32 $0xF100;
	v3 =	vperm.xlane v3, v2  }
0xf2: {  	[hbm4b:s4+s3] =	stream.indirect_vreg.scatter [tilespmem:s21], [sflag:$0x1], $0x80, v4, vm0, $0xb8;
	[tilespmem:$0x12100] =	vst v63  }
0xf3: {  	v3 =	vadd.s32 v1, v3;
	s21 =	simm.s32 $0xF900  }
0xf4: {  	[hbm4b:s7+s3] =	stream.indirect_vreg.scatter [tilespmem:s21], [sflag:$0x1], $0x80, v4, vm0, $0xb8;
	[tilespmem:$0x12100] =	vst v63  }
0xf5: {  	s26 =	simm.s32 $0x10100  }
0xf6: {  	[hbm4b:s8+s3] =	stream.indirect_vreg.scatter [tilespmem:s26], [sflag:$0x1], $0x80, v4, vm0, $0xb8;
	[tilespmem:$0x12100] =	vst v63  }
0xf7: {  	s26 =	simm.s32 $0x10900  }
0xf8: {  	[hbm4b:s4+s3] =	stream.indirect_vreg.scatter [tilespmem:s26], [sflag:$0x1], $0x80, v3, vm0, $0xb8;
	[tilespmem:$0x12100] =	vst v63  }
0xf9: {  	s26 =	simm.s32 $0x11100  }
0xfa: {  	[hbm4b:s7+s3] =	stream.indirect_vreg.scatter [tilespmem:s26], [sflag:$0x1], $0x80, v3, vm0, $0xb8;
	[tilespmem:$0x12100] =	vst v63  }
0xfb: {  	s22 =	simm.s32 $0x11900  }
0xfc: {  	[hbm4b:s8+s3] =	stream.indirect_vreg.scatter [tilespmem:s22], [sflag:$0x1], $0x80, v3, vm0, $0xb8;
	[tilespmem:$0x12100] =	vst v63  }
0xfd: {  	_ =	swait.ge [sflag:s25], $0x12000  }
0xfe: {  	[sflag:s25] =	ssyncset.done $0x0  }
0xff: {  	s22 =	rddreg [dreg:$0x5];
	[sflag:s25] =	ssyncadd.s32 $0xFFFEE000  }
0x100: {  	[tilespmem:s3], [sflag:$0x2] =	stream.linear.gather [hbm4b:s22+s3], $0x60, $0x38;
	[tilespmem:$0x12100] =	vst v63  }
0x101: {  	_ =	swait.ge [sflag:s10], $0x60  }
0x102: {  	[sflag:s10] =	ssyncset.done $0x0  }
0x103: {  	[sflag:s10] =	ssyncadd.s32 $0xFFFFFFA0  }
0x104: {  	v3 =	vld [tilespmem:$0x0];
	_ =	sdelay $0x4  }
0x105: {  	v52 =	vshrl.u32 v3, $0x3  }
0x106: {  	v4 =	vmul.u32 $0x30, v52  }
0x107: {  	v3 =	vand.u32 $0x7, v3  }
0x108: {  	v3 =	vor.u32 v3, v4  }
0x109: {  	v4 =	vperm.xlane v3, v0;
	_ =	sdelay $0x1  }
0x10a: {  	v4 =	vadd.s32 v1, v4;
	_ =	sdelay $0x3  }
0x10b: {  	s26 =	simm.s32 $0x100;
	v3 =	vperm.xlane v3, v2  }
0x10c: {  	[tilespmem:s26], [sflag:$0x1] =	stream.indirect_vreg.gather [hbm4b:s2+s3], $0x80, v4, vm0, $0xb8;
	[tilespmem:$0x12100] =	vst v63  }
0x10d: {  	s22 =	simm.s32 $0x900;
	v3 =	vadd.s32 v1, v3  }
0x10e: {  	[tilespmem:s22], [sflag:$0x1] =	stream.indirect_vreg.gather [hbm4b:s5+s3], $0x80, v4, vm0, $0xb8;
	[tilespmem:$0x12100] =	vst v63  }
0x10f: {  	s26 =	simm.s32 $0x1100  }
0x110: {  	[tilespmem:s26], [sflag:$0x1] =	stream.indirect_vreg.gather [hbm4b:s6+s3], $0x80, v4, vm0, $0xb8;
	[tilespmem:$0x12100] =	vst v63  }
0x111: {  	s20 =	simm.s32 $0x1900  }
0x112: {  	[tilespmem:s20], [sflag:$0x1] =	stream.indirect_vreg.gather [hbm4b:s2+s3], $0x80, v3, vm0, $0xb8;
	[tilespmem:$0x12100] =	vst v63  }
0x113: {  	_ = 	snop  }
0x114: {  	[tilespmem:s0], [sflag:$0x1] =	stream.indirect_vreg.gather [hbm4b:s5+s3], $0x80, v3, vm0, $0xb8;
	[tilespmem:$0x12100] =	vst v63  }
0x115: {  	s26 =	simm.s32 $0x2900  }
0x116: {  	[tilespmem:s26], [sflag:$0x1] =	stream.indirect_vreg.gather [hbm4b:s6+s3], $0x80, v3, vm0, $0xb8;
	[tilespmem:$0x12100] =	vst v63  }
0x117: {  	v3 =	vld [tilespmem:$0x10];
	_ =	sdelay $0x4  }
0x118: {  	v53 =	vshrl.u32 v3, $0x3  }
0x119: {  	v4 =	vmul.u32 $0x30, v53  }
0x11a: {  	v3 =	vand.u32 $0x7, v3  }
0x11b: {  	v3 =	vor.u32 v3, v4  }
0x11c: {  	v4 =	vperm.xlane v3, v0;
	_ =	sdelay $0x1  }
0x11d: {  	v4 =	vadd.s32 v1, v4;
	_ =	sdelay $0x3  }
0x11e: {  	s0 =	simm.s32 $0x3100;
	v3 =	vperm.xlane v3, v2  }
0x11f: {  	[tilespmem:s0], [sflag:$0x1] =	stream.indirect_vreg.gather [hbm4b:s2+s3], $0x80, v4, vm0, $0xb8;
	[tilespmem:$0x12100] =	vst v63  }
0x120: {  	v3 =	vadd.s32 v1, v3  }
0x121: {  	[tilespmem:s1], [sflag:$0x1] =	stream.indirect_vreg.gather [hbm4b:s5+s3], $0x80, v4, vm0, $0xb8;
	[tilespmem:$0x12100] =	vst v63  }
0x122: {  	_ = 	snop  }
0x123: {  	[tilespmem:s11], [sflag:$0x1] =	stream.indirect_vreg.gather [hbm4b:s6+s3], $0x80, v4, vm0, $0xb8;
	[tilespmem:$0x12100] =	vst v63  }
0x124: {  	_ = 	snop  }
0x125: {  	[tilespmem:s12], [sflag:$0x1] =	stream.indirect_vreg.gather [hbm4b:s2+s3], $0x80, v3, vm0, $0xb8;
	[tilespmem:$0x12100] =	vst v63  }
0x126: {  	_ = 	snop  }
0x127: {  	[tilespmem:s13], [sflag:$0x1] =	stream.indirect_vreg.gather [hbm4b:s5+s3], $0x80, v3, vm0, $0xb8;
	[tilespmem:$0x12100] =	vst v63  }
0x128: {  	s26 =	simm.s32 $0x5900  }
0x129: {  	[tilespmem:s26], [sflag:$0x1] =	stream.indirect_vreg.gather [hbm4b:s6+s3], $0x80, v3, vm0, $0xb8;
	[tilespmem:$0x12100] =	vst v63  }
0x12a: {  	v3 =	vld [tilespmem:$0x20];
	_ =	sdelay $0x4  }
0x12b: {  	v54 =	vshrl.u32 v3, $0x3  }
0x12c: {  	v4 =	vmul.u32 $0x30, v54  }
0x12d: {  	v3 =	vand.u32 $0x7, v3  }
0x12e: {  	v3 =	vor.u32 v3, v4  }
0x12f: {  	v4 =	vperm.xlane v3, v0;
	_ =	sdelay $0x1  }
0x130: {  	v4 =	vadd.s32 v1, v4;
	_ =	sdelay $0x3  }
0x131: {  	s0 =	simm.s32 $0x6100;
	v3 =	vperm.xlane v3, v2  }
0x132: {  	[tilespmem:s0], [sflag:$0x1] =	stream.indirect_vreg.gather [hbm4b:s2+s3], $0x80, v4, vm0, $0xb8;
	[tilespmem:$0x12100] =	vst v63  }
0x133: {  	v3 =	vadd.s32 v1, v3  }
0x134: {  	[tilespmem:s14], [sflag:$0x1] =	stream.indirect_vreg.gather [hbm4b:s5+s3], $0x80, v4, vm0, $0xb8;
	[tilespmem:$0x12100] =	vst v63  }
0x135: {  	_ = 	snop  }
0x136: {  	[tilespmem:s15], [sflag:$0x1] =	stream.indirect_vreg.gather [hbm4b:s6+s3], $0x80, v4, vm0, $0xb8;
	[tilespmem:$0x12100] =	vst v63  }
0x137: {  	_ = 	snop  }
0x138: {  	[tilespmem:s16], [sflag:$0x1] =	stream.indirect_vreg.gather [hbm4b:s2+s3], $0x80, v3, vm0, $0xb8;
	[tilespmem:$0x12100] =	vst v63  }
0x139: {  	_ = 	snop  }
0x13a: {  	[tilespmem:s17], [sflag:$0x1] =	stream.indirect_vreg.gather [hbm4b:s5+s3], $0x80, v3, vm0, $0xb8;
	[tilespmem:$0x12100] =	vst v63  }
0x13b: {  	_ = 	snop  }
0x13c: {  	[tilespmem:s18], [sflag:$0x1] =	stream.indirect_vreg.gather [hbm4b:s6+s3], $0x80, v3, vm0, $0xb8;
	[tilespmem:$0x12100] =	vst v63  }
0x13d: {  	v3 =	vld [tilespmem:$0x30];
	_ =	sdelay $0x4  }
0x13e: {  	v55 =	vshrl.u32 v3, $0x3  }
0x13f: {  	v4 =	vmul.u32 $0x30, v55  }
0x140: {  	v3 =	vand.u32 $0x7, v3  }
0x141: {  	v3 =	vor.u32 v3, v4  }
0x142: {  	v4 =	vperm.xlane v3, v0;
	_ =	sdelay $0x1  }
0x143: {  	v4 =	vadd.s32 v1, v4;
	_ =	sdelay $0x3  }
0x144: {  	v3 =	vperm.xlane v3, v2  }
0x145: {  	[tilespmem:s19], [sflag:$0x1] =	stream.indirect_vreg.gather [hbm4b:s2+s3], $0x80, v4, vm0, $0xb8;
	[tilespmem:$0x12100] =	vst v63  }
0x146: {  	s26 =	simm.s32 $0x9900;
	v3 =	vadd.s32 v1, v3  }
0x147: {  	[tilespmem:s26], [sflag:$0x1] =	stream.indirect_vreg.gather [hbm4b:s5+s3], $0x80, v4, vm0, $0xb8;
	[tilespmem:$0x12100] =	vst v63  }
0x148: {  	s28 =	simm.s32 $0xA100  }
0x149: {  	[tilespmem:s28], [sflag:$0x1] =	stream.indirect_vreg.gather [hbm4b:s6+s3], $0x80, v4, vm0, $0xb8;
	[tilespmem:$0x12100] =	vst v63  }
0x14a: {  	s29 =	simm.s32 $0xA900  }
0x14b: {  	[tilespmem:s29], [sflag:$0x1] =	stream.indirect_vreg.gather [hbm4b:s2+s3], $0x80, v3, vm0, $0xb8;
	[tilespmem:$0x12100] =	vst v63  }
0x14c: {  	s30 =	simm.s32 $0xB100  }
0x14d: {  	[tilespmem:s30], [sflag:$0x1] =	stream.indirect_vreg.gather [hbm4b:s5+s3], $0x80, v3, vm0, $0xb8;
	[tilespmem:$0x12100] =	vst v63  }
0x14e: {  	s0 =	simm.s32 $0xB900  }
0x14f: {  	[tilespmem:s0], [sflag:$0x1] =	stream.indirect_vreg.gather [hbm4b:s6+s3], $0x80, v3, vm0, $0xb8;
	[tilespmem:$0x12100] =	vst v63  }
0x150: {  	v3 =	vld [tilespmem:$0x40];
	_ =	sdelay $0x4  }
0x151: {  	v56 =	vshrl.u32 v3, $0x3  }
0x152: {  	v4 =	vmul.u32 $0x30, v56  }
0x153: {  	v3 =	vand.u32 $0x7, v3  }
0x154: {  	v3 =	vor.u32 v3, v4  }
0x155: {  	v4 =	vperm.xlane v3, v0;
	_ =	sdelay $0x1  }
0x156: {  	v4 =	vadd.s32 v1, v4;
	_ =	sdelay $0x3  }
0x157: {  	s30 =	simm.s32 $0xC100;
	v3 =	vperm.xlane v3, v2  }
0x158: {  	[tilespmem:s30], [sflag:$0x1] =	stream.indirect_vreg.gather [hbm4b:s2+s3], $0x80, v4, vm0, $0xb8;
	[tilespmem:$0x12100] =	vst v63  }
0x159: {  	s23 =	simm.s32 $0xC900;
	v3 =	vadd.s32 v1, v3  }
0x15a: {  	[tilespmem:s23], [sflag:$0x1] =	stream.indirect_vreg.gather [hbm4b:s5+s3], $0x80, v4, vm0, $0xb8;
	[tilespmem:$0x12100] =	vst v63  }
0x15b: {  	s24 =	simm.s32 $0xD100  }
0x15c: {  	[tilespmem:s24], [sflag:$0x1] =	stream.indirect_vreg.gather [hbm4b:s6+s3], $0x80, v4, vm0, $0xb8;
	[tilespmem:$0x12100] =	vst v63  }
0x15d: {  	s31 =	simm.s32 $0xD900  }
0x15e: {  	[tilespmem:s31], [sflag:$0x1] =	stream.indirect_vreg.gather [hbm4b:s2+s3], $0x80, v3, vm0, $0xb8;
	[tilespmem:$0x12100] =	vst v63  }
0x15f: {  	s31 =	simm.s32 $0xE100  }
0x160: {  	[tilespmem:s31], [sflag:$0x1] =	stream.indirect_vreg.gather [hbm4b:s5+s3], $0x80, v3, vm0, $0xb8;
	[tilespmem:$0x12100] =	vst v63  }
0x161: {  	s0 =	simm.s32 $0xE900  }
0x162: {  	[tilespmem:s0], [sflag:$0x1] =	stream.indirect_vreg.gather [hbm4b:s6+s3], $0x80, v3, vm0, $0xb8;
	[tilespmem:$0x12100] =	vst v63  }
0x163: {  	v3 =	vld [tilespmem:$0x50];
	_ =	sdelay $0x4  }
0x164: {  	v57 =	vshrl.u32 v3, $0x3  }
0x165: {  	v4 =	vmul.u32 $0x30, v57  }
0x166: {  	v3 =	vand.u32 $0x7, v3  }
0x167: {  	v3 =	vor.u32 v3, v4  }
0x168: {  	v4 =	vperm.xlane v3, v0;
	_ =	sdelay $0x1  }
0x169: {  	v4 =	vadd.s32 v1, v4;
	_ =	sdelay $0x3  }
0x16a: {  	s0 =	simm.s32 $0xF100;
	v3 =	vperm.xlane v3, v2  }
0x16b: {  	[tilespmem:s0], [sflag:$0x1] =	stream.indirect_vreg.gather [hbm4b:s2+s3], $0x80, v4, vm0, $0xb8;
	[tilespmem:$0x12100] =	vst v63  }
0x16c: {  	s21 =	simm.s32 $0xF900;
	v3 =	vadd.s32 v1, v3  }
0x16d: {  	[tilespmem:s21], [sflag:$0x1] =	stream.indirect_vreg.gather [hbm4b:s5+s3], $0x80, v4, vm0, $0xb8;
	[tilespmem:$0x12100] =	vst v63  }
0x16e: {  	s0 =	simm.s32 $0x10100  }
0x16f: {  	[tilespmem:s0], [sflag:$0x1] =	stream.indirect_vreg.gather [hbm4b:s6+s3], $0x80, v4, vm0, $0xb8;
	[tilespmem:$0x12100] =	vst v63  }
0x170: {  	s0 =	simm.s32 $0x10900  }
0x171: {  	[tilespmem:s0], [sflag:$0x1] =	stream.indirect_vreg.gather [hbm4b:s2+s3], $0x80, v3, vm0, $0xb8;
	[tilespmem:$0x12100] =	vst v63  }
0x172: {  	s0 =	simm.s32 $0x11100  }
0x173: {  	[tilespmem:s0], [sflag:$0x1] =	stream.indirect_vreg.gather [hbm4b:s5+s3], $0x80, v3, vm0, $0xb8;
	[tilespmem:$0x12100] =	vst v63  }
0x174: {  	s0 =	simm.s32 $0x11900  }
0x175: {  	[tilespmem:s0], [sflag:$0x1] =	stream.indirect_vreg.gather [hbm4b:s6+s3], $0x80, v3, vm0, $0xb8;
	[tilespmem:$0x12100] =	vst v63  }
0x176: {  	_ =	swait.ge [sflag:s25], $0x12000  }
0x177: {  	[sflag:s25] =	ssyncset.done $0x0  }
0x178: {  	s0 =	simm.s32 $0x80;
	s26 =	rddreg [dreg:$0x6];
	[sflag:s25] =	ssyncadd.s32 $0xFFFEE000  }
0x179: {  	[tilespmem:s0], [sflag:$0x2] =	stream.linear.gather [hbm4b:s26+s3], $0x60, $0x38;
	[tilespmem:$0x12100] =	vst v63  }
0x17a: {  	_ =	swait.ge [sflag:s10], $0x60  }
0x17b: {  	[sflag:s10] =	ssyncset.done $0x0  }
0x17c: {  	[sflag:s10] =	ssyncadd.s32 $0xFFFFFFA0  }
0x17d: {  	v3 =	vld [tilespmem:$0x80];
	_ =	sdelay $0x4  }
0x17e: {  	v58 =	vshrl.u32 v3, $0x3  }
0x17f: {  	v4 =	vmul.u32 $0x30, v58  }
0x180: {  	v3 =	vand.u32 $0x7, v3  }
0x181: {  	v3 =	vor.u32 v3, v4  }
0x182: {  	v4 =	vperm.xlane v3, v0;
	_ =	sdelay $0x1  }
0x183: {  	v4 =	vadd.s32 v1, v4;
	_ =	sdelay $0x3  }
0x184: {  	s26 =	simm.s32 $0x100;
	v3 =	vperm.xlane v3, v2  }
0x185: {  	[hbm4b:s4+s3] =	stream.indirect_vreg.scatter [tilespmem:s26], [sflag:$0x1], $0x80, v4, vm0, $0xb8;
	[tilespmem:$0x12100] =	vst v63  }
0x186: {  	v3 =	vadd.s32 v1, v3;
	s26 =	simm.s32 $0x900  }
0x187: {  	[hbm4b:s7+s3] =	stream.indirect_vreg.scatter [tilespmem:s26], [sflag:$0x1], $0x80, v4, vm0, $0xb8;
	[tilespmem:$0x12100] =	vst v63  }
0x188: {  	s26 =	simm.s32 $0x1100  }
0x189: {  	[hbm4b:s8+s3] =	stream.indirect_vreg.scatter [tilespmem:s26], [sflag:$0x1], $0x80, v4, vm0, $0xb8;
	[tilespmem:$0x12100] =	vst v63  }
0x18a: {  	s22 =	simm.s32 $0x1900  }
0x18b: {  	[hbm4b:s4+s3] =	stream.indirect_vreg.scatter [tilespmem:s22], [sflag:$0x1], $0x80, v3, vm0, $0xb8;
	[tilespmem:$0x12100] =	vst v63  }
0x18c: {  	s26 =	simm.s32 $0x2100  }
0x18d: {  	[hbm4b:s7+s3] =	stream.indirect_vreg.scatter [tilespmem:s26], [sflag:$0x1], $0x80, v3, vm0, $0xb8;
	[tilespmem:$0x12100] =	vst v63  }
0x18e: {  	s22 =	simm.s32 $0x2900  }
0x18f: {  	[hbm4b:s8+s3] =	stream.indirect_vreg.scatter [tilespmem:s22], [sflag:$0x1], $0x80, v3, vm0, $0xb8;
	[tilespmem:$0x12100] =	vst v63  }
0x190: {  	v3 =	vld [tilespmem:$0x90];
	_ =	sdelay $0x4  }
0x191: {  	v59 =	vshrl.u32 v3, $0x3  }
0x192: {  	v4 =	vmul.u32 $0x30, v59  }
0x193: {  	v3 =	vand.u32 $0x7, v3  }
0x194: {  	v3 =	vor.u32 v3, v4  }
0x195: {  	v4 =	vperm.xlane v3, v0;
	_ =	sdelay $0x1  }
0x196: {  	v4 =	vadd.s32 v1, v4;
	_ =	sdelay $0x3  }
0x197: {  	s26 =	simm.s32 $0x3100;
	v3 =	vperm.xlane v3, v2  }
0x198: {  	[hbm4b:s4+s3] =	stream.indirect_vreg.scatter [tilespmem:s26], [sflag:$0x1], $0x80, v4, vm0, $0xb8;
	[tilespmem:$0x12100] =	vst v63  }
0x199: {  	s1 =	simm.s32 $0x3900;
	v3 =	vadd.s32 v1, v3  }
0x19a: {  	[hbm4b:s7+s3] =	stream.indirect_vreg.scatter [tilespmem:s1], [sflag:$0x1], $0x80, v4, vm0, $0xb8;
	[tilespmem:$0x12100] =	vst v63  }
0x19b: {  	s11 =	simm.s32 $0x4100  }
0x19c: {  	[hbm4b:s8+s3] =	stream.indirect_vreg.scatter [tilespmem:s11], [sflag:$0x1], $0x80, v4, vm0, $0xb8;
	[tilespmem:$0x12100] =	vst v63  }
0x19d: {  	s12 =	simm.s32 $0x4900  }
0x19e: {  	[hbm4b:s4+s3] =	stream.indirect_vreg.scatter [tilespmem:s12], [sflag:$0x1], $0x80, v3, vm0, $0xb8;
	[tilespmem:$0x12100] =	vst v63  }
0x19f: {  	s13 =	simm.s32 $0x5100  }
0x1a0: {  	[hbm4b:s7+s3] =	stream.indirect_vreg.scatter [tilespmem:s13], [sflag:$0x1], $0x80, v3, vm0, $0xb8;
	[tilespmem:$0x12100] =	vst v63  }
0x1a1: {  	s12 =	simm.s32 $0x5900  }
0x1a2: {  	[hbm4b:s8+s3] =	stream.indirect_vreg.scatter [tilespmem:s12], [sflag:$0x1], $0x80, v3, vm0, $0xb8;
	[tilespmem:$0x12100] =	vst v63  }
0x1a3: {  	v3 =	vld [tilespmem:$0xA0];
	_ =	sdelay $0x4  }
0x1a4: {  	v60 =	vshrl.u32 v3, $0x3  }
0x1a5: {  	v4 =	vmul.u32 $0x30, v60  }
0x1a6: {  	v3 =	vand.u32 $0x7, v3  }
0x1a7: {  	v3 =	vor.u32 v3, v4  }
0x1a8: {  	v4 =	vperm.xlane v3, v0;
	_ =	sdelay $0x1  }
0x1a9: {  	v4 =	vadd.s32 v1, v4;
	_ =	sdelay $0x3  }
0x1aa: {  	s13 =	simm.s32 $0x6100;
	v3 =	vperm.xlane v3, v2  }
0x1ab: {  	[hbm4b:s4+s3] =	stream.indirect_vreg.scatter [tilespmem:s13], [sflag:$0x1], $0x80, v4, vm0, $0xb8;
	[tilespmem:$0x12100] =	vst v63  }
0x1ac: {  	s14 =	simm.s32 $0x6900;
	v3 =	vadd.s32 v1, v3  }
0x1ad: {  	[hbm4b:s7+s3] =	stream.indirect_vreg.scatter [tilespmem:s14], [sflag:$0x1], $0x80, v4, vm0, $0xb8;
	[tilespmem:$0x12100] =	vst v63  }
0x1ae: {  	s15 =	simm.s32 $0x7100  }
0x1af: {  	[hbm4b:s8+s3] =	stream.indirect_vreg.scatter [tilespmem:s15], [sflag:$0x1], $0x80, v4, vm0, $0xb8;
	[tilespmem:$0x12100] =	vst v63  }
0x1b0: {  	s16 =	simm.s32 $0x7900  }
0x1b1: {  	[hbm4b:s4+s3] =	stream.indirect_vreg.scatter [tilespmem:s16], [sflag:$0x1], $0x80, v3, vm0, $0xb8;
	[tilespmem:$0x12100] =	vst v63  }
0x1b2: {  	s17 =	simm.s32 $0x8100  }
0x1b3: {  	[hbm4b:s7+s3] =	stream.indirect_vreg.scatter [tilespmem:s17], [sflag:$0x1], $0x80, v3, vm0, $0xb8;
	[tilespmem:$0x12100] =	vst v63  }
0x1b4: {  	s18 =	simm.s32 $0x8900  }
0x1b5: {  	[hbm4b:s8+s3] =	stream.indirect_vreg.scatter [tilespmem:s18], [sflag:$0x1], $0x80, v3, vm0, $0xb8;
	[tilespmem:$0x12100] =	vst v63  }
0x1b6: {  	v3 =	vld [tilespmem:$0xB0];
	_ =	sdelay $0x4  }
0x1b7: {  	v61 =	vshrl.u32 v3, $0x3  }
0x1b8: {  	v4 =	vmul.u32 $0x30, v61  }
0x1b9: {  	v3 =	vand.u32 $0x7, v3  }
0x1ba: {  	v3 =	vor.u32 v3, v4  }
0x1bb: {  	v4 =	vperm.xlane v3, v0;
	_ =	sdelay $0x1  }
0x1bc: {  	v4 =	vadd.s32 v1, v4;
	_ =	sdelay $0x3  }
0x1bd: {  	s19 =	simm.s32 $0x9100;
	v3 =	vperm.xlane v3, v2  }
0x1be: {  	[hbm4b:s4+s3] =	stream.indirect_vreg.scatter [tilespmem:s19], [sflag:$0x1], $0x80, v4, vm0, $0xb8;
	[tilespmem:$0x12100] =	vst v63  }
0x1bf: {  	v3 =	vadd.s32 v1, v3;
	s19 =	simm.s32 $0x9900  }
0x1c0: {  	[hbm4b:s7+s3] =	stream.indirect_vreg.scatter [tilespmem:s19], [sflag:$0x1], $0x80, v4, vm0, $0xb8;
	[tilespmem:$0x12100] =	vst v63  }
0x1c1: {  	s20 =	simm.s32 $0xA100  }
0x1c2: {  	[hbm4b:s8+s3] =	stream.indirect_vreg.scatter [tilespmem:s20], [sflag:$0x1], $0x80, v4, vm0, $0xb8;
	[tilespmem:$0x12100] =	vst v63  }
0x1c3: {  	s28 =	simm.s32 $0xA900  }
0x1c4: {  	[hbm4b:s4+s3] =	stream.indirect_vreg.scatter [tilespmem:s28], [sflag:$0x1], $0x80, v3, vm0, $0xb8;
	[tilespmem:$0x12100] =	vst v63  }
0x1c5: {  	s29 =	simm.s32 $0xB100  }
0x1c6: {  	[hbm4b:s7+s3] =	stream.indirect_vreg.scatter [tilespmem:s29], [sflag:$0x1], $0x80, v3, vm0, $0xb8;
	[tilespmem:$0x12100] =	vst v63  }
0x1c7: {  	s20 =	simm.s32 $0xB900  }
0x1c8: {  	[hbm4b:s8+s3] =	stream.indirect_vreg.scatter [tilespmem:s20], [sflag:$0x1], $0x80, v3, vm0, $0xb8;
	[tilespmem:$0x12100] =	vst v63  }
0x1c9: {  	v3 =	vld [tilespmem:$0xC0];
	_ =	sdelay $0x4  }
0x1ca: {  	v62 =	vshrl.u32 v3, $0x3  }
0x1cb: {  	v4 =	vmul.u32 $0x30, v62  }
0x1cc: {  	v3 =	vand.u32 $0x7, v3  }
0x1cd: {  	v3 =	vor.u32 v3, v4  }
0x1ce: {  	v4 =	vperm.xlane v3, v0;
	_ =	sdelay $0x1  }
0x1cf: {  	v4 =	vadd.s32 v1, v4;
	_ =	sdelay $0x3  }
0x1d0: {  	s22 =	simm.s32 $0xC100;
	v3 =	vperm.xlane v3, v2  }
0x1d1: {  	[hbm4b:s4+s3] =	stream.indirect_vreg.scatter [tilespmem:s22], [sflag:$0x1], $0x80, v4, vm0, $0xb8;
	[tilespmem:$0x12100] =	vst v63  }
0x1d2: {  	s30 =	simm.s32 $0xC900;
	v3 =	vadd.s32 v1, v3  }
0x1d3: {  	[hbm4b:s7+s3] =	stream.indirect_vreg.scatter [tilespmem:s30], [sflag:$0x1], $0x80, v4, vm0, $0xb8;
	[tilespmem:$0x12100] =	vst v63  }
0x1d4: {  	s23 =	simm.s32 $0xD100  }
0x1d5: {  	[hbm4b:s8+s3] =	stream.indirect_vreg.scatter [tilespmem:s23], [sflag:$0x1], $0x80, v4, vm0, $0xb8;
	[tilespmem:$0x12100] =	vst v63  }
0x1d6: {  	s24 =	simm.s32 $0xD900  }
0x1d7: {  	[hbm4b:s4+s3] =	stream.indirect_vreg.scatter [tilespmem:s24], [sflag:$0x1], $0x80, v3, vm0, $0xb8;
	[tilespmem:$0x12100] =	vst v63  }
0x1d8: {  	s31 =	simm.s32 $0xE100  }
0x1d9: {  	[hbm4b:s7+s3] =	stream.indirect_vreg.scatter [tilespmem:s31], [sflag:$0x1], $0x80, v3, vm0, $0xb8;
	[tilespmem:$0x12100] =	vst v63  }
0x1da: {  	s24 =	simm.s32 $0xE900  }
0x1db: {  	[hbm4b:s8+s3] =	stream.indirect_vreg.scatter [tilespmem:s24], [sflag:$0x1], $0x80, v3, vm0, $0xb8;
	[tilespmem:$0x12100] =	vst v63  }
0x1dc: {  	v3 =	vld [tilespmem:$0xD0];
	_ =	sdelay $0x4  }
0x1dd: {  	v63 =	vshrl.u32 v3, $0x3  }
0x1de: {  	v4 =	vmul.u32 $0x30, v63  }
0x1df: {  	v3 =	vand.u32 $0x7, v3  }
0x1e0: {  	v3 =	vor.u32 v3, v4  }
0x1e1: {  	v4 =	vperm.xlane v3, v0;
	_ =	sdelay $0x1  }
0x1e2: {  	v4 =	vadd.s32 v1, v4;
	_ =	sdelay $0x3  }
0x1e3: {  	s26 =	simm.s32 $0xF100;
	v3 =	vperm.xlane v3, v2  }
0x1e4: {  	[hbm4b:s4+s3] =	stream.indirect_vreg.scatter [tilespmem:s26], [sflag:$0x1], $0x80, v4, vm0, $0xb8;
	[tilespmem:$0x12100] =	vst v63  }
0x1e5: {  	s21 =	simm.s32 $0xF900;
	v3 =	vadd.s32 v1, v3  }
0x1e6: {  	[hbm4b:s7+s3] =	stream.indirect_vreg.scatter [tilespmem:s21], [sflag:$0x1], $0x80, v4, vm0, $0xb8;
	[tilespmem:$0x12100] =	vst v63  }
0x1e7: {  	s28 =	simm.s32 $0x10100  }
0x1e8: {  	[hbm4b:s8+s3] =	stream.indirect_vreg.scatter [tilespmem:s28], [sflag:$0x1], $0x80, v4, vm0, $0xb8;
	[tilespmem:$0x12100] =	vst v63  }
0x1e9: {  	s29 =	simm.s32 $0x10900  }
0x1ea: {  	[hbm4b:s4+s3] =	stream.indirect_vreg.scatter [tilespmem:s29], [sflag:$0x1], $0x80, v3, vm0, $0xb8;
	[tilespmem:$0x12100] =	vst v63  }
0x1eb: {  	p0 =	sne.s32 s9, $0x1;
	s30 =	simm.s32 $0x11100  }
0x1ec: {  	[hbm4b:s7+s3] =	stream.indirect_vreg.scatter [tilespmem:s30], [sflag:$0x1], $0x80, v3, vm0, $0xb8;
	[tilespmem:$0x12100] =	vst v63  }
.Ltmp0:
0x1ed: {  	s31 =	simm.s32 $0x11900;
	(pc) =	sbr.rel @p0 .LBB2_1-.Ltmp0, $4  }
0x1ee: {  	[hbm4b:s8+s3] =	stream.indirect_vreg.scatter [tilespmem:s31], [sflag:$0x1], $0x80, v3, vm0, $0xb8;
	[tilespmem:$0x12100] =	vst v63  }
0x1ef: {  	_ =	swait.ge [sflag:s25], $0x12000  }
0x1f0: {  	[sflag:s25] =	ssyncset.done $0x0  }
0x1f1: {  	s9 =	sadd.s32 $0xFFFFFFFF, s9;
	[sflag:s25] =	ssyncadd.s32 $0xFFFEE000  }
0x1f2: {  	_ =	sfence.sel $0x180000  }
0x1f3: {  	[bflag:$0x0] =	sbarrier.arrive $0xFFFF  }
0x1f4: {  	_ =	strace $0x90000047  }
0x1f5: {  	s0 =	stileid.u32;
	[bflag:$0x2] =	sbarrier.arrive $0xFFFF  }
0x1f6: {  	p0 =	sne.s32 s0, $0x0;
	s0 =	rddreg [dreg:$0x2]  }
0x1f7: {  	s0 =	sadd.s32 @!p0 $0x100000, s0  }
0x1f8: {  	[sflag:s0] =	ssyncadd.tile.s32 @!p0 $0x1;
	_ =	shalt  }
.Lfunc_end2:
_tile_overlayer_lowered:
.L_overlay_start_2:
0x1f9: {  	(tag) =	ssettag $0x2  }
0x1fa: {  	s0 =	rddreg [dreg:$0x0];
	s2 =	stileid.u32  }
0x1fb: {  	s1 =	rddreg [dreg:$0x1];
	p0 =	sne.s32 s2, $0x0  }
0x1fc: {  	s3 =	rddreg [dreg:$0x2];
	[bflag:$0x3] =	sbarrier.arrive $0xFFFF;
	s2 =	simm.s32 @!p0 $0x1C02  }
0x1fd: {  	[timem:s3], [sflag:s2] =	dma.local @!p0 [hbm:s0], s1  }
0x1fe: {  	s0 =	simm.s32 @!p0 $0x2  }
0x1ff: {  	_ =	swait.ge @!p0 [sflag:s0], s1  }
0x200: {  	s1 =	ssub.s32 @!p0 $0x0, s1;
	[sflag:s0] =	ssyncset.done @!p0 $0x0  }
0x201: {  	[sflag:s0] =	ssyncadd.s32 @!p0 s1  }
0x202: {  	[bflag:$0x3] =	sbarrier.arrive $0xFFFF  }
0x203: {  	_ =	shalt  }

// kernel: kernel.15.cloned.1.call-start
scs
__scs_entry_jumppad:
0x0: {  	(pc) =	sbr.rel $0x88, $3  }
0x1: {  	(tag) =	ssettag $0x0;
	lr =	simm.s32 $0x1  }
0x2: {  	[smem:$0x3F8E] =	sst lr;
	_ =	strace $0xD0000000  }
0x3: {  	_ = 	snop  }
0x4: {  	_ = 	snop  }
0x5: {  	_ = 	snop  }
0x6: {  	_ = 	snop  }
0x7: {  	_ = 	snop  }
__scs_overlays_trampoline_lowered:
0x8: {  	[smem:$0x3F9D] =	sst s0  }
0x9: {  	[smem:$0x3F9E] =	sst s1  }
0xa: {  	[smem:$0x3F9F] =	sst s2  }
0xb: {  	[smem:$0x3FA0] =	sst s3  }
0xc: {  	[smem:$0x3FA1] =	sst s4  }
0xd: {  	[smem:$0x3FA2] =	sst s5  }
0xe: {  	[smem:$0x3FA3] =	sst s6  }
0xf: {  	[smem:$0x3FA4] =	sst s7  }
0x10: {  	[smem:$0x3FA5] =	sst s8  }
0x11: {  	[smem:$0x3FA6] =	sst s9;
	s0 =	simm.s32 @!p0 $0x0  }
0x12: {  	s1 =	sld [smem:$0x3F8C];
	s0 =	simm.s32 @p0 $0x1  }
0x13: {  	[smem:$0x3FA7] =	sst s0;
	s0 =	simm.s32 @!p1 $0x0  }
0x14: {  	s2 =	sld [smem:$0x3F8B];
	s0 =	simm.s32 @p1 $0x1  }
0x15: {  	[smem:$0x3FA8] =	sst s0;
	s0 =	simm.s32 @!p2 $0x0  }
0x16: {  	s3 =	sld [smem:$0x3FDB];
	s0 =	simm.s32 @p2 $0x1  }
0x17: {  	s4 =	simm.s32 $0x1BF5;
	[smem:$0x3FAA] =	sst s0  }
0x18: {  	s0 =	sld [smem:$0x3F8D];
	_ =	swait.ge [sflag:s4], $0x0  }
0x19: {  	s7 =	sld [smem:$0x3F8E]  }
0x1a: {  	s8 =	sadd.s32 $0xFFFFE003, lr  }
0x1b: {  	s9 =	sadd.s32 $0xFFFFFEF7, lr;
	s5 =	simm.s32 $0xFFFFFFFF;
	p2 =	slt.u32 s8, $0xFFFFF086  }
0x1c: {  	p1 =	slt.u32 s9, $0xF7A;
	s5 =	simm.s32 @!p2 $0x0  }
0x1d: {  	s5 =	simm.s32 @p1 $0x1;
	p0 =	seq.s32 s7, s2  }
0x1e: {  	s7 =	smul.u32 @!p0 $0xF7A, s2;
	p2 =	seq.s32 @!p0 s5, $0x0  }
0x1f: {  	s9 =	smul.u32 $0xF7A, s1;
	s8 =	simm.s32 @!p0 $0x1BF5;
	p2 =	por !p2, p0  }
0x20: {  	[sflag:s8] =	ssyncset.s32 @!p0 $0xFFFFF086;
	s6 =	sadd.s32 @!p0 s3, s7;
	s7 =	simm.s32 @!p0 $0x108  }
0x21: {  	s3 =	sadd.s32 s3, s9;
	s6 =	sadd.s32 @!p0 $0x88, s6;
	s7 =	simm.s32 @p2 $0x1082  }
0x22: {  	[simem:s7], [sflag:s8] =	dma.local @!p0 [hbm:s6], $0xF7A  }
0x23: {  	s9 =	sor.u32 $0xD0000000, s2;
	s6 =	simm.s32 $0x108;
	_ =	swait.ge @!p0 [sflag:s8], $0x0  }
0x24: {  	s3 =	sadd.s32 $0x88, s3;
	s6 =	simm.s32 @!p1 $0x1082;
	[sflag:s4] =	ssyncset.s32 $0xFFFFF086  }
0x25: {  	[simem:s6], [sflag:s4] =	dma.local [hbm:s3], $0xF7A  }
0x26: {  	[smem:$0x3F8E] =	sst s1;
	(tag) =	ssettag s2;
	_ =	strace s9  }
0x27: {  	s1 =	sld [smem:$0x3F9E]  }
0x28: {  	s2 =	sld [smem:$0x3F9F]  }
0x29: {  	s4 =	sld [smem:$0x3FA1]  }
0x2a: {  	p0 =	seq.s32 s5, $0x0;
	s5 =	sld [smem:$0x3FA2]  }
0x2b: {  	s6 =	sld [smem:$0x3FA3]  }
0x2c: {  	s7 =	sld [smem:$0x3FA4]  }
0x2d: {  	s3 =	simm.s32 $0x108;
	s8 =	sld [smem:$0x3FA5]  }
0x2e: {  	s3 =	simm.s32 @!p0 $0x1082;
	s9 =	sld [smem:$0x3FA6]  }
0x2f: {  	lr =	sadd.s32 s0, s3;
	s0 =	sld [smem:$0x3F9D]  }
0x30: {  	s3 =	sld [smem:$0x3FA0]  }
0x31: {  	[smem:$0x3FA9] =	sst s10  }
0x32: {  	s10 =	sld [smem:$0x3FA7];
	_ =	sdelay $0x3  }
0x33: {  	p0 =	seq.s32 s10, $0x1;
	s10 =	sld [smem:$0x3FA9];
	_ =	sdelay $0x3  }
0x34: {  	[smem:$0x3FA9] =	sst s10  }
0x35: {  	s10 =	sld [smem:$0x3FA8];
	_ =	sdelay $0x3  }
0x36: {  	p1 =	seq.s32 s10, $0x1;
	s10 =	sld [smem:$0x3FA9];
	_ =	sdelay $0x3  }
0x37: {  	[smem:$0x3FA9] =	sst s10  }
0x38: {  	s10 =	sld [smem:$0x3FAA]  }
0x39: {  	_ = 	snop;
	(pc) =	sbr.ind lr, $3  }
0x3a: {  	_ = 	snop  }
0x3b: {  	_ = 	snop  }
0x3c: {  	p2 =	seq.s32 s10, $0x1;
	s10 =	sld [smem:$0x3FA9]  }
0x3d: {  	_ =	shalt  }
0x3e: {  	_ =	shalt  }
0x3f: {  	_ =	shalt  }
0x40: {  	_ =	shalt  }
0x41: {  	_ =	shalt  }
0x42: {  	_ =	shalt  }
0x43: {  	_ =	shalt  }
0x44: {  	_ =	shalt  }
0x45: {  	_ =	shalt  }
0x46: {  	_ =	shalt  }
0x47: {  	_ =	shalt  }
0x48: {  	_ =	shalt  }
0x49: {  	_ =	shalt  }
0x4a: {  	_ =	shalt  }
0x4b: {  	_ =	shalt  }
0x4c: {  	_ =	shalt  }
0x4d: {  	_ =	shalt  }
0x4e: {  	_ =	shalt  }
0x4f: {  	_ =	shalt  }
0x50: {  	_ =	shalt  }
0x51: {  	_ =	shalt  }
0x52: {  	_ =	shalt  }
0x53: {  	_ =	shalt  }
0x54: {  	_ =	shalt  }
0x55: {  	_ =	shalt  }
0x56: {  	_ =	shalt  }
0x57: {  	_ =	shalt  }
0x58: {  	_ =	shalt  }
0x59: {  	_ =	shalt  }
0x5a: {  	_ =	shalt  }
0x5b: {  	_ =	shalt  }
0x5c: {  	_ =	shalt  }
0x5d: {  	_ =	shalt  }
0x5e: {  	_ =	shalt  }
0x5f: {  	_ =	shalt  }
0x60: {  	_ =	shalt  }
0x61: {  	_ =	shalt  }
0x62: {  	_ =	shalt  }
0x63: {  	_ =	shalt  }
0x64: {  	_ =	shalt  }
0x65: {  	_ =	shalt  }
0x66: {  	_ =	shalt  }
0x67: {  	_ =	shalt  }
0x68: {  	_ =	shalt  }
0x69: {  	_ =	shalt  }
0x6a: {  	_ =	shalt  }
0x6b: {  	_ =	shalt  }
0x6c: {  	_ =	shalt  }
0x6d: {  	_ =	shalt  }
0x6e: {  	_ =	shalt  }
0x6f: {  	_ =	shalt  }
0x70: {  	_ =	shalt  }
0x71: {  	_ =	shalt  }
0x72: {  	_ =	shalt  }
0x73: {  	_ =	shalt  }
0x74: {  	_ =	shalt  }
0x75: {  	_ =	shalt  }
0x76: {  	_ =	shalt  }
0x77: {  	_ =	shalt  }
0x78: {  	_ =	shalt  }
0x79: {  	_ =	shalt  }
0x7a: {  	_ =	shalt  }
0x7b: {  	_ =	shalt  }
0x7c: {  	_ =	shalt  }
0x7d: {  	_ =	shalt  }
0x7e: {  	_ =	shalt  }
0x7f: {  	_ =	shalt  }
0x80: {  	_ =	shalt  }
0x81: {  	_ =	shalt  }
0x82: {  	_ =	shalt  }
0x83: {  	_ =	shalt  }
0x84: {  	_ =	shalt  }
0x85: {  	_ =	shalt  }
0x86: {  	_ =	shalt  }
0x87: {  	_ =	shalt  }
.Lfunc_end0:
.L_simem_size_0:
called_computation.1_lowered:
.L_overlay_start_0:
0x88: {  	s2 =	sld [smem:$0x3FD9]  }
0x89: {  	s3 =	sld [smem:$0x3FFE];
	_ =	sdelay $0x1  }
0x8a: {  	s1 =	srdreg.scid  }
0x8b: {  	s0 =	sand.u32 $0x1, s1  }
0x8c: {  	s16 =	sshll.u32 s0, $0xA;
	s2 =	sadd.s32 s3, s2  }
0x8d: {  	s2 =	sadd.s32 s2, s16  }
0x8e: {  	[smem:$0x3FB5] =	sst s2  }
0x8f: {  	_ = 	snop  }
0x90: {  	(tm) =	ssettm $0x1  }
0x91: {  	s17 =	sld [smem:$0x3FFB];
	_ =	sdelay $0x3  }
0x92: {  	_ =	strace s17  }
0x93: {  	s2 =	sld [smem:$0x3FFC];
	_ =	sdelay $0x3  }
0x94: {  	_ =	strace s2  }
0x95: {  	s2 =	sld [smem:$0x3FFD];
	_ =	sdelay $0x3  }
0x96: {  	_ =	strace s2  }
0x97: {  	_ =	strace $0x8FFFFFFF  }
0x98: {  	s18 =	sld [smem:$0x3FDB];
	_ =	sdelay $0x1  }
0x99: {  	s19 =	simm.s32 $_scs_section_size  }
0x9a: {  	s4 =	simm.s32 $_size__tile_overlayer_lowered;
	s5 =	simm.s32 $_tile_overlayer_lowered  }
0x9b: {  	s22 =	simm.s32 $0x1BFF;
	s21 =	sshll.u32 s5, $0x1;
	s2 =	sadd.s32 s19, s18  }
0x9c: {  	s6 =	simm.s32 $0x0;
	s20 =	sshll.u32 s4, $0x1;
	s4 =	sadd.s32 s21, s2  }
0x9d: {  	[timem:s6], [sflag:s22] =	dma.local [hbm:s4], s20  }
0x9e: {  	_ =	swait.ge [sflag:s22], s20  }
0x9f: {  	s3 =	ssub.s32 $0x0, s20;
	[sflag:s22] =	ssyncset.done $0x0  }
0xa0: {  	[sflag:s22] =	ssyncadd.s32 s3;
	_ =	sdelay $0x1  }
0xa1: {  	s23 =	simm.s32 $0x1B8B  }
0xa2: {  	_ =	swait.ge [sflag:s23], $0x1  }
0xa3: {  	[sflag:s23] =	ssyncset.done $0x0  }
0xa4: {  	s25 =	simm.s32 $0x1B8E;
	s24 =	sld [smem:$0x3FFE];
	[sflag:s23] =	ssyncadd.s32 $0xFFFFFFFF  }
0xa5: {  	s26 =	simm.s32 $execute0_lowered;
	[smem:$0x3FD2] =	sst s25  }
0xa6: {  	s4 =	sshll.u32 s26, $0x1;
	_ =	strace $0x80000049;
	[dreg:$0x1] =	wrdreg $0xFFFFFFFF  }
0xa7: {  	s28 =	simm.s32 $_size_execute0_lowered;
	s2 =	sadd.s32 s2, s4;
	[dreg:$0x0] =	wrdreg $0x0  }
0xa8: {  	s4 =	sshll.u32 s28, $0x1;
	[dreg:$0x2] =	wrdreg s2  }
0xa9: {  	[dreg:$0x3] =	wrdreg s4  }
0xaa: {  	[dreg:$0x4] =	wrdreg $0xC0  }
0xab: {  	_ =	task [dreg:s6], $0x5FFFF  }
0xac: {  	[dreg:$0x1] =	wrdreg $0xFFFFFFFF  }
0xad: {  	[dreg:$0x0] =	wrdreg $0x60  }
0xae: {  	[dreg:$0x2] =	wrdreg s24  }
0xaf: {  	[dreg:$0x3] =	wrdreg $0x9  }
0xb0: {  	_ =	task.clear_ibuf [dreg:s6], $0x4FFFF;
	_ =	strace $0x90000049  }
0xb1: {  	s29 =	simm.s32 $0x9;
	_ =	strace $0x8000004B  }
0xb2: {  	_ =	swait.ge [sflag:s29], $0x1  }
0xb3: {  	[sflag:s29] =	ssyncadd.s32 $0xFFFFFFFF  }
0xb4: {  	_ =	strace $0x9000004B  }
0xb5: {  	_ =	sfence  }
0xb6: {  	s30 =	sld [smem:$0x0];
	_ =	sdelay $0x2  }
0xb7: {  	s31 =	sshll.u32 s1, $0xD;
	s1 =	sshrl.u32 s1, $0x2  }
0xb8: {  	s3 =	sand.u32 $0x4000, s31;
	s1 =	sadd.s32 s1, s30  }
0xb9: {  	s0 =	sor.u32 s3, s0;
	s1 =	sshll.u32 s1, $0x11  }
0xba: {  	s0 =	sor.u32 s1, s0  }
0xbb: {  	s0 =	sadd.s32 $0x8F2B, s0  }
0xbc: {  	[sflag:s0] =	ssyncadd.remote.s32 $0x1  }
0xbd: {  	_ =	sfence.sel $0xFFFF  }
0xbe: {  	[dreg:$0x0] =	wrdreg $0xFFFFFFFF;
	(pc) =	sbr.abs _section_cstart, $3  }
0xbf: {  	[dreg:$0x1] =	wrdreg $0xFFFFFFFF  }
0xc0: {  	_ =	task.clear_ibuf [dreg:s6], $0x2FFFF;
	_ =	strace $0x9FFFFFFF  }
0xc1: {  	(tm) =	ssettm $0x7FFFFFFF  }
tec
execute0_lowered:
.L_overlay_start_1:
0x0: {  	(tag) =	ssettag $0x1  }
0x1: {  	s0 =	srdreg.scid  }
0x2: {  	s2 =	stileid.u32;
	s5 =	rddreg [dreg:$0x0]  }
0x3: {  	s20 =	simm.s32 $0x1;
	s22 =	simm.s32 $0x880;
	s23 =	simm.s32 $0x1080  }
0x4: {  	s24 =	simm.s32 $0x1880;
	s28 =	simm.s32 $0x3080;
	s29 =	simm.s32 $0x3880  }
0x5: {  	s30 =	simm.s32 $0x4080;
	s31 =	simm.s32 $0x4880;
	s9 =	simm.s32 $0x6080  }
0x6: {  	s10 =	simm.s32 $0x6880;
	s11 =	simm.s32 $0x7080;
	s0 =	sand.u32 $0x1, s0  }
0x7: {  	s12 =	simm.s32 $0x7880;
	s13 =	simm.s32 $0x8080;
	s1 =	sshll.u32 s0, $0x4  }
0x8: {  	s14 =	simm.s32 $0x8880;
	s15 =	simm.s32 $0x9080;
	s1 =	sor.u32 s2, s1  }
0x9: {  	s16 =	simm.s32 $0x9880;
	s17 =	simm.s32 $0xA080;
	s1 =	smul.u32 $0xC0, s1  }
0xa: {  	s18 =	simm.s32 $0xA880;
	s19 =	simm.s32 $0xB080;
	s3 =	sadd.s32 $0x245C00, s5  }
0xb: {  	s0 =	ssub.s32 $0x2, s0;
	s2 =	simm.s32 $0x0;
	s1 =	sshrl.u32 s1, $0x3  }
0xc: {  	s7 =	sshrl.u32 s0, $0x1;
	s4 =	smul.u32 $0x300, s1;
	s1 =	sadd.s32 s1, s5  }
0xd: {  	[smem:$0x7FF] =	sst s2;
	s0 =	ssub.s32 s0, s7;
	s6 =	sadd.s32 $0x3A000, s1  }
0xe: {  	_ =	strace $0x8000004A;
	s1 =	sadd.s32 $0x3A00C, s1;
	[dreg:$0x2] =	wrdreg s6  }
0xf: {  	s7 =	simm.s32 $0x2;
	s4 =	sadd.s32 s4, s5;
	[dreg:$0x4] =	wrdreg s1  }
0x10: {  	v2 =	vlaneseq.u32;
	s6 =	smax.u32 s0, $0x1;
	s25 =	sadd.s32 $0x3A400, s4;
	s26 =	sadd.s32 $0x3C800, s4  }
0x11: {  	vm0 =	vmmov $0xffff;
	v1 =	vshrl.u32 v2, $0x3;
	s4 =	sadd.s32 $0x245D00, s5;
	s5 =	sadd.s32 $0x245E00, s5;
	[dreg:$0x3] =	wrdreg s25  }
0x12: {  	v0 =	vand.u32 $0x7, v2;
	v2 =	vor.u32 $0x8, v2;
	v1 =	vmul.u32 $0x8, v1;
	[dreg:$0x5] =	wrdreg s26;
	s25 =	simm.s32 $0x2080;
	s26 =	simm.s32 $0x2880  }
.LBB2_1:
0x13: {  	s21 =	rddreg [dreg:$0x2]  }
0x14: {  	[tilespmem:s2], [sflag:$0x2] =	stream.linear.gather [hbm4b:s21+s2], $0x60, $0x38;
	[tilespmem:$0x12080] =	vst v63  }
0x15: {  	_ =	swait.ge [sflag:s7], $0x60  }
0x16: {  	[sflag:s7] =	ssyncset.done $0x0  }
0x17: {  	[sflag:s7] =	ssyncadd.s32 $0xFFFFFFA0  }
0x18: {  	v3 =	vld [tilespmem:$0x0];
	_ =	sdelay $0x4  }
0x19: {  	v4 =	vshrl.u32 v3, $0x3  }
0x1a: {  	v4 =	vmul.u32 $0x30, v4  }
0x1b: {  	v3 =	vand.u32 $0x7, v3  }
0x1c: {  	v3 =	vor.u32 v3, v4  }
0x1d: {  	v4 =	vperm.xlane v3, v0;
	_ =	sdelay $0x1  }
0x1e: {  	v4 =	vadd.s32 v1, v4;
	_ =	sdelay $0x3  }
0x1f: {  	s0 =	simm.s32 $0x80;
	v3 =	vperm.xlane v3, v2  }
0x20: {  	[tilespmem:s0], [sflag:$0x1] =	stream.indirect_vreg.gather [hbm4b:s3+s2], $0x80, v4, vm0, $0xb8;
	[tilespmem:$0x12080] =	vst v63  }
0x21: {  	v3 =	vadd.s32 v1, v3  }
0x22: {  	[tilespmem:s22], [sflag:$0x1] =	stream.indirect_vreg.gather [hbm4b:s4+s2], $0x80, v4, vm0, $0xb8;
	[tilespmem:$0x12080] =	vst v63  }
0x23: {  	_ = 	snop  }
0x24: {  	[tilespmem:s23], [sflag:$0x1] =	stream.indirect_vreg.gather [hbm4b:s5+s2], $0x80, v4, vm0, $0xb8;
	[tilespmem:$0x12080] =	vst v63  }
0x25: {  	_ = 	snop  }
0x26: {  	[tilespmem:s24], [sflag:$0x1] =	stream.indirect_vreg.gather [hbm4b:s3+s2], $0x80, v3, vm0, $0xb8;
	[tilespmem:$0x12080] =	vst v63  }
0x27: {  	_ = 	snop  }
0x28: {  	[tilespmem:s25], [sflag:$0x1] =	stream.indirect_vreg.gather [hbm4b:s4+s2], $0x80, v3, vm0, $0xb8;
	[tilespmem:$0x12080] =	vst v63  }
0x29: {  	_ = 	snop  }
0x2a: {  	[tilespmem:s26], [sflag:$0x1] =	stream.indirect_vreg.gather [hbm4b:s5+s2], $0x80, v3, vm0, $0xb8;
	[tilespmem:$0x12080] =	vst v63  }
0x2b: {  	v3 =	vld [tilespmem:$0x10];
	_ =	sdelay $0x4  }
0x2c: {  	v53 =	vshrl.u32 v3, $0x3  }
0x2d: {  	v4 =	vmul.u32 $0x30, v53  }
0x2e: {  	v3 =	vand.u32 $0x7, v3  }
0x2f: {  	v3 =	vor.u32 v3, v4  }
0x30: {  	v4 =	vperm.xlane v3, v0;
	_ =	sdelay $0x1  }
0x31: {  	v4 =	vadd.s32 v1, v4;
	_ =	sdelay $0x3  }
0x32: {  	v3 =	vperm.xlane v3, v2  }
0x33: {  	[tilespmem:s28], [sflag:$0x1] =	stream.indirect_vreg.gather [hbm4b:s3+s2], $0x80, v4, vm0, $0xb8;
	[tilespmem:$0x12080] =	vst v63  }
0x34: {  	v3 =	vadd.s32 v1, v3  }
0x35: {  	[tilespmem:s29], [sflag:$0x1] =	stream.indirect_vreg.gather [hbm4b:s4+s2], $0x80, v4, vm0, $0xb8;
	[tilespmem:$0x12080] =	vst v63  }
0x36: {  	_ = 	snop  }
0x37: {  	[tilespmem:s30], [sflag:$0x1] =	stream.indirect_vreg.gather [hbm4b:s5+s2], $0x80, v4, vm0, $0xb8;
	[tilespmem:$0x12080] =	vst v63  }
0x38: {  	_ = 	snop  }
0x39: {  	[tilespmem:s31], [sflag:$0x1] =	stream.indirect_vreg.gather [hbm4b:s3+s2], $0x80, v3, vm0, $0xb8;
	[tilespmem:$0x12080] =	vst v63  }
0x3a: {  	s1 =	simm.s32 $0x5080  }
0x3b: {  	[tilespmem:s1], [sflag:$0x1] =	stream.indirect_vreg.gather [hbm4b:s4+s2], $0x80, v3, vm0, $0xb8;
	[tilespmem:$0x12080] =	vst v63  }
0x3c: {  	s8 =	simm.s32 $0x5880  }
0x3d: {  	[tilespmem:s8], [sflag:$0x1] =	stream.indirect_vreg.gather [hbm4b:s5+s2], $0x80, v3, vm0, $0xb8;
	[tilespmem:$0x12080] =	vst v63  }
0x3e: {  	v3 =	vld [tilespmem:$0x20];
	_ =	sdelay $0x4  }
0x3f: {  	v54 =	vshrl.u32 v3, $0x3  }
0x40: {  	v4 =	vmul.u32 $0x30, v54  }
0x41: {  	v3 =	vand.u32 $0x7, v3  }
0x42: {  	v3 =	vor.u32 v3, v4  }
0x43: {  	v4 =	vperm.xlane v3, v0;
	_ =	sdelay $0x1  }
0x44: {  	v4 =	vadd.s32 v1, v4;
	_ =	sdelay $0x3  }
0x45: {  	v3 =	vperm.xlane v3, v2  }
0x46: {  	[tilespmem:s9], [sflag:$0x1] =	stream.indirect_vreg.gather [hbm4b:s3+s2], $0x80, v4, vm0, $0xb8;
	[tilespmem:$0x12080] =	vst v63  }
0x47: {  	v3 =	vadd.s32 v1, v3  }
0x48: {  	[tilespmem:s10], [sflag:$0x1] =	stream.indirect_vreg.gather [hbm4b:s4+s2], $0x80, v4, vm0, $0xb8;
	[tilespmem:$0x12080] =	vst v63  }
0x49: {  	_ = 	snop  }
0x4a: {  	[tilespmem:s11], [sflag:$0x1] =	stream.indirect_vreg.gather [hbm4b:s5+s2], $0x80, v4, vm0, $0xb8;
	[tilespmem:$0x12080] =	vst v63  }
0x4b: {  	_ = 	snop  }
0x4c: {  	[tilespmem:s12], [sflag:$0x1] =	stream.indirect_vreg.gather [hbm4b:s3+s2], $0x80, v3, vm0, $0xb8;
	[tilespmem:$0x12080] =	vst v63  }
0x4d: {  	_ = 	snop  }
0x4e: {  	[tilespmem:s13], [sflag:$0x1] =	stream.indirect_vreg.gather [hbm4b:s4+s2], $0x80, v3, vm0, $0xb8;
	[tilespmem:$0x12080] =	vst v63  }
0x4f: {  	_ = 	snop  }
0x50: {  	[tilespmem:s14], [sflag:$0x1] =	stream.indirect_vreg.gather [hbm4b:s5+s2], $0x80, v3, vm0, $0xb8;
	[tilespmem:$0x12080] =	vst v63  }
0x51: {  	v3 =	vld [tilespmem:$0x30];
	_ =	sdelay $0x4  }
0x52: {  	v55 =	vshrl.u32 v3, $0x3  }
0x53: {  	v4 =	vmul.u32 $0x30, v55  }
0x54: {  	v3 =	vand.u32 $0x7, v3  }
0x55: {  	v3 =	vor.u32 v3, v4  }
0x56: {  	v4 =	vperm.xlane v3, v0;
	_ =	sdelay $0x1  }
0x57: {  	v4 =	vadd.s32 v1, v4;
	_ =	sdelay $0x3  }
0x58: {  	v3 =	vperm.xlane v3, v2  }
0x59: {  	[tilespmem:s15], [sflag:$0x1] =	stream.indirect_vreg.gather [hbm4b:s3+s2], $0x80, v4, vm0, $0xb8;
	[tilespmem:$0x12080] =	vst v63  }
0x5a: {  	v3 =	vadd.s32 v1, v3  }
0x5b: {  	[tilespmem:s16], [sflag:$0x1] =	stream.indirect_vreg.gather [hbm4b:s4+s2], $0x80, v4, vm0, $0xb8;
	[tilespmem:$0x12080] =	vst v63  }
0x5c: {  	_ = 	snop  }
0x5d: {  	[tilespmem:s17], [sflag:$0x1] =	stream.indirect_vreg.gather [hbm4b:s5+s2], $0x80, v4, vm0, $0xb8;
	[tilespmem:$0x12080] =	vst v63  }
0x5e: {  	_ = 	snop  }
0x5f: {  	[tilespmem:s18], [sflag:$0x1] =	stream.indirect_vreg.gather [hbm4b:s3+s2], $0x80, v3, vm0, $0xb8;
	[tilespmem:$0x12080] =	vst v63  }
0x60: {  	_ = 	snop  }
0x61: {  	[tilespmem:s19], [sflag:$0x1] =	stream.indirect_vreg.gather [hbm4b:s4+s2], $0x80, v3, vm0, $0xb8;
	[tilespmem:$0x12080] =	vst v63  }
0x62: {  	s8 =	simm.s32 $0xB880  }
0x63: {  	[tilespmem:s8], [sflag:$0x1] =	stream.indirect_vreg.gather [hbm4b:s5+s2], $0x80, v3, vm0, $0xb8;
	[tilespmem:$0x12080] =	vst v63  }
0x64: {  	v3 =	vld [tilespmem:$0x40];
	_ =	sdelay $0x4  }
0x65: {  	v56 =	vshrl.u32 v3, $0x3  }
0x66: {  	v4 =	vmul.u32 $0x30, v56  }
0x67: {  	v3 =	vand.u32 $0x7, v3  }
0x68: {  	v3 =	vor.u32 v3, v4  }
0x69: {  	v4 =	vperm.xlane v3, v0;
	_ =	sdelay $0x1  }
0x6a: {  	v4 =	vadd.s32 v1, v4;
	_ =	sdelay $0x3  }
0x6b: {  	s21 =	simm.s32 $0xC080;
	v3 =	vperm.xlane v3, v2  }
0x6c: {  	[tilespmem:s21], [sflag:$0x1] =	stream.indirect_vreg.gather [hbm4b:s3+s2], $0x80, v4, vm0, $0xb8;
	[tilespmem:$0x12080] =	vst v63  }
0x6d: {  	v3 =	vadd.s32 v1, v3;
	s21 =	simm.s32 $0xC880  }
0x6e: {  	[tilespmem:s21], [sflag:$0x1] =	stream.indirect_vreg.gather [hbm4b:s4+s2], $0x80, v4, vm0, $0xb8;
	[tilespmem:$0x12080] =	vst v63  }
0x6f: {  	s21 =	simm.s32 $0xD080  }
0x70: {  	[tilespmem:s21], [sflag:$0x1] =	stream.indirect_vreg.gather [hbm4b:s5+s2], $0x80, v4, vm0, $0xb8;
	[tilespmem:$0x12080] =	vst v63  }
0x71: {  	s21 =	simm.s32 $0xD880  }
0x72: {  	[tilespmem:s21], [sflag:$0x1] =	stream.indirect_vreg.gather [hbm4b:s3+s2], $0x80, v3, vm0, $0xb8;
	[tilespmem:$0x12080] =	vst v63  }
0x73: {  	s21 =	simm.s32 $0xE080  }
0x74: {  	[tilespmem:s21], [sflag:$0x1] =	stream.indirect_vreg.gather [hbm4b:s4+s2], $0x80, v3, vm0, $0xb8;
	[tilespmem:$0x12080] =	vst v63  }
0x75: {  	s21 =	simm.s32 $0xE880  }
0x76: {  	[tilespmem:s21], [sflag:$0x1] =	stream.indirect_vreg.gather [hbm4b:s5+s2], $0x80, v3, vm0, $0xb8;
	[tilespmem:$0x12080] =	vst v63  }
0x77: {  	v3 =	vld [tilespmem:$0x50];
	_ =	sdelay $0x4  }
0x78: {  	v57 =	vshrl.u32 v3, $0x3  }
0x79: {  	v4 =	vmul.u32 $0x30, v57  }
0x7a: {  	v3 =	vand.u32 $0x7, v3  }
0x7b: {  	v3 =	vor.u32 v3, v4  }
0x7c: {  	v4 =	vperm.xlane v3, v0;
	_ =	sdelay $0x1  }
0x7d: {  	v4 =	vadd.s32 v1, v4;
	_ =	sdelay $0x3  }
0x7e: {  	s21 =	simm.s32 $0xF080;
	v3 =	vperm.xlane v3, v2  }
0x7f: {  	[tilespmem:s21], [sflag:$0x1] =	stream.indirect_vreg.gather [hbm4b:s3+s2], $0x80, v4, vm0, $0xb8;
	[tilespmem:$0x12080] =	vst v63  }
0x80: {  	v3 =	vadd.s32 v1, v3;
	s21 =	simm.s32 $0xF880  }
0x81: {  	[tilespmem:s21], [sflag:$0x1] =	stream.indirect_vreg.gather [hbm4b:s4+s2], $0x80, v4, vm0, $0xb8;
	[tilespmem:$0x12080] =	vst v63  }
0x82: {  	s21 =	simm.s32 $0x10080  }
0x83: {  	[tilespmem:s21], [sflag:$0x1] =	stream.indirect_vreg.gather [hbm4b:s5+s2], $0x80, v4, vm0, $0xb8;
	[tilespmem:$0x12080] =	vst v63  }
0x84: {  	s21 =	simm.s32 $0x10880  }
0x85: {  	[tilespmem:s21], [sflag:$0x1] =	stream.indirect_vreg.gather [hbm4b:s3+s2], $0x80, v3, vm0, $0xb8;
	[tilespmem:$0x12080] =	vst v63  }
0x86: {  	s21 =	simm.s32 $0x11080  }
0x87: {  	[tilespmem:s21], [sflag:$0x1] =	stream.indirect_vreg.gather [hbm4b:s4+s2], $0x80, v3, vm0, $0xb8;
	[tilespmem:$0x12080] =	vst v63  }
0x88: {  	s21 =	simm.s32 $0x11880  }
0x89: {  	[tilespmem:s21], [sflag:$0x1] =	stream.indirect_vreg.gather [hbm4b:s5+s2], $0x80, v3, vm0, $0xb8;
	[tilespmem:$0x12080] =	vst v63  }
0x8a: {  	_ =	swait.ge [sflag:s20], $0x12000  }
0x8b: {  	[sflag:s20] =	ssyncset.done $0x0  }
0x8c: {  	s0 =	simm.s32 $0x80;
	s21 =	rddreg [dreg:$0x3];
	[sflag:s20] =	ssyncadd.s32 $0xFFFEE000  }
0x8d: {  	[hbm4b:s21+s2] =	stream.linear.scatter [tilespmem:s0], [sflag:$0x2], $0x12000, $0x38;
	[tilespmem:$0x12080] =	vst v63  }
0x8e: {  	_ =	swait.ge [sflag:s7], $0x12000  }
0x8f: {  	[sflag:s7] =	ssyncset.done $0x0  }
0x90: {  	s21 =	rddreg [dreg:$0x4];
	[sflag:s7] =	ssyncadd.s32 $0xFFFEE000  }
0x91: {  	[tilespmem:s2], [sflag:$0x2] =	stream.linear.gather [hbm4b:s21+s2], $0x60, $0x38;
	[tilespmem:$0x12080] =	vst v63  }
0x92: {  	_ =	swait.ge [sflag:s7], $0x60  }
0x93: {  	[sflag:s7] =	ssyncset.done $0x0  }
0x94: {  	[sflag:s7] =	ssyncadd.s32 $0xFFFFFFA0  }
0x95: {  	v3 =	vld [tilespmem:$0x0];
	_ =	sdelay $0x4  }
0x96: {  	v58 =	vshrl.u32 v3, $0x3  }
0x97: {  	v4 =	vmul.u32 $0x30, v58  }
0x98: {  	v3 =	vand.u32 $0x7, v3  }
0x99: {  	v3 =	vor.u32 v3, v4  }
0x9a: {  	v4 =	vperm.xlane v3, v0;
	_ =	sdelay $0x1  }
0x9b: {  	v4 =	vadd.s32 v1, v4;
	_ =	sdelay $0x3  }
0x9c: {  	v3 =	vperm.xlane v3, v2  }
0x9d: {  	[tilespmem:s0], [sflag:$0x1] =	stream.indirect_vreg.gather [hbm4b:s3+s2], $0x80, v4, vm0, $0xb8;
	[tilespmem:$0x12080] =	vst v63  }
0x9e: {  	v3 =	vadd.s32 v1, v3  }
0x9f: {  	[tilespmem:s22], [sflag:$0x1] =	stream.indirect_vreg.gather [hbm4b:s4+s2], $0x80, v4, vm0, $0xb8;
	[tilespmem:$0x12080] =	vst v63  }
0xa0: {  	_ = 	snop  }
0xa1: {  	[tilespmem:s23], [sflag:$0x1] =	stream.indirect_vreg.gather [hbm4b:s5+s2], $0x80, v4, vm0, $0xb8;
	[tilespmem:$0x12080] =	vst v63  }
0xa2: {  	_ = 	snop  }
0xa3: {  	[tilespmem:s24], [sflag:$0x1] =	stream.indirect_vreg.gather [hbm4b:s3+s2], $0x80, v3, vm0, $0xb8;
	[tilespmem:$0x12080] =	vst v63  }
0xa4: {  	_ = 	snop  }
0xa5: {  	[tilespmem:s25], [sflag:$0x1] =	stream.indirect_vreg.gather [hbm4b:s4+s2], $0x80, v3, vm0, $0xb8;
	[tilespmem:$0x12080] =	vst v63  }
0xa6: {  	_ = 	snop  }
0xa7: {  	[tilespmem:s26], [sflag:$0x1] =	stream.indirect_vreg.gather [hbm4b:s5+s2], $0x80, v3, vm0, $0xb8;
	[tilespmem:$0x12080] =	vst v63  }
0xa8: {  	v3 =	vld [tilespmem:$0x10];
	_ =	sdelay $0x4  }
0xa9: {  	v59 =	vshrl.u32 v3, $0x3  }
0xaa: {  	v4 =	vmul.u32 $0x30, v59  }
0xab: {  	v3 =	vand.u32 $0x7, v3  }
0xac: {  	v3 =	vor.u32 v3, v4  }
0xad: {  	v4 =	vperm.xlane v3, v0;
	_ =	sdelay $0x1  }
0xae: {  	v4 =	vadd.s32 v1, v4;
	_ =	sdelay $0x3  }
0xaf: {  	v3 =	vperm.xlane v3, v2  }
0xb0: {  	[tilespmem:s28], [sflag:$0x1] =	stream.indirect_vreg.gather [hbm4b:s3+s2], $0x80, v4, vm0, $0xb8;
	[tilespmem:$0x12080] =	vst v63  }
0xb1: {  	v3 =	vadd.s32 v1, v3  }
0xb2: {  	[tilespmem:s29], [sflag:$0x1] =	stream.indirect_vreg.gather [hbm4b:s4+s2], $0x80, v4, vm0, $0xb8;
	[tilespmem:$0x12080] =	vst v63  }
0xb3: {  	_ = 	snop  }
0xb4: {  	[tilespmem:s30], [sflag:$0x1] =	stream.indirect_vreg.gather [hbm4b:s5+s2], $0x80, v4, vm0, $0xb8;
	[tilespmem:$0x12080] =	vst v63  }
0xb5: {  	_ = 	snop  }
0xb6: {  	[tilespmem:s31], [sflag:$0x1] =	stream.indirect_vreg.gather [hbm4b:s3+s2], $0x80, v3, vm0, $0xb8;
	[tilespmem:$0x12080] =	vst v63  }
0xb7: {  	_ = 	snop  }
0xb8: {  	[tilespmem:s1], [sflag:$0x1] =	stream.indirect_vreg.gather [hbm4b:s4+s2], $0x80, v3, vm0, $0xb8;
	[tilespmem:$0x12080] =	vst v63  }
0xb9: {  	s21 =	simm.s32 $0x5880  }
0xba: {  	[tilespmem:s21], [sflag:$0x1] =	stream.indirect_vreg.gather [hbm4b:s5+s2], $0x80, v3, vm0, $0xb8;
	[tilespmem:$0x12080] =	vst v63  }
0xbb: {  	v3 =	vld [tilespmem:$0x20];
	_ =	sdelay $0x4  }
0xbc: {  	v60 =	vshrl.u32 v3, $0x3  }
0xbd: {  	v4 =	vmul.u32 $0x30, v60  }
0xbe: {  	v3 =	vand.u32 $0x7, v3  }
0xbf: {  	v3 =	vor.u32 v3, v4  }
0xc0: {  	v4 =	vperm.xlane v3, v0;
	_ =	sdelay $0x1  }
0xc1: {  	v4 =	vadd.s32 v1, v4;
	_ =	sdelay $0x3  }
0xc2: {  	v3 =	vperm.xlane v3, v2  }
0xc3: {  	[tilespmem:s9], [sflag:$0x1] =	stream.indirect_vreg.gather [hbm4b:s3+s2], $0x80, v4, vm0, $0xb8;
	[tilespmem:$0x12080] =	vst v63  }
0xc4: {  	v3 =	vadd.s32 v1, v3  }
0xc5: {  	[tilespmem:s10], [sflag:$0x1] =	stream.indirect_vreg.gather [hbm4b:s4+s2], $0x80, v4, vm0, $0xb8;
	[tilespmem:$0x12080] =	vst v63  }
0xc6: {  	_ = 	snop  }
0xc7: {  	[tilespmem:s11], [sflag:$0x1] =	stream.indirect_vreg.gather [hbm4b:s5+s2], $0x80, v4, vm0, $0xb8;
	[tilespmem:$0x12080] =	vst v63  }
0xc8: {  	_ = 	snop  }
0xc9: {  	[tilespmem:s12], [sflag:$0x1] =	stream.indirect_vreg.gather [hbm4b:s3+s2], $0x80, v3, vm0, $0xb8;
	[tilespmem:$0x12080] =	vst v63  }
0xca: {  	_ = 	snop  }
0xcb: {  	[tilespmem:s13], [sflag:$0x1] =	stream.indirect_vreg.gather [hbm4b:s4+s2], $0x80, v3, vm0, $0xb8;
	[tilespmem:$0x12080] =	vst v63  }
0xcc: {  	_ = 	snop  }
0xcd: {  	[tilespmem:s14], [sflag:$0x1] =	stream.indirect_vreg.gather [hbm4b:s5+s2], $0x80, v3, vm0, $0xb8;
	[tilespmem:$0x12080] =	vst v63  }
0xce: {  	v3 =	vld [tilespmem:$0x30];
	_ =	sdelay $0x4  }
0xcf: {  	v61 =	vshrl.u32 v3, $0x3  }
0xd0: {  	v4 =	vmul.u32 $0x30, v61  }
0xd1: {  	v3 =	vand.u32 $0x7, v3  }
0xd2: {  	v3 =	vor.u32 v3, v4  }
0xd3: {  	v4 =	vperm.xlane v3, v0;
	_ =	sdelay $0x1  }
0xd4: {  	v4 =	vadd.s32 v1, v4;
	_ =	sdelay $0x3  }
0xd5: {  	v3 =	vperm.xlane v3, v2  }
0xd6: {  	[tilespmem:s15], [sflag:$0x1] =	stream.indirect_vreg.gather [hbm4b:s3+s2], $0x80, v4, vm0, $0xb8;
	[tilespmem:$0x12080] =	vst v63  }
0xd7: {  	v3 =	vadd.s32 v1, v3  }
0xd8: {  	[tilespmem:s16], [sflag:$0x1] =	stream.indirect_vreg.gather [hbm4b:s4+s2], $0x80, v4, vm0, $0xb8;
	[tilespmem:$0x12080] =	vst v63  }
0xd9: {  	_ = 	snop  }
0xda: {  	[tilespmem:s17], [sflag:$0x1] =	stream.indirect_vreg.gather [hbm4b:s5+s2], $0x80, v4, vm0, $0xb8;
	[tilespmem:$0x12080] =	vst v63  }
0xdb: {  	_ = 	snop  }
0xdc: {  	[tilespmem:s18], [sflag:$0x1] =	stream.indirect_vreg.gather [hbm4b:s3+s2], $0x80, v3, vm0, $0xb8;
	[tilespmem:$0x12080] =	vst v63  }
0xdd: {  	_ = 	snop  }
0xde: {  	[tilespmem:s19], [sflag:$0x1] =	stream.indirect_vreg.gather [hbm4b:s4+s2], $0x80, v3, vm0, $0xb8;
	[tilespmem:$0x12080] =	vst v63  }
0xdf: {  	_ = 	snop  }
0xe0: {  	[tilespmem:s8], [sflag:$0x1] =	stream.indirect_vreg.gather [hbm4b:s5+s2], $0x80, v3, vm0, $0xb8;
	[tilespmem:$0x12080] =	vst v63  }
0xe1: {  	v3 =	vld [tilespmem:$0x40];
	_ =	sdelay $0x4  }
0xe2: {  	v62 =	vshrl.u32 v3, $0x3  }
0xe3: {  	v4 =	vmul.u32 $0x30, v62  }
0xe4: {  	v3 =	vand.u32 $0x7, v3  }
0xe5: {  	v3 =	vor.u32 v3, v4  }
0xe6: {  	v4 =	vperm.xlane v3, v0;
	_ =	sdelay $0x1  }
0xe7: {  	v4 =	vadd.s32 v1, v4;
	_ =	sdelay $0x3  }
0xe8: {  	s8 =	simm.s32 $0xC080;
	v3 =	vperm.xlane v3, v2  }
0xe9: {  	[tilespmem:s8], [sflag:$0x1] =	stream.indirect_vreg.gather [hbm4b:s3+s2], $0x80, v4, vm0, $0xb8;
	[tilespmem:$0x12080] =	vst v63  }
0xea: {  	s21 =	simm.s32 $0xC880;
	v3 =	vadd.s32 v1, v3  }
0xeb: {  	[tilespmem:s21], [sflag:$0x1] =	stream.indirect_vreg.gather [hbm4b:s4+s2], $0x80, v4, vm0, $0xb8;
	[tilespmem:$0x12080] =	vst v63  }
0xec: {  	s8 =	simm.s32 $0xD080  }
0xed: {  	[tilespmem:s8], [sflag:$0x1] =	stream.indirect_vreg.gather [hbm4b:s5+s2], $0x80, v4, vm0, $0xb8;
	[tilespmem:$0x12080] =	vst v63  }
0xee: {  	s21 =	simm.s32 $0xD880  }
0xef: {  	[tilespmem:s21], [sflag:$0x1] =	stream.indirect_vreg.gather [hbm4b:s3+s2], $0x80, v3, vm0, $0xb8;
	[tilespmem:$0x12080] =	vst v63  }
0xf0: {  	s8 =	simm.s32 $0xE080  }
0xf1: {  	[tilespmem:s8], [sflag:$0x1] =	stream.indirect_vreg.gather [hbm4b:s4+s2], $0x80, v3, vm0, $0xb8;
	[tilespmem:$0x12080] =	vst v63  }
0xf2: {  	s21 =	simm.s32 $0xE880  }
0xf3: {  	[tilespmem:s21], [sflag:$0x1] =	stream.indirect_vreg.gather [hbm4b:s5+s2], $0x80, v3, vm0, $0xb8;
	[tilespmem:$0x12080] =	vst v63  }
0xf4: {  	v3 =	vld [tilespmem:$0x50];
	_ =	sdelay $0x4  }
0xf5: {  	v63 =	vshrl.u32 v3, $0x3  }
0xf6: {  	v4 =	vmul.u32 $0x30, v63  }
0xf7: {  	v3 =	vand.u32 $0x7, v3  }
0xf8: {  	v3 =	vor.u32 v3, v4  }
0xf9: {  	v4 =	vperm.xlane v3, v0;
	_ =	sdelay $0x1  }
0xfa: {  	v4 =	vadd.s32 v1, v4;
	_ =	sdelay $0x3  }
0xfb: {  	s8 =	simm.s32 $0xF080;
	v3 =	vperm.xlane v3, v2  }
0xfc: {  	[tilespmem:s8], [sflag:$0x1] =	stream.indirect_vreg.gather [hbm4b:s3+s2], $0x80, v4, vm0, $0xb8;
	[tilespmem:$0x12080] =	vst v63  }
0xfd: {  	s21 =	simm.s32 $0xF880;
	v3 =	vadd.s32 v1, v3  }
0xfe: {  	[tilespmem:s21], [sflag:$0x1] =	stream.indirect_vreg.gather [hbm4b:s4+s2], $0x80, v4, vm0, $0xb8;
	[tilespmem:$0x12080] =	vst v63  }
0xff: {  	s8 =	simm.s32 $0x10080  }
0x100: {  	[tilespmem:s8], [sflag:$0x1] =	stream.indirect_vreg.gather [hbm4b:s5+s2], $0x80, v4, vm0, $0xb8;
	[tilespmem:$0x12080] =	vst v63  }
0x101: {  	s21 =	simm.s32 $0x10880  }
0x102: {  	[tilespmem:s21], [sflag:$0x1] =	stream.indirect_vreg.gather [hbm4b:s3+s2], $0x80, v3, vm0, $0xb8;
	[tilespmem:$0x12080] =	vst v63  }
0x103: {  	s8 =	simm.s32 $0x11080  }
0x104: {  	[tilespmem:s8], [sflag:$0x1] =	stream.indirect_vreg.gather [hbm4b:s4+s2], $0x80, v3, vm0, $0xb8;
	[tilespmem:$0x12080] =	vst v63  }
0x105: {  	s21 =	simm.s32 $0x11880  }
0x106: {  	[tilespmem:s21], [sflag:$0x1] =	stream.indirect_vreg.gather [hbm4b:s5+s2], $0x80, v3, vm0, $0xb8;
	[tilespmem:$0x12080] =	vst v63  }
0x107: {  	_ =	swait.ge [sflag:s20], $0x12000  }
0x108: {  	p0 =	sne.s32 s6, $0x1;
	s0 =	simm.s32 $0x80;
	[sflag:s20] =	ssyncset.done $0x0  }
.Ltmp0:
0x109: {  	s8 =	rddreg [dreg:$0x5];
	[sflag:s20] =	ssyncadd.s32 $0xFFFEE000;
	(pc) =	sbr.rel @p0 .LBB2_1-.Ltmp0, $4  }
0x10a: {  	[hbm4b:s8+s2] =	stream.linear.scatter [tilespmem:s0], [sflag:$0x2], $0x12000, $0x38;
	[tilespmem:$0x12080] =	vst v63  }
0x10b: {  	_ =	swait.ge [sflag:s7], $0x12000  }
0x10c: {  	[sflag:s7] =	ssyncset.done $0x0  }
0x10d: {  	s6 =	sadd.s32 $0xFFFFFFFF, s6;
	[sflag:s7] =	ssyncadd.s32 $0xFFFEE000  }
0x10e: {  	_ =	sfence.sel $0x180000  }
0x10f: {  	[bflag:$0x0] =	sbarrier.arrive $0xFFFF  }
0x110: {  	_ =	strace $0x9000004A  }
0x111: {  	s0 =	stileid.u32;
	[bflag:$0x2] =	sbarrier.arrive $0xFFFF  }
0x112: {  	p0 =	sne.s32 s0, $0x0;
	s0 =	rddreg [dreg:$0x1]  }
0x113: {  	s0 =	sadd.s32 @!p0 $0x100000, s0  }
0x114: {  	[sflag:s0] =	ssyncadd.tile.s32 @!p0 $0x1;
	_ =	shalt  }
.Lfunc_end2:
_tile_overlayer_lowered:
.L_overlay_start_2:
0x115: {  	(tag) =	ssettag $0x2  }
0x116: {  	s0 =	rddreg [dreg:$0x0];
	s2 =	stileid.u32  }
0x117: {  	s1 =	rddreg [dreg:$0x1];
	p0 =	sne.s32 s2, $0x0  }
0x118: {  	s3 =	rddreg [dreg:$0x2];
	[bflag:$0x3] =	sbarrier.arrive $0xFFFF;
	s2 =	simm.s32 @!p0 $0x1C02  }
0x119: {  	[timem:s3], [sflag:s2] =	dma.local @!p0 [hbm:s0], s1  }
0x11a: {  	s0 =	simm.s32 @!p0 $0x2  }
0x11b: {  	_ =	swait.ge @!p0 [sflag:s0], s1  }
0x11c: {  	s1 =	ssub.s32 @!p0 $0x0, s1;
	[sflag:s0] =	ssyncset.done @!p0 $0x0  }
0x11d: {  	[sflag:s0] =	ssyncadd.s32 @!p0 s1  }
0x11e: {  	[bflag:$0x3] =	sbarrier.arrive $0xFFFF  }
0x11f: {  	_ =	shalt  }

</sc_bundles>
